<compile_context>
chip_gen: v7x
topology: tpu7x:2x2x1
jax: 0.10.2.dev20260603
libtpu: 0.0.44.dev20260713+nightly
codegen_flags: <defaults>
</compile_context>

<pallas_src>
import functools

import jax
import jax.numpy as jnp
from jax import lax
from jax.experimental import pallas as pl
from jax.experimental.pallas import tpu as pltpu
from jax.experimental.pallas import tpu_sc as plsc

N_CORES = 2
N_TILES = 16


def _chunk_size(per_tile, max_b):
    for b in range(max_b, 3, -4):
        if per_tile % b == 0 and (per_tile // b) % 2 == 0:
            return b
    return None


@functools.lru_cache(maxsize=None)
def _make_sc_aggr(n_in, n, d2, e, with_deg):
    per_tile = e // N_TILES
    B = _chunk_size(per_tile, 100)
    n_chunks = per_tile // B
    rt = n // N_TILES

    mesh = plsc.VectorSubcoreMesh(
        core_axis_name="c", subcore_axis_name="s",
        num_cores=N_CORES, num_subcores=N_TILES)

    out_type = [jax.ShapeDtypeStruct((n, d2), jnp.float32),
                jax.ShapeDtypeStruct((n, d2), jnp.float32)]
    scratch = [
        pltpu.VMEM((2, 2, B), jnp.int32),
        pltpu.VMEM((2, B, d2), jnp.float32),
        pltpu.VMEM_SHARED((n, d2), jnp.float32),
        pltpu.SemaphoreType.DMA,
        pltpu.SemaphoreType.DMA,
        pltpu.SemaphoreType.DMA,
        pltpu.SemaphoreType.DMA,
    ]
    if with_deg:
        out_type.append(jax.ShapeDtypeStruct((n, 16), jnp.float32))
        scratch += [
            pltpu.VMEM((B, 16), jnp.float32),
            pltpu.VMEM_SHARED((n, 16), jnp.float32),
        ]

    def body(h0, h1, edges4, z_acc, z_deg, ones_h,
             sum0, sum1, deg_out, idx_v, rows_v, acc_sh,
             gsem0, gsem1, isem0, isem1,
             ones_v=None, deg_sh=None):
        c = lax.axis_index("c")
        s = lax.axis_index("s")
        sl = pl.ds(s * rt, rt)

        pltpu.sync_copy(z_acc, acc_sh.at[sl])

        if with_deg:
            @pl.when(c == 0)
            def _():
                pltpu.sync_copy(z_deg, deg_sh.at[sl])
                pltpu.sync_copy(ones_h, ones_v)

        plsc.subcore_barrier()

        def run(h_ref, do_deg):
            i0, i1 = idx_v.at[0], idx_v.at[1]
            r0, r1 = rows_v.at[0], rows_v.at[1]

            def scat(i_ref, r_ref):
                pltpu.sync_copy(r_ref, acc_sh.at[i_ref.at[1]], add=True)
                if do_deg:
                    pltpu.sync_copy(ones_v, deg_sh.at[i_ref.at[1]], add=True)

            pltpu.sync_copy(edges4.at[s, 0], i0)
            pltpu.async_copy(h_ref.at[i0.at[0]], r0, gsem0)
            pltpu.async_copy(edges4.at[s, 1], i1, isem1)

            def pair(t, carry):
                j = 2 * t
                pltpu.make_async_copy(edges4.at[s, 0], i1, isem1).wait()
                pltpu.make_async_copy(h_ref.at[i0.at[0]], r0, gsem0).wait()
                pltpu.async_copy(h_ref.at[i1.at[0]], r1, gsem1)
                scat(i0, r0)

                @pl.when(j + 2 < n_chunks)
                def _():
                    pltpu.async_copy(edges4.at[s, j + 2], i0, isem0)

                @pl.when(j + 2 < n_chunks)
                def _():
                    pltpu.make_async_copy(edges4.at[s, 0], i0, isem0).wait()
                    pltpu.async_copy(h_ref.at[i0.at[0]], r0, gsem0)

                pltpu.make_async_copy(h_ref.at[i1.at[0]], r1, gsem1).wait()
                scat(i1, r1)

                @pl.when(j + 3 < n_chunks)
                def _():
                    pltpu.async_copy(edges4.at[s, j + 3], i1, isem1)
                return carry

            lax.fori_loop(0, n_chunks // 2, pair, 0)

        @pl.when(c == 0)
        def _():
            run(h0, with_deg)

        @pl.when(c == 1)
        def _():
            run(h1, False)

        plsc.subcore_barrier()

        @pl.when(c == 0)
        def _():
            pltpu.sync_copy(acc_sh.at[sl], sum0.at[sl])
            if with_deg:
                pltpu.sync_copy(deg_sh.at[sl], deg_out.at[sl])

        @pl.when(c == 1)
        def _():
            pltpu.sync_copy(acc_sh.at[sl], sum1.at[sl])

    if with_deg:
        def body_wd(h0, h1, edges4, z_acc, z_deg, ones_h,
                    sum0, sum1, deg_out,
                    idx_v, rows_v, acc_sh, gsem0, gsem1, isem0, isem1,
                    ones_v, deg_sh):
            body(h0, h1, edges4, z_acc, z_deg, ones_h,
                 sum0, sum1, deg_out, idx_v, rows_v, acc_sh,
                 gsem0, gsem1, isem0, isem1, ones_v=ones_v, deg_sh=deg_sh)
        fn = pl.kernel(body_wd, out_type=tuple(out_type), mesh=mesh,
                       scratch_types=tuple(scratch),
                       compiler_params=pltpu.CompilerParams(
                           use_tc_tiling_on_sc=False))
    else:
        def body_nd(h0, h1, edges4, z_acc, z_deg, ones_h, sum0, sum1,
                    idx_v, rows_v, acc_sh, gsem0, gsem1, isem0, isem1):
            body(h0, h1, edges4, z_acc, z_deg, ones_h,
                 sum0, sum1, None, idx_v, rows_v, acc_sh,
                 gsem0, gsem1, isem0, isem1)
        fn = pl.kernel(body_nd, out_type=tuple(out_type), mesh=mesh,
                       scratch_types=tuple(scratch),
                       compiler_params=pltpu.CompilerParams(
                           use_tc_tiling_on_sc=False))
    return fn, B


def _sc_aggr(h0, h1, src, dst, n_out, z_acc, z_deg, ones_h, with_deg):
    n_in, d2 = h0.shape
    e = src.shape[0]
    fn, B = _make_sc_aggr(n_in, n_out, d2, e, with_deg)
    per_tile = e // N_TILES
    n_chunks = per_tile // B
    edges4 = jnp.stack([src.reshape(N_TILES, n_chunks, B),
                        dst.reshape(N_TILES, n_chunks, B)], axis=2)
    return fn(h0, h1, edges4, z_acc, z_deg, ones_h)


def _bdot(a, w):
    return lax.dot_general(a, w, (((1,), (1,)), ((), ())),
                           preferred_element_type=jnp.float32)


def _tc_layer_body(h0, h1, s0, s1, deg, w1, b1, w2, b2, out0, out1):
    inv = 1.0 / jnp.maximum(deg[:, 0:1], 1.0)
    hprev = jnp.concatenate([h0[...], h1[...]], axis=1)
    aggr = jnp.concatenate([s0[...], s1[...]], axis=1) * inv
    cat = jnp.concatenate([hprev, aggr], axis=1)
    hid = jnp.maximum(_bdot(cat, w1[...]) + b1[...], 0.0)
    out = jnp.maximum(_bdot(hid, w2[...]) + b2[...], 0.0)
    d2 = out.shape[1] // 2
    out0[...] = out[:, :d2]
    out1[...] = out[:, d2:]


@functools.lru_cache(maxsize=None)
def _make_tc_layer(n, d, h_dim, rows):
    d2 = d // 2
    grid = (n // rows,)
    full = lambda shape: pl.BlockSpec(shape, lambda i: (0, 0))
    row_blk = lambda cols: pl.BlockSpec((rows, cols), lambda i: (i, 0))
    return pl.pallas_call(
        _tc_layer_body,
        grid=grid,
        in_specs=[row_blk(d2), row_blk(d2), row_blk(d2), row_blk(d2),
                  row_blk(16),
                  full((h_dim, 2 * d)), full((1, h_dim)),
                  full((d, h_dim)), full((1, d))],
        out_specs=[row_blk(d2), row_blk(d2)],
        out_shape=[jax.ShapeDtypeStruct((n, d2), jnp.float32),
                   jax.ShapeDtypeStruct((n, d2), jnp.float32)],
    )


def _layer2_pool_body(g_num, rows, h0, h1, s0, s1, deg, w1, b1,
                      w2, b2, batch_blk, batch, wh1, bh1, wh2, bh2,
                      out_ref, h2_acc, sum_acc, cnt_acc):
    i = pl.program_id(0)

    @pl.when(i == 0)
    def _():
        sum_acc[...] = jnp.zeros_like(sum_acc)
        cnt_acc[...] = jnp.zeros_like(cnt_acc)

    inv = 1.0 / jnp.maximum(deg[:, 0:1], 1.0)
    hprev = jnp.concatenate([h0[...], h1[...]], axis=1)
    aggr = jnp.concatenate([s0[...], s1[...]], axis=1) * inv
    cat = jnp.concatenate([hprev, aggr], axis=1)
    hid = jnp.maximum(_bdot(cat, w1[...]) + b1[...], 0.0)
    out = jnp.maximum(_bdot(hid, w2[...]) + b2[...], 0.0)
    h2_acc[pl.ds(i * rows, rows), :] = out

    b = batch_blk[...].reshape(1, rows)
    gid = lax.broadcasted_iota(jnp.int32, (g_num, rows), 0)
    m = jnp.where(gid == jnp.broadcast_to(b, (g_num, rows)), 1.0, 0.0)
    sum_acc[...] += jnp.dot(m, out, preferred_element_type=jnp.float32)
    cnt_acc[...] += jnp.broadcast_to(
        jnp.sum(m, axis=1, keepdims=True), cnt_acc.shape)

    @pl.when(i == pl.num_programs(0) - 1)
    def _():
        n = h2_acc.shape[0]
        bf = batch[...]
        gidf = lax.broadcasted_iota(jnp.int32, (g_num, n), 0)
        mf = jnp.where(gidf == jnp.broadcast_to(bf, (g_num, n)), 1.0, 0.0)
        cnt = jnp.maximum(cnt_acc[:, 0:1], 1.0)
        mean = sum_acc[...] / cnt
        mean_pn = lax.dot_general(mf, mean, (((0,), (0,)), ((), ())),
                                  preferred_element_type=jnp.float32)
        diff = h2_acc[...] - mean_pn
        var = jnp.dot(mf, diff * diff,
                      preferred_element_type=jnp.float32) / cnt
        std = jnp.sqrt(jnp.clip(var, 1e-12))
        g = jnp.concatenate([mean, std], axis=1)
        hid2 = jnp.maximum(_bdot(g, wh1[...]) + bh1[...], 0.0)
        out_ref[...] = _bdot(hid2, wh2[...]) + bh2[...]


@functools.lru_cache(maxsize=None)
def _make_layer2_pool(n, d, h_dim, g_num, rows, out_pad):
    d2 = d // 2
    grid = (n // rows,)
    full = lambda shape: pl.BlockSpec(shape, lambda i: (0, 0))
    row_blk = lambda cols: pl.BlockSpec((rows, cols), lambda i: (i, 0))
    return pl.pallas_call(
        functools.partial(_layer2_pool_body, g_num, rows),
        grid=grid,
        in_specs=[row_blk(d2), row_blk(d2), row_blk(d2), row_blk(d2),
                  row_blk(16),
                  full((h_dim, 2 * d)), full((1, h_dim)),
                  full((d, h_dim)), full((1, d)),
                  pl.BlockSpec((1, 1, rows), lambda i: (i, 0, 0)),
                  full((1, n)),
                  full((h_dim, 2 * d)), full((1, h_dim)),
                  full((out_pad, h_dim)), full((1, out_pad))],
        out_specs=pl.BlockSpec((g_num, out_pad), lambda i: (0, 0)),
        out_shape=jax.ShapeDtypeStruct((g_num, out_pad), jnp.float32),
        scratch_shapes=[pltpu.VMEM((n, d), jnp.float32),
                        pltpu.VMEM((g_num, d), jnp.float32),
                        pltpu.VMEM((g_num, 128), jnp.float32)],
    )


def _pool_head_body(g_num, h20, h21, batch, wh1t, bh1, wh2t, bh2,
                    out_ref):
    h2 = jnp.concatenate([h20[...], h21[...]], axis=1)
    n = h2.shape[0]
    b = batch[...]
    gid = lax.broadcasted_iota(jnp.int32, (g_num, n), 0)
    m = jnp.where(gid == jnp.broadcast_to(b, (g_num, n)), 1.0, 0.0)
    cnt = jnp.sum(m, axis=1, keepdims=True)
    inv = 1.0 / jnp.maximum(cnt, 1.0)
    mean = jnp.dot(m, h2, preferred_element_type=jnp.float32) * inv
    mean_pn = lax.dot_general(m, mean, (((0,), (0,)), ((), ())),
                              preferred_element_type=jnp.float32)
    diff = h2 - mean_pn
    var = jnp.dot(m, diff * diff, preferred_element_type=jnp.float32) * inv
    std = jnp.sqrt(jnp.clip(var, 1e-12))
    g = jnp.concatenate([mean, std], axis=1)
    hid = jnp.maximum(
        jnp.dot(g, wh1t[...], preferred_element_type=jnp.float32) + bh1[...],
        0.0)
    out_ref[...] = (jnp.dot(hid, wh2t[...], preferred_element_type=jnp.float32)
                    + bh2[...])


@functools.lru_cache(maxsize=None)
def _make_pool_head(n, d, h_dim, g_num, out_pad):
    return pl.pallas_call(
        functools.partial(_pool_head_body, g_num),
        out_shape=jax.ShapeDtypeStruct((g_num, out_pad), jnp.float32),
    )


def kernel(x, edge_index, batch, W1a, b1a, W2a, b2a, W1b, b1b, W2b, b2b,
           Wh1, bh1, Wh2, bh2):
    n, d = x.shape
    e = edge_index.shape[1]
    h_dim = W1a.shape[0]
    g_num = 64
    d2 = d // 2
    out_pad = 128

    np_ = ((n + 127) // 128) * 128
    rt = np_ // N_TILES

    src, dst = edge_index[0], edge_index[1]
    z_acc = jnp.zeros((rt, d2), jnp.float32)
    z_deg = jnp.zeros((rt, 16), jnp.float32)
    ones_h = jnp.ones((_chunk_size(e // N_TILES, 100), 16), jnp.float32)

    x0, x1 = x[:, :d2], x[:, d2:]
    s0, s1, deg16 = _sc_aggr(x0, x1, src, dst, np_, z_acc, z_deg,
                             ones_h, True)
    rows = next(r for r in range(2048, 7, -8) if n % r == 0)
    layer = _make_tc_layer(n, d, h_dim, rows)
    h1 = layer(x0, x1, s0, s1, deg16,
               W1a, b1a.reshape(1, -1), W2a, b2a.reshape(1, -1))

    t0, t1 = _sc_aggr(h1[0], h1[1], src, dst, np_, z_acc, z_deg, ones_h,
                      False)
    wh2p = jnp.pad(Wh2, ((0, out_pad - Wh2.shape[0]), (0, 0)))
    bh2p = jnp.pad(bh2, (0, out_pad - bh2.shape[0]))
    l2p = _make_layer2_pool(n, d, h_dim, g_num, rows, out_pad)
    out = l2p(h1[0], h1[1], t0, t1, deg16,
              W1b, b1b.reshape(1, -1), W2b, b2b.reshape(1, -1),
              batch.reshape(n // rows, 1, rows), batch.reshape(1, -1),
              Wh1, bh1.reshape(1, -1), wh2p, bh2p.reshape(1, -1))
    return out[:, 0]

# --- scband reference (transcript-rebuilt; emitter-appended) ---
"""Pipeline reference for scband-track-mess-pass-mod-40699110097331 (READ-ONLY COPY).

The authoritative reference and input builder live on the scoring server;
editing this copy changes nothing except your own understanding.
"""

import jax, jax.numpy as jnp
import numpy as np

N = 10000
E = 160000
D = 256   # hit_chr
H = 512   # neurons
G = 64    # num graphs in batch


def _lin_params(key, fan_in, fan_out):
    k1, k2 = jax.random.split(key)
    s = 1.0 / np.sqrt(fan_in)
    W = jax.random.uniform(k1, (fan_out, fan_in), dtype=jnp.float32, minval=-s, maxval=s)
    b = jax.random.uniform(k2, (fan_out,), dtype=jnp.float32, minval=-s, maxval=s)
    return W, b


def setup_inputs(seed: int = 0) -> dict:
    key = jax.random.key(seed)
    ks = jax.random.split(key, 10)
    x = jax.random.normal(ks[0], (N, D), dtype=jnp.float32)
    edge_index = jax.random.randint(ks[1], (2, E), 0, N, dtype=jnp.int32)
    batch = jnp.sort(jax.random.randint(ks[2], (N,), 0, G, dtype=jnp.int32))
    W1a, b1a = _lin_params(ks[3], 2 * D, H)
    W2a, b2a = _lin_params(ks[4], H, D)
    W1b, b1b = _lin_params(ks[5], 2 * D, H)
    W2b, b2b = _lin_params(ks[6], H, D)
    Wh1, bh1 = _lin_params(ks[7], 2 * D, H)
    Wh2, bh2 = _lin_params(ks[8], H, 1)
    return {"x": x, "edge_index": edge_index, "batch": batch,
            "W1a": W1a, "b1a": b1a, "W2a": W2a, "b2a": b2a,
            "W1b": W1b, "b1b": b1b, "W2b": W2b, "b2b": b2b,
            "Wh1": Wh1, "bh1": bh1, "Wh2": Wh2, "bh2": bh2}


def _segment_mean(data, seg, num):
    s = jax.ops.segment_sum(data, seg, num_segments=num)
    c = jax.ops.segment_sum(jnp.ones((data.shape[0], 1), data.dtype), seg, num_segments=num)
    return s / jnp.clip(c, 1.0)


def reference(x, edge_index, batch, W1a, b1a, W2a, b2a, W1b, b1b, W2b, b2b, Wh1, bh1, Wh2, bh2):
    src, dst = edge_index[0], edge_index[1]

    def mp(h, W1, b1, W2, b2):
        msg = jnp.take(h, src, axis=0)                 # gather x_j
        aggr = _segment_mean(msg, dst, N)              # aggr='mean' scatter
        cat = jnp.concatenate([h, aggr], axis=-1)      # update: cat [x, aggr]
        hid = jnp.maximum(cat @ W1.T + b1, 0.0)
        return hid @ W2.T + b2

    h = jnp.maximum(mp(x, W1a, b1a, W2a, b2a), 0.0)
    h = jnp.maximum(mp(h, W1b, b1b, W2b, b2b), 0.0)

    mean = _segment_mean(h, batch, G)                  # global_mean_pool
    diff = h - jnp.take(mean, batch, axis=0)
    var = _segment_mean(diff * diff, batch, G)         # global_std_pool
    std = jnp.sqrt(jnp.clip(var, 1e-12))
    g = jnp.concatenate([mean, std], axis=1)
    out = jnp.maximum(g @ Wh1.T + bh1, 0.0) @ Wh2.T + bh2
    return out.reshape(-1)

if __name__ == "__main__":
    import jax
    _d = setup_inputs()
    print(jax.jit(kernel)(*tuple(_d.values())))

</pallas_src>

<mosaic_0001>
#map = affine_map<(d0, d1) -> (0, 0)>
#map1 = affine_map<(d0, d1) -> (0, 0, 0, 0)>
module attributes {stable_mosaic.version = 14 : i64} {
  func.func @body_wd(%arg0: i32, %arg1: i32, %arg2: memref<10000x128xf32, #tpu.memory_space<hbm>>, %arg3: memref<10000x128xf32, #tpu.memory_space<hbm>>, %arg4: memref<16x100x2x100xi32, #tpu.memory_space<hbm>>, %arg5: memref<632x128xf32, #tpu.memory_space<hbm>>, %arg6: memref<632x16xf32, #tpu.memory_space<hbm>>, %arg7: memref<100x16xf32, #tpu.memory_space<hbm>>, %arg8: memref<10112x128xf32, #tpu.memory_space<hbm>>, %arg9: memref<10112x128xf32, #tpu.memory_space<hbm>>, %arg10: memref<10112x16xf32, #tpu.memory_space<hbm>>, %arg11: memref<2x2x100xi32, #tpu.memory_space<vmem>>, %arg12: memref<2x100x128xf32, #tpu.memory_space<vmem>>, %arg13: memref<10112x128xf32, #tpu.memory_space<vmem_shared>>, %arg14: memref<!tpu.dma_semaphore, #tpu.memory_space<semaphore_mem>>, %arg15: memref<!tpu.dma_semaphore, #tpu.memory_space<semaphore_mem>>, %arg16: memref<!tpu.dma_semaphore, #tpu.memory_space<semaphore_mem>>, %arg17: memref<!tpu.dma_semaphore, #tpu.memory_space<semaphore_mem>>, %arg18: memref<100x16xf32, #tpu.memory_space<vmem>>, %arg19: memref<10112x16xf32, #tpu.memory_space<vmem_shared>>) attributes {dimension_semantics = [#tpu.dimension_semantics<core_parallel>, #tpu.dimension_semantics<subcore_parallel>], iteration_bounds = array<i64: 2, 16>, scalar_prefetch = 0 : i64, scratch_operands = 9 : i64, tpu.core_type = #tpu.core_type<sc_vector_subcore>, window_params = [{transform_indices = #map}, {transform_indices = #map}, {transform_indices = #map1}, {transform_indices = #map}, {transform_indices = #map}, {transform_indices = #map}, {transform_indices = #map}, {transform_indices = #map}, {transform_indices = #map}]} {
    %mul3A = arith.constant 632 : i32
    %mul3A_0 = arith.muli %arg1, %mul3A : i32
    "tpu.region"() ({
      %run_scoped3A = tpu.sem_alloc : memref<!tpu.dma_semaphore, #tpu.memory_space<semaphore_mem>>
      %dma_start3A = arith.constant 0 : i32
      %dma_start3A_24 = tpu.memref_slice %arg13[%mul3A_0, %dma_start3A] : memref<10112x128xf32, #tpu.memory_space<vmem_shared>> -> memref<632x128xf32, #tpu.memory_space<vmem_shared>>
      tpu.enqueue_dma source(%arg5 : memref<632x128xf32, #tpu.memory_space<hbm>>) target(%dma_start3A_24 : memref<632x128xf32, #tpu.memory_space<vmem_shared>>) target_semaphore(%run_scoped3A : memref<!tpu.dma_semaphore, #tpu.memory_space<semaphore_mem>>)
      %dma_wait3A = arith.constant 0 : i32
      %dma_wait3A_25 = tpu.memref_slice %arg13[%mul3A_0, %dma_wait3A] : memref<10112x128xf32, #tpu.memory_space<vmem_shared>> -> memref<632x128xf32, #tpu.memory_space<vmem_shared>>
      tpu.wait_dma2 semaphore(%run_scoped3A : memref<!tpu.dma_semaphore, #tpu.memory_space<semaphore_mem>>) src(%arg5 : memref<632x128xf32, #tpu.memory_space<hbm>>) dst(%dma_wait3A_25 : memref<632x128xf32, #tpu.memory_space<vmem_shared>>)
      tpu.yield
    }) : () -> ()
    %eq3A = arith.constant 0 : i32
    %eq3A_1 = arith.cmpi eq, %arg0, %eq3A : i32
    %convert_element_type3A = arith.extui %eq3A_1 : i1 to i32
    %cond3A = arith.constant 0 : i32
    %cond3A_2 = arith.cmpi ne, %convert_element_type3A, %cond3A : i32
    scf.if %cond3A_2 {
      "tpu.region"() ({
        %run_scoped3A = tpu.sem_alloc : memref<!tpu.dma_semaphore, #tpu.memory_space<semaphore_mem>>
        %dma_start3A = arith.constant 0 : i32
        %dma_start3A_24 = tpu.memref_slice %arg19[%mul3A_0, %dma_start3A] : memref<10112x16xf32, #tpu.memory_space<vmem_shared>> -> memref<632x16xf32, #tpu.memory_space<vmem_shared>>
        tpu.enqueue_dma source(%arg6 : memref<632x16xf32, #tpu.memory_space<hbm>>) target(%dma_start3A_24 : memref<632x16xf32, #tpu.memory_space<vmem_shared>>) target_semaphore(%run_scoped3A : memref<!tpu.dma_semaphore, #tpu.memory_space<semaphore_mem>>)
        %dma_wait3A = arith.constant 0 : i32
        %dma_wait3A_25 = tpu.memref_slice %arg19[%mul3A_0, %dma_wait3A] : memref<10112x16xf32, #tpu.memory_space<vmem_shared>> -> memref<632x16xf32, #tpu.memory_space<vmem_shared>>
        tpu.wait_dma2 semaphore(%run_scoped3A : memref<!tpu.dma_semaphore, #tpu.memory_space<semaphore_mem>>) src(%arg6 : memref<632x16xf32, #tpu.memory_space<hbm>>) dst(%dma_wait3A_25 : memref<632x16xf32, #tpu.memory_space<vmem_shared>>)
        tpu.yield
      }) : () -> ()
      "tpu.region"() ({
        %run_scoped3A = tpu.sem_alloc : memref<!tpu.dma_semaphore, #tpu.memory_space<semaphore_mem>>
        tpu.enqueue_dma source(%arg7 : memref<100x16xf32, #tpu.memory_space<hbm>>) target(%arg18 : memref<100x16xf32, #tpu.memory_space<vmem>>) target_semaphore(%run_scoped3A : memref<!tpu.dma_semaphore, #tpu.memory_space<semaphore_mem>>)
        tpu.wait_dma2 semaphore(%run_scoped3A : memref<!tpu.dma_semaphore, #tpu.memory_space<semaphore_mem>>) src(%arg7 : memref<100x16xf32, #tpu.memory_space<hbm>>) dst(%arg18 : memref<100x16xf32, #tpu.memory_space<vmem>>)
        tpu.yield
      }) : () -> ()
    } else {
    }
    %barrier3A = arith.constant 0 : index
    tpu.barrier barrier_id(%barrier3A)
    %eq3A_3 = arith.constant 0 : i32
    %eq3A_4 = arith.cmpi eq, %arg0, %eq3A_3 : i32
    %convert_element_type3A_5 = arith.extui %eq3A_4 : i1 to i32
    %cond3A_6 = arith.constant 0 : i32
    %cond3A_7 = arith.cmpi ne, %convert_element_type3A_5, %cond3A_6 : i32
    scf.if %cond3A_7 {
      %run_scoped3A = arith.constant 0 : i32
      %run_scoped3A_24 = arith.constant 0 : i32
      "tpu.region"() ({
        %run_scoped3A_68 = tpu.sem_alloc : memref<!tpu.dma_semaphore, #tpu.memory_space<semaphore_mem>>
        %dma_start3A_69 = arith.constant 0 : i32
        %dma_start3A_70 = arith.constant 0 : i32
        %dma_start3A_71 = tpu.memref_slice %arg11[%run_scoped3A_24, %dma_start3A_69, %dma_start3A_70] : memref<2x2x100xi32, #tpu.memory_space<vmem>> -> memref<1x2x100xi32, #tpu.memory_space<vmem>>
        %dma_start3A_72 = tpu.memref_squeeze %dma_start3A_71 : memref<1x2x100xi32, #tpu.memory_space<vmem>> -> memref<2x100xi32, #tpu.memory_space<vmem>>
        %dma_start3A_73 = arith.constant 0 : i32
        %dma_start3A_74 = arith.constant 0 : i32
        %dma_start3A_75 = tpu.memref_slice %arg4[%arg1, %run_scoped3A, %dma_start3A_73, %dma_start3A_74] : memref<16x100x2x100xi32, #tpu.memory_space<hbm>> -> memref<1x1x2x100xi32, #tpu.memory_space<hbm>>
        %dma_start3A_76 = tpu.memref_squeeze %dma_start3A_75 : memref<1x1x2x100xi32, #tpu.memory_space<hbm>> -> memref<2x100xi32, #tpu.memory_space<hbm>>
        %dma_start3A_77 = arith.constant 0 : i32
        %dma_start3A_78 = arith.constant 0 : i32
        %dma_start3A_79 = tpu.memref_slice %arg11[%run_scoped3A_24, %dma_start3A_77, %dma_start3A_78] : memref<2x2x100xi32, #tpu.memory_space<vmem>> -> memref<1x2x100xi32, #tpu.memory_space<vmem>>
        %dma_start3A_80 = tpu.memref_squeeze %dma_start3A_79 : memref<1x2x100xi32, #tpu.memory_space<vmem>> -> memref<2x100xi32, #tpu.memory_space<vmem>>
        %dma_start3A_81 = arith.constant 0 : i32
        %dma_start3A_82 = arith.constant 0 : i32
        %dma_start3A_83 = tpu.memref_slice %arg4[%arg1, %run_scoped3A, %dma_start3A_81, %dma_start3A_82] : memref<16x100x2x100xi32, #tpu.memory_space<hbm>> -> memref<1x1x2x100xi32, #tpu.memory_space<hbm>>
        %dma_start3A_84 = tpu.memref_squeeze %dma_start3A_83 : memref<1x1x2x100xi32, #tpu.memory_space<hbm>> -> memref<2x100xi32, #tpu.memory_space<hbm>>
        tpu.enqueue_dma source(%dma_start3A_84 : memref<2x100xi32, #tpu.memory_space<hbm>>) target(%dma_start3A_80 : memref<2x100xi32, #tpu.memory_space<vmem>>) target_semaphore(%run_scoped3A_68 : memref<!tpu.dma_semaphore, #tpu.memory_space<semaphore_mem>>)
        %dma_wait3A = arith.constant 0 : i32
        %dma_wait3A_85 = arith.constant 0 : i32
        %dma_wait3A_86 = tpu.memref_slice %arg11[%run_scoped3A_24, %dma_wait3A, %dma_wait3A_85] : memref<2x2x100xi32, #tpu.memory_space<vmem>> -> memref<1x2x100xi32, #tpu.memory_space<vmem>>
        %dma_wait3A_87 = tpu.memref_squeeze %dma_wait3A_86 : memref<1x2x100xi32, #tpu.memory_space<vmem>> -> memref<2x100xi32, #tpu.memory_space<vmem>>
        %dma_wait3A_88 = arith.constant 0 : i32
        %dma_wait3A_89 = arith.constant 0 : i32
        %dma_wait3A_90 = tpu.memref_slice %arg4[%arg1, %run_scoped3A, %dma_wait3A_88, %dma_wait3A_89] : memref<16x100x2x100xi32, #tpu.memory_space<hbm>> -> memref<1x1x2x100xi32, #tpu.memory_space<hbm>>
        %dma_wait3A_91 = tpu.memref_squeeze %dma_wait3A_90 : memref<1x1x2x100xi32, #tpu.memory_space<hbm>> -> memref<2x100xi32, #tpu.memory_space<hbm>>
        %dma_wait3A_92 = arith.constant 0 : i32
        %dma_wait3A_93 = arith.constant 0 : i32
        %dma_wait3A_94 = tpu.memref_slice %arg11[%run_scoped3A_24, %dma_wait3A_92, %dma_wait3A_93] : memref<2x2x100xi32, #tpu.memory_space<vmem>> -> memref<1x2x100xi32, #tpu.memory_space<vmem>>
        %dma_wait3A_95 = tpu.memref_squeeze %dma_wait3A_94 : memref<1x2x100xi32, #tpu.memory_space<vmem>> -> memref<2x100xi32, #tpu.memory_space<vmem>>
        %dma_wait3A_96 = arith.constant 0 : i32
        %dma_wait3A_97 = arith.constant 0 : i32
        %dma_wait3A_98 = tpu.memref_slice %arg4[%arg1, %run_scoped3A, %dma_wait3A_96, %dma_wait3A_97] : memref<16x100x2x100xi32, #tpu.memory_space<hbm>> -> memref<1x1x2x100xi32, #tpu.memory_space<hbm>>
        %dma_wait3A_99 = tpu.memref_squeeze %dma_wait3A_98 : memref<1x1x2x100xi32, #tpu.memory_space<hbm>> -> memref<2x100xi32, #tpu.memory_space<hbm>>
        tpu.wait_dma2 semaphore(%run_scoped3A_68 : memref<!tpu.dma_semaphore, #tpu.memory_space<semaphore_mem>>) src(%dma_wait3A_99 : memref<2x100xi32, #tpu.memory_space<hbm>>) dst(%dma_wait3A_95 : memref<2x100xi32, #tpu.memory_space<vmem>>)
        tpu.yield
      }) : () -> ()
      %dma_start3A = arith.constant 0 : i32
      %dma_start3A_25 = arith.constant 0 : i32
      %dma_start3A_26 = arith.constant 0 : i32
      %dma_start3A_27 = arith.constant 0 : i32
      %dma_start3A_28 = arith.constant 0 : i32
      %dma_start3A_29 = tpu.memref_slice %arg12[%dma_start3A_26, %dma_start3A_27, %dma_start3A_28] : memref<2x100x128xf32, #tpu.memory_space<vmem>> -> memref<1x100x128xf32, #tpu.memory_space<vmem>>
      %dma_start3A_30 = tpu.memref_squeeze %dma_start3A_29 : memref<1x100x128xf32, #tpu.memory_space<vmem>> -> memref<100x128xf32, #tpu.memory_space<vmem>>
      %dma_start3A_31 = arith.constant 0 : i32
      %dma_start3A_32 = arith.constant 0 : i32
      %dma_start3A_33 = tpu.memref_slice %arg11[%dma_start3A, %dma_start3A_31, %dma_start3A_32] : memref<2x2x100xi32, #tpu.memory_space<vmem>> -> memref<1x2x100xi32, #tpu.memory_space<vmem>>
      %dma_start3A_34 = tpu.memref_squeeze %dma_start3A_33 : memref<1x2x100xi32, #tpu.memory_space<vmem>> -> memref<2x100xi32, #tpu.memory_space<vmem>>
      %dma_start3A_35 = arith.constant 0 : i32
      %dma_start3A_36 = tpu.memref_slice %dma_start3A_34[%dma_start3A_25, %dma_start3A_35] : memref<2x100xi32, #tpu.memory_space<vmem>> -> memref<1x100xi32, #tpu.memory_space<vmem>>
      %dma_start3A_37 = tpu.memref_squeeze %dma_start3A_36 : memref<1x100xi32, #tpu.memory_space<vmem>> -> memref<100xi32, #tpu.memory_space<vmem>>
      %dma_start3A_38 = arith.constant 0 : i32
      %dma_start3A_39 = arith.constant 0 : i32
      %dma_start3A_40 = tpu.memref_slice %arg2[%dma_start3A_38, %dma_start3A_39] : memref<10000x128xf32, #tpu.memory_space<hbm>> -> memref<10000x128xf32, #tpu.memory_space<hbm>>
      tpu.enqueue_indirect_dma source(%dma_start3A_40 : memref<10000x128xf32, #tpu.memory_space<hbm>>) target(%dma_start3A_30 : memref<100x128xf32, #tpu.memory_space<vmem>>) offsets(%dma_start3A_37 : memref<100xi32, #tpu.memory_space<vmem>>) semaphore(%arg14 : memref<!tpu.dma_semaphore, #tpu.memory_space<semaphore_mem>>)
      %dma_start3A_41 = arith.constant 1 : i32
      %dma_start3A_42 = arith.constant 1 : i32
      %dma_start3A_43 = arith.constant 0 : i32
      %dma_start3A_44 = arith.constant 0 : i32
      %dma_start3A_45 = tpu.memref_slice %arg11[%dma_start3A_42, %dma_start3A_43, %dma_start3A_44] : memref<2x2x100xi32, #tpu.memory_space<vmem>> -> memref<1x2x100xi32, #tpu.memory_space<vmem>>
      %dma_start3A_46 = tpu.memref_squeeze %dma_start3A_45 : memref<1x2x100xi32, #tpu.memory_space<vmem>> -> memref<2x100xi32, #tpu.memory_space<vmem>>
      %dma_start3A_47 = arith.constant 0 : i32
      %dma_start3A_48 = arith.constant 0 : i32
      %dma_start3A_49 = tpu.memref_slice %arg4[%arg1, %dma_start3A_41, %dma_start3A_47, %dma_start3A_48] : memref<16x100x2x100xi32, #tpu.memory_space<hbm>> -> memref<1x1x2x100xi32, #tpu.memory_space<hbm>>
      %dma_start3A_50 = tpu.memref_squeeze %dma_start3A_49 : memref<1x1x2x100xi32, #tpu.memory_space<hbm>> -> memref<2x100xi32, #tpu.memory_space<hbm>>
      %dma_start3A_51 = arith.constant 0 : i32
      %dma_start3A_52 = arith.constant 0 : i32
      %dma_start3A_53 = tpu.memref_slice %arg11[%dma_start3A_42, %dma_start3A_51, %dma_start3A_52] : memref<2x2x100xi32, #tpu.memory_space<vmem>> -> memref<1x2x100xi32, #tpu.memory_space<vmem>>
      %dma_start3A_54 = tpu.memref_squeeze %dma_start3A_53 : memref<1x2x100xi32, #tpu.memory_space<vmem>> -> memref<2x100xi32, #tpu.memory_space<vmem>>
      %dma_start3A_55 = arith.constant 0 : i32
      %dma_start3A_56 = arith.constant 0 : i32
      %dma_start3A_57 = tpu.memref_slice %arg4[%arg1, %dma_start3A_41, %dma_start3A_55, %dma_start3A_56] : memref<16x100x2x100xi32, #tpu.memory_space<hbm>> -> memref<1x1x2x100xi32, #tpu.memory_space<hbm>>
      %dma_start3A_58 = tpu.memref_squeeze %dma_start3A_57 : memref<1x1x2x100xi32, #tpu.memory_space<hbm>> -> memref<2x100xi32, #tpu.memory_space<hbm>>
      tpu.enqueue_dma source(%dma_start3A_58 : memref<2x100xi32, #tpu.memory_space<hbm>>) target(%dma_start3A_54 : memref<2x100xi32, #tpu.memory_space<vmem>>) target_semaphore(%arg17 : memref<!tpu.dma_semaphore, #tpu.memory_space<semaphore_mem>>)
      %scan3A = arith.constant 0 : i32
      %scan3A_59 = arith.constant 1 : i32
      %scan3A_60 = arith.constant 0 : i32
      %scan3A_61 = arith.constant 0 : i32
      %scan3A_62 = arith.constant 1 : i32
      %scan3A_63 = arith.constant 0 : i32
      %scan3A_64 = arith.constant 50 : i32
      %scan3A_65 = arith.addi %scan3A_63, %scan3A_64 : i32
      %scan3A_66 = arith.constant 1 : i32
      scf.for %scan3A_68 = %scan3A_63 to %scan3A_65 step %scan3A_66  : i32 {
        %mul3A_69 = arith.constant 2 : i32
        %mul3A_70 = arith.muli %mul3A_69, %scan3A_68 : i32
        %dma_wait3A = arith.constant 0 : i32
        %dma_wait3A_71 = arith.constant 0 : i32
        %dma_wait3A_72 = arith.constant 0 : i32
        %dma_wait3A_73 = tpu.memref_slice %arg11[%scan3A_59, %dma_wait3A_71, %dma_wait3A_72] : memref<2x2x100xi32, #tpu.memory_space<vmem>> -> memref<1x2x100xi32, #tpu.memory_space<vmem>>
        %dma_wait3A_74 = tpu.memref_squeeze %dma_wait3A_73 : memref<1x2x100xi32, #tpu.memory_space<vmem>> -> memref<2x100xi32, #tpu.memory_space<vmem>>
        %dma_wait3A_75 = arith.constant 0 : i32
        %dma_wait3A_76 = arith.constant 0 : i32
        %dma_wait3A_77 = tpu.memref_slice %arg4[%arg1, %dma_wait3A, %dma_wait3A_75, %dma_wait3A_76] : memref<16x100x2x100xi32, #tpu.memory_space<hbm>> -> memref<1x1x2x100xi32, #tpu.memory_space<hbm>>
        %dma_wait3A_78 = tpu.memref_squeeze %dma_wait3A_77 : memref<1x1x2x100xi32, #tpu.memory_space<hbm>> -> memref<2x100xi32, #tpu.memory_space<hbm>>
        %dma_wait3A_79 = arith.constant 0 : i32
        %dma_wait3A_80 = arith.constant 0 : i32
        %dma_wait3A_81 = tpu.memref_slice %arg11[%scan3A_59, %dma_wait3A_79, %dma_wait3A_80] : memref<2x2x100xi32, #tpu.memory_space<vmem>> -> memref<1x2x100xi32, #tpu.memory_space<vmem>>
        %dma_wait3A_82 = tpu.memref_squeeze %dma_wait3A_81 : memref<1x2x100xi32, #tpu.memory_space<vmem>> -> memref<2x100xi32, #tpu.memory_space<vmem>>
        %dma_wait3A_83 = arith.constant 0 : i32
        %dma_wait3A_84 = arith.constant 0 : i32
        %dma_wait3A_85 = tpu.memref_slice %arg4[%arg1, %dma_wait3A, %dma_wait3A_83, %dma_wait3A_84] : memref<16x100x2x100xi32, #tpu.memory_space<hbm>> -> memref<1x1x2x100xi32, #tpu.memory_space<hbm>>
        %dma_wait3A_86 = tpu.memref_squeeze %dma_wait3A_85 : memref<1x1x2x100xi32, #tpu.memory_space<hbm>> -> memref<2x100xi32, #tpu.memory_space<hbm>>
        tpu.wait_dma2 semaphore(%arg17 : memref<!tpu.dma_semaphore, #tpu.memory_space<semaphore_mem>>) src(%dma_wait3A_86 : memref<2x100xi32, #tpu.memory_space<hbm>>) dst(%dma_wait3A_82 : memref<2x100xi32, #tpu.memory_space<vmem>>)
        %dma_wait3A_87 = arith.constant 0 : i32
        %dma_wait3A_88 = arith.constant 0 : i32
        %dma_wait3A_89 = arith.constant 0 : i32
        %dma_wait3A_90 = tpu.memref_slice %arg12[%scan3A_61, %dma_wait3A_88, %dma_wait3A_89] : memref<2x100x128xf32, #tpu.memory_space<vmem>> -> memref<1x100x128xf32, #tpu.memory_space<vmem>>
        %dma_wait3A_91 = tpu.memref_squeeze %dma_wait3A_90 : memref<1x100x128xf32, #tpu.memory_space<vmem>> -> memref<100x128xf32, #tpu.memory_space<vmem>>
        %dma_wait3A_92 = arith.constant 0 : i32
        %dma_wait3A_93 = arith.constant 0 : i32
        %dma_wait3A_94 = tpu.memref_slice %arg11[%scan3A_60, %dma_wait3A_92, %dma_wait3A_93] : memref<2x2x100xi32, #tpu.memory_space<vmem>> -> memref<1x2x100xi32, #tpu.memory_space<vmem>>
        %dma_wait3A_95 = tpu.memref_squeeze %dma_wait3A_94 : memref<1x2x100xi32, #tpu.memory_space<vmem>> -> memref<2x100xi32, #tpu.memory_space<vmem>>
        %dma_wait3A_96 = arith.constant 0 : i32
        %dma_wait3A_97 = tpu.memref_slice %dma_wait3A_95[%dma_wait3A_87, %dma_wait3A_96] : memref<2x100xi32, #tpu.memory_space<vmem>> -> memref<1x100xi32, #tpu.memory_space<vmem>>
        %dma_wait3A_98 = tpu.memref_squeeze %dma_wait3A_97 : memref<1x100xi32, #tpu.memory_space<vmem>> -> memref<100xi32, #tpu.memory_space<vmem>>
        %dma_wait3A_99 = arith.constant 0 : i32
        %dma_wait3A_100 = arith.constant 0 : i32
        %dma_wait3A_101 = tpu.memref_slice %arg2[%dma_wait3A_99, %dma_wait3A_100] : memref<10000x128xf32, #tpu.memory_space<hbm>> -> memref<10000x128xf32, #tpu.memory_space<hbm>>
        tpu.wait_indirect_dma semaphore(%arg14 : memref<!tpu.dma_semaphore, #tpu.memory_space<semaphore_mem>>) src(%dma_wait3A_101 : memref<10000x128xf32, #tpu.memory_space<hbm>>) dst(%dma_wait3A_91 : memref<100x128xf32, #tpu.memory_space<vmem>>)
        %dma_start3A_102 = arith.constant 0 : i32
        %dma_start3A_103 = arith.constant 0 : i32
        %dma_start3A_104 = arith.constant 0 : i32
        %dma_start3A_105 = tpu.memref_slice %arg12[%scan3A_62, %dma_start3A_103, %dma_start3A_104] : memref<2x100x128xf32, #tpu.memory_space<vmem>> -> memref<1x100x128xf32, #tpu.memory_space<vmem>>
        %dma_start3A_106 = tpu.memref_squeeze %dma_start3A_105 : memref<1x100x128xf32, #tpu.memory_space<vmem>> -> memref<100x128xf32, #tpu.memory_space<vmem>>
        %dma_start3A_107 = arith.constant 0 : i32
        %dma_start3A_108 = arith.constant 0 : i32
        %dma_start3A_109 = tpu.memref_slice %arg11[%scan3A_59, %dma_start3A_107, %dma_start3A_108] : memref<2x2x100xi32, #tpu.memory_space<vmem>> -> memref<1x2x100xi32, #tpu.memory_space<vmem>>
        %dma_start3A_110 = tpu.memref_squeeze %dma_start3A_109 : memref<1x2x100xi32, #tpu.memory_space<vmem>> -> memref<2x100xi32, #tpu.memory_space<vmem>>
        %dma_start3A_111 = arith.constant 0 : i32
        %dma_start3A_112 = tpu.memref_slice %dma_start3A_110[%dma_start3A_102, %dma_start3A_111] : memref<2x100xi32, #tpu.memory_space<vmem>> -> memref<1x100xi32, #tpu.memory_space<vmem>>
        %dma_start3A_113 = tpu.memref_squeeze %dma_start3A_112 : memref<1x100xi32, #tpu.memory_space<vmem>> -> memref<100xi32, #tpu.memory_space<vmem>>
        %dma_start3A_114 = arith.constant 0 : i32
        %dma_start3A_115 = arith.constant 0 : i32
        %dma_start3A_116 = tpu.memref_slice %arg2[%dma_start3A_114, %dma_start3A_115] : memref<10000x128xf32, #tpu.memory_space<hbm>> -> memref<10000x128xf32, #tpu.memory_space<hbm>>
        tpu.enqueue_indirect_dma source(%dma_start3A_116 : memref<10000x128xf32, #tpu.memory_space<hbm>>) target(%dma_start3A_106 : memref<100x128xf32, #tpu.memory_space<vmem>>) offsets(%dma_start3A_113 : memref<100xi32, #tpu.memory_space<vmem>>) semaphore(%arg15 : memref<!tpu.dma_semaphore, #tpu.memory_space<semaphore_mem>>)
        %run_scoped3A_117 = arith.constant 1 : i32
        "tpu.region"() ({
          %run_scoped3A_155 = tpu.sem_alloc : memref<!tpu.dma_semaphore, #tpu.memory_space<semaphore_mem>>
          %dma_start3A_156 = arith.constant 0 : i32
          %dma_start3A_157 = arith.constant 0 : i32
          %dma_start3A_158 = tpu.memref_slice %arg12[%scan3A_61, %dma_start3A_156, %dma_start3A_157] : memref<2x100x128xf32, #tpu.memory_space<vmem>> -> memref<1x100x128xf32, #tpu.memory_space<vmem>>
          %dma_start3A_159 = tpu.memref_squeeze %dma_start3A_158 : memref<1x100x128xf32, #tpu.memory_space<vmem>> -> memref<100x128xf32, #tpu.memory_space<vmem>>
          %dma_start3A_160 = arith.constant 0 : i32
          %dma_start3A_161 = arith.constant 0 : i32
          %dma_start3A_162 = tpu.memref_slice %arg11[%scan3A_60, %dma_start3A_160, %dma_start3A_161] : memref<2x2x100xi32, #tpu.memory_space<vmem>> -> memref<1x2x100xi32, #tpu.memory_space<vmem>>
          %dma_start3A_163 = tpu.memref_squeeze %dma_start3A_162 : memref<1x2x100xi32, #tpu.memory_space<vmem>> -> memref<2x100xi32, #tpu.memory_space<vmem>>
          %dma_start3A_164 = arith.constant 0 : i32
          %dma_start3A_165 = tpu.memref_slice %dma_start3A_163[%run_scoped3A_117, %dma_start3A_164] : memref<2x100xi32, #tpu.memory_space<vmem>> -> memref<1x100xi32, #tpu.memory_space<vmem>>
          %dma_start3A_166 = tpu.memref_squeeze %dma_start3A_165 : memref<1x100xi32, #tpu.memory_space<vmem>> -> memref<100xi32, #tpu.memory_space<vmem>>
          %dma_start3A_167 = arith.constant 0 : i32
          %dma_start3A_168 = arith.constant 0 : i32
          %dma_start3A_169 = tpu.memref_slice %arg13[%dma_start3A_167, %dma_start3A_168] : memref<10112x128xf32, #tpu.memory_space<vmem_shared>> -> memref<10112x128xf32, #tpu.memory_space<vmem_shared>>
          tpu.enqueue_indirect_dma source(%dma_start3A_159 : memref<100x128xf32, #tpu.memory_space<vmem>>) target(%dma_start3A_169 : memref<10112x128xf32, #tpu.memory_space<vmem_shared>>) offsets(%dma_start3A_166 : memref<100xi32, #tpu.memory_space<vmem>>) semaphore(%run_scoped3A_155 : memref<!tpu.dma_semaphore, #tpu.memory_space<semaphore_mem>>) {add = true}
          %dma_wait3A_170 = arith.constant 0 : i32
          %dma_wait3A_171 = arith.constant 0 : i32
          %dma_wait3A_172 = tpu.memref_slice %arg12[%scan3A_61, %dma_wait3A_170, %dma_wait3A_171] : memref<2x100x128xf32, #tpu.memory_space<vmem>> -> memref<1x100x128xf32, #tpu.memory_space<vmem>>
          %dma_wait3A_173 = tpu.memref_squeeze %dma_wait3A_172 : memref<1x100x128xf32, #tpu.memory_space<vmem>> -> memref<100x128xf32, #tpu.memory_space<vmem>>
          %dma_wait3A_174 = arith.constant 0 : i32
          %dma_wait3A_175 = arith.constant 0 : i32
          %dma_wait3A_176 = tpu.memref_slice %arg11[%scan3A_60, %dma_wait3A_174, %dma_wait3A_175] : memref<2x2x100xi32, #tpu.memory_space<vmem>> -> memref<1x2x100xi32, #tpu.memory_space<vmem>>
          %dma_wait3A_177 = tpu.memref_squeeze %dma_wait3A_176 : memref<1x2x100xi32, #tpu.memory_space<vmem>> -> memref<2x100xi32, #tpu.memory_space<vmem>>
          %dma_wait3A_178 = arith.constant 0 : i32
          %dma_wait3A_179 = tpu.memref_slice %dma_wait3A_177[%run_scoped3A_117, %dma_wait3A_178] : memref<2x100xi32, #tpu.memory_space<vmem>> -> memref<1x100xi32, #tpu.memory_space<vmem>>
          %dma_wait3A_180 = tpu.memref_squeeze %dma_wait3A_179 : memref<1x100xi32, #tpu.memory_space<vmem>> -> memref<100xi32, #tpu.memory_space<vmem>>
          %dma_wait3A_181 = arith.constant 0 : i32
          %dma_wait3A_182 = arith.constant 0 : i32
          %dma_wait3A_183 = tpu.memref_slice %arg13[%dma_wait3A_181, %dma_wait3A_182] : memref<10112x128xf32, #tpu.memory_space<vmem_shared>> -> memref<10112x128xf32, #tpu.memory_space<vmem_shared>>
          tpu.wait_indirect_dma semaphore(%run_scoped3A_155 : memref<!tpu.dma_semaphore, #tpu.memory_space<semaphore_mem>>) src(%dma_wait3A_173 : memref<100x128xf32, #tpu.memory_space<vmem>>) dst(%dma_wait3A_183 : memref<10112x128xf32, #tpu.memory_space<vmem_shared>>)
          tpu.yield
        }) : () -> ()
        %run_scoped3A_118 = arith.constant 1 : i32
        "tpu.region"() ({
          %run_scoped3A_155 = tpu.sem_alloc : memref<!tpu.dma_semaphore, #tpu.memory_space<semaphore_mem>>
          %dma_start3A_156 = arith.constant 0 : i32
          %dma_start3A_157 = arith.constant 0 : i32
          %dma_start3A_158 = tpu.memref_slice %arg11[%scan3A_60, %dma_start3A_156, %dma_start3A_157] : memref<2x2x100xi32, #tpu.memory_space<vmem>> -> memref<1x2x100xi32, #tpu.memory_space<vmem>>
          %dma_start3A_159 = tpu.memref_squeeze %dma_start3A_158 : memref<1x2x100xi32, #tpu.memory_space<vmem>> -> memref<2x100xi32, #tpu.memory_space<vmem>>
          %dma_start3A_160 = arith.constant 0 : i32
          %dma_start3A_161 = tpu.memref_slice %dma_start3A_159[%run_scoped3A_118, %dma_start3A_160] : memref<2x100xi32, #tpu.memory_space<vmem>> -> memref<1x100xi32, #tpu.memory_space<vmem>>
          %dma_start3A_162 = tpu.memref_squeeze %dma_start3A_161 : memref<1x100xi32, #tpu.memory_space<vmem>> -> memref<100xi32, #tpu.memory_space<vmem>>
          %dma_start3A_163 = arith.constant 0 : i32
          %dma_start3A_164 = arith.constant 0 : i32
          %dma_start3A_165 = tpu.memref_slice %arg19[%dma_start3A_163, %dma_start3A_164] : memref<10112x16xf32, #tpu.memory_space<vmem_shared>> -> memref<10112x16xf32, #tpu.memory_space<vmem_shared>>
          tpu.enqueue_indirect_dma source(%arg18 : memref<100x16xf32, #tpu.memory_space<vmem>>) target(%dma_start3A_165 : memref<10112x16xf32, #tpu.memory_space<vmem_shared>>) offsets(%dma_start3A_162 : memref<100xi32, #tpu.memory_space<vmem>>) semaphore(%run_scoped3A_155 : memref<!tpu.dma_semaphore, #tpu.memory_space<semaphore_mem>>) {add = true}
          %dma_wait3A_166 = arith.constant 0 : i32
          %dma_wait3A_167 = arith.constant 0 : i32
          %dma_wait3A_168 = tpu.memref_slice %arg11[%scan3A_60, %dma_wait3A_166, %dma_wait3A_167] : memref<2x2x100xi32, #tpu.memory_space<vmem>> -> memref<1x2x100xi32, #tpu.memory_space<vmem>>
          %dma_wait3A_169 = tpu.memref_squeeze %dma_wait3A_168 : memref<1x2x100xi32, #tpu.memory_space<vmem>> -> memref<2x100xi32, #tpu.memory_space<vmem>>
          %dma_wait3A_170 = arith.constant 0 : i32
          %dma_wait3A_171 = tpu.memref_slice %dma_wait3A_169[%run_scoped3A_118, %dma_wait3A_170] : memref<2x100xi32, #tpu.memory_space<vmem>> -> memref<1x100xi32, #tpu.memory_space<vmem>>
          %dma_wait3A_172 = tpu.memref_squeeze %dma_wait3A_171 : memref<1x100xi32, #tpu.memory_space<vmem>> -> memref<100xi32, #tpu.memory_space<vmem>>
          %dma_wait3A_173 = arith.constant 0 : i32
          %dma_wait3A_174 = arith.constant 0 : i32
          %dma_wait3A_175 = tpu.memref_slice %arg19[%dma_wait3A_173, %dma_wait3A_174] : memref<10112x16xf32, #tpu.memory_space<vmem_shared>> -> memref<10112x16xf32, #tpu.memory_space<vmem_shared>>
          tpu.wait_indirect_dma semaphore(%run_scoped3A_155 : memref<!tpu.dma_semaphore, #tpu.memory_space<semaphore_mem>>) src(%arg18 : memref<100x16xf32, #tpu.memory_space<vmem>>) dst(%dma_wait3A_175 : memref<10112x16xf32, #tpu.memory_space<vmem_shared>>)
          tpu.yield
        }) : () -> ()
        %add3A = arith.constant 2 : i32
        %add3A_119 = arith.addi %mul3A_70, %add3A : i32
        %lt3A = arith.constant 100 : i32
        %lt3A_120 = arith.cmpi slt, %add3A_119, %lt3A : i32
        %convert_element_type3A_121 = arith.extui %lt3A_120 : i1 to i32
        %cond3A_122 = arith.constant 0 : i32
        %cond3A_123 = arith.cmpi ne, %convert_element_type3A_121, %cond3A_122 : i32
        scf.if %cond3A_123 {
          %add3A_155 = arith.constant 2 : i32
          %add3A_156 = arith.addi %mul3A_70, %add3A_155 : i32
          %dma_start3A_157 = arith.constant 0 : i32
          %dma_start3A_158 = arith.constant 0 : i32
          %dma_start3A_159 = tpu.memref_slice %arg11[%scan3A_60, %dma_start3A_157, %dma_start3A_158] : memref<2x2x100xi32, #tpu.memory_space<vmem>> -> memref<1x2x100xi32, #tpu.memory_space<vmem>>
          %dma_start3A_160 = tpu.memref_squeeze %dma_start3A_159 : memref<1x2x100xi32, #tpu.memory_space<vmem>> -> memref<2x100xi32, #tpu.memory_space<vmem>>
          %dma_start3A_161 = arith.constant 0 : i32
          %dma_start3A_162 = arith.constant 0 : i32
          %dma_start3A_163 = tpu.memref_slice %arg4[%arg1, %add3A_156, %dma_start3A_161, %dma_start3A_162] : memref<16x100x2x100xi32, #tpu.memory_space<hbm>> -> memref<1x1x2x100xi32, #tpu.memory_space<hbm>>
          %dma_start3A_164 = tpu.memref_squeeze %dma_start3A_163 : memref<1x1x2x100xi32, #tpu.memory_space<hbm>> -> memref<2x100xi32, #tpu.memory_space<hbm>>
          %dma_start3A_165 = arith.constant 0 : i32
          %dma_start3A_166 = arith.constant 0 : i32
          %dma_start3A_167 = tpu.memref_slice %arg11[%scan3A_60, %dma_start3A_165, %dma_start3A_166] : memref<2x2x100xi32, #tpu.memory_space<vmem>> -> memref<1x2x100xi32, #tpu.memory_space<vmem>>
          %dma_start3A_168 = tpu.memref_squeeze %dma_start3A_167 : memref<1x2x100xi32, #tpu.memory_space<vmem>> -> memref<2x100xi32, #tpu.memory_space<vmem>>
          %dma_start3A_169 = arith.constant 0 : i32
          %dma_start3A_170 = arith.constant 0 : i32
          %dma_start3A_171 = tpu.memref_slice %arg4[%arg1, %add3A_156, %dma_start3A_169, %dma_start3A_170] : memref<16x100x2x100xi32, #tpu.memory_space<hbm>> -> memref<1x1x2x100xi32, #tpu.memory_space<hbm>>
          %dma_start3A_172 = tpu.memref_squeeze %dma_start3A_171 : memref<1x1x2x100xi32, #tpu.memory_space<hbm>> -> memref<2x100xi32, #tpu.memory_space<hbm>>
          tpu.enqueue_dma source(%dma_start3A_172 : memref<2x100xi32, #tpu.memory_space<hbm>>) target(%dma_start3A_168 : memref<2x100xi32, #tpu.memory_space<vmem>>) target_semaphore(%arg16 : memref<!tpu.dma_semaphore, #tpu.memory_space<semaphore_mem>>)
        } else {
        }
        %add3A_124 = arith.constant 2 : i32
        %add3A_125 = arith.addi %mul3A_70, %add3A_124 : i32
        %lt3A_126 = arith.constant 100 : i32
        %lt3A_127 = arith.cmpi slt, %add3A_125, %lt3A_126 : i32
        %convert_element_type3A_128 = arith.extui %lt3A_127 : i1 to i32
        %cond3A_129 = arith.constant 0 : i32
        %cond3A_130 = arith.cmpi ne, %convert_element_type3A_128, %cond3A_129 : i32
        scf.if %cond3A_130 {
          %dma_wait3A_155 = arith.constant 0 : i32
          %dma_wait3A_156 = arith.constant 0 : i32
          %dma_wait3A_157 = arith.constant 0 : i32
          %dma_wait3A_158 = tpu.memref_slice %arg11[%scan3A_60, %dma_wait3A_156, %dma_wait3A_157] : memref<2x2x100xi32, #tpu.memory_space<vmem>> -> memref<1x2x100xi32, #tpu.memory_space<vmem>>
          %dma_wait3A_159 = tpu.memref_squeeze %dma_wait3A_158 : memref<1x2x100xi32, #tpu.memory_space<vmem>> -> memref<2x100xi32, #tpu.memory_space<vmem>>
          %dma_wait3A_160 = arith.constant 0 : i32
          %dma_wait3A_161 = arith.constant 0 : i32
          %dma_wait3A_162 = tpu.memref_slice %arg4[%arg1, %dma_wait3A_155, %dma_wait3A_160, %dma_wait3A_161] : memref<16x100x2x100xi32, #tpu.memory_space<hbm>> -> memref<1x1x2x100xi32, #tpu.memory_space<hbm>>
          %dma_wait3A_163 = tpu.memref_squeeze %dma_wait3A_162 : memref<1x1x2x100xi32, #tpu.memory_space<hbm>> -> memref<2x100xi32, #tpu.memory_space<hbm>>
          %dma_wait3A_164 = arith.constant 0 : i32
          %dma_wait3A_165 = arith.constant 0 : i32
          %dma_wait3A_166 = tpu.memref_slice %arg11[%scan3A_60, %dma_wait3A_164, %dma_wait3A_165] : memref<2x2x100xi32, #tpu.memory_space<vmem>> -> memref<1x2x100xi32, #tpu.memory_space<vmem>>
          %dma_wait3A_167 = tpu.memref_squeeze %dma_wait3A_166 : memref<1x2x100xi32, #tpu.memory_space<vmem>> -> memref<2x100xi32, #tpu.memory_space<vmem>>
          %dma_wait3A_168 = arith.constant 0 : i32
          %dma_wait3A_169 = arith.constant 0 : i32
          %dma_wait3A_170 = tpu.memref_slice %arg4[%arg1, %dma_wait3A_155, %dma_wait3A_168, %dma_wait3A_169] : memref<16x100x2x100xi32, #tpu.memory_space<hbm>> -> memref<1x1x2x100xi32, #tpu.memory_space<hbm>>
          %dma_wait3A_171 = tpu.memref_squeeze %dma_wait3A_170 : memref<1x1x2x100xi32, #tpu.memory_space<hbm>> -> memref<2x100xi32, #tpu.memory_space<hbm>>
          tpu.wait_dma2 semaphore(%arg16 : memref<!tpu.dma_semaphore, #tpu.memory_space<semaphore_mem>>) src(%dma_wait3A_171 : memref<2x100xi32, #tpu.memory_space<hbm>>) dst(%dma_wait3A_167 : memref<2x100xi32, #tpu.memory_space<vmem>>)
          %dma_start3A_172 = arith.constant 0 : i32
          %dma_start3A_173 = arith.constant 0 : i32
          %dma_start3A_174 = arith.constant 0 : i32
          %dma_start3A_175 = tpu.memref_slice %arg12[%scan3A_61, %dma_start3A_173, %dma_start3A_174] : memref<2x100x128xf32, #tpu.memory_space<vmem>> -> memref<1x100x128xf32, #tpu.memory_space<vmem>>
          %dma_start3A_176 = tpu.memref_squeeze %dma_start3A_175 : memref<1x100x128xf32, #tpu.memory_space<vmem>> -> memref<100x128xf32, #tpu.memory_space<vmem>>
          %dma_start3A_177 = arith.constant 0 : i32
          %dma_start3A_178 = arith.constant 0 : i32
          %dma_start3A_179 = tpu.memref_slice %arg11[%scan3A_60, %dma_start3A_177, %dma_start3A_178] : memref<2x2x100xi32, #tpu.memory_space<vmem>> -> memref<1x2x100xi32, #tpu.memory_space<vmem>>
          %dma_start3A_180 = tpu.memref_squeeze %dma_start3A_179 : memref<1x2x100xi32, #tpu.memory_space<vmem>> -> memref<2x100xi32, #tpu.memory_space<vmem>>
          %dma_start3A_181 = arith.constant 0 : i32
          %dma_start3A_182 = tpu.memref_slice %dma_start3A_180[%dma_start3A_172, %dma_start3A_181] : memref<2x100xi32, #tpu.memory_space<vmem>> -> memref<1x100xi32, #tpu.memory_space<vmem>>
          %dma_start3A_183 = tpu.memref_squeeze %dma_start3A_182 : memref<1x100xi32, #tpu.memory_space<vmem>> -> memref<100xi32, #tpu.memory_space<vmem>>
          %dma_start3A_184 = arith.constant 0 : i32
          %dma_start3A_185 = arith.constant 0 : i32
          %dma_start3A_186 = tpu.memref_slice %arg2[%dma_start3A_184, %dma_start3A_185] : memref<10000x128xf32, #tpu.memory_space<hbm>> -> memref<10000x128xf32, #tpu.memory_space<hbm>>
          tpu.enqueue_indirect_dma source(%dma_start3A_186 : memref<10000x128xf32, #tpu.memory_space<hbm>>) target(%dma_start3A_176 : memref<100x128xf32, #tpu.memory_space<vmem>>) offsets(%dma_start3A_183 : memref<100xi32, #tpu.memory_space<vmem>>) semaphore(%arg14 : memref<!tpu.dma_semaphore, #tpu.memory_space<semaphore_mem>>)
        } else {
        }
        %dma_wait3A_131 = arith.constant 0 : i32
        %dma_wait3A_132 = arith.constant 0 : i32
        %dma_wait3A_133 = arith.constant 0 : i32
        %dma_wait3A_134 = tpu.memref_slice %arg12[%scan3A_62, %dma_wait3A_132, %dma_wait3A_133] : memref<2x100x128xf32, #tpu.memory_space<vmem>> -> memref<1x100x128xf32, #tpu.memory_space<vmem>>
        %dma_wait3A_135 = tpu.memref_squeeze %dma_wait3A_134 : memref<1x100x128xf32, #tpu.memory_space<vmem>> -> memref<100x128xf32, #tpu.memory_space<vmem>>
        %dma_wait3A_136 = arith.constant 0 : i32
        %dma_wait3A_137 = arith.constant 0 : i32
        %dma_wait3A_138 = tpu.memref_slice %arg11[%scan3A_59, %dma_wait3A_136, %dma_wait3A_137] : memref<2x2x100xi32, #tpu.memory_space<vmem>> -> memref<1x2x100xi32, #tpu.memory_space<vmem>>
        %dma_wait3A_139 = tpu.memref_squeeze %dma_wait3A_138 : memref<1x2x100xi32, #tpu.memory_space<vmem>> -> memref<2x100xi32, #tpu.memory_space<vmem>>
        %dma_wait3A_140 = arith.constant 0 : i32
        %dma_wait3A_141 = tpu.memref_slice %dma_wait3A_139[%dma_wait3A_131, %dma_wait3A_140] : memref<2x100xi32, #tpu.memory_space<vmem>> -> memref<1x100xi32, #tpu.memory_space<vmem>>
        %dma_wait3A_142 = tpu.memref_squeeze %dma_wait3A_141 : memref<1x100xi32, #tpu.memory_space<vmem>> -> memref<100xi32, #tpu.memory_space<vmem>>
        %dma_wait3A_143 = arith.constant 0 : i32
        %dma_wait3A_144 = arith.constant 0 : i32
        %dma_wait3A_145 = tpu.memref_slice %arg2[%dma_wait3A_143, %dma_wait3A_144] : memref<10000x128xf32, #tpu.memory_space<hbm>> -> memref<10000x128xf32, #tpu.memory_space<hbm>>
        tpu.wait_indirect_dma semaphore(%arg15 : memref<!tpu.dma_semaphore, #tpu.memory_space<semaphore_mem>>) src(%dma_wait3A_145 : memref<10000x128xf32, #tpu.memory_space<hbm>>) dst(%dma_wait3A_135 : memref<100x128xf32, #tpu.memory_space<vmem>>)
        %run_scoped3A_146 = arith.constant 1 : i32
        "tpu.region"() ({
          %run_scoped3A_155 = tpu.sem_alloc : memref<!tpu.dma_semaphore, #tpu.memory_space<semaphore_mem>>
          %dma_start3A_156 = arith.constant 0 : i32
          %dma_start3A_157 = arith.constant 0 : i32
          %dma_start3A_158 = tpu.memref_slice %arg12[%scan3A_62, %dma_start3A_156, %dma_start3A_157] : memref<2x100x128xf32, #tpu.memory_space<vmem>> -> memref<1x100x128xf32, #tpu.memory_space<vmem>>
          %dma_start3A_159 = tpu.memref_squeeze %dma_start3A_158 : memref<1x100x128xf32, #tpu.memory_space<vmem>> -> memref<100x128xf32, #tpu.memory_space<vmem>>
          %dma_start3A_160 = arith.constant 0 : i32
          %dma_start3A_161 = arith.constant 0 : i32
          %dma_start3A_162 = tpu.memref_slice %arg11[%scan3A_59, %dma_start3A_160, %dma_start3A_161] : memref<2x2x100xi32, #tpu.memory_space<vmem>> -> memref<1x2x100xi32, #tpu.memory_space<vmem>>
          %dma_start3A_163 = tpu.memref_squeeze %dma_start3A_162 : memref<1x2x100xi32, #tpu.memory_space<vmem>> -> memref<2x100xi32, #tpu.memory_space<vmem>>
          %dma_start3A_164 = arith.constant 0 : i32
          %dma_start3A_165 = tpu.memref_slice %dma_start3A_163[%run_scoped3A_146, %dma_start3A_164] : memref<2x100xi32, #tpu.memory_space<vmem>> -> memref<1x100xi32, #tpu.memory_space<vmem>>
          %dma_start3A_166 = tpu.memref_squeeze %dma_start3A_165 : memref<1x100xi32, #tpu.memory_space<vmem>> -> memref<100xi32, #tpu.memory_space<vmem>>
          %dma_start3A_167 = arith.constant 0 : i32
          %dma_start3A_168 = arith.constant 0 : i32
          %dma_start3A_169 = tpu.memref_slice %arg13[%dma_start3A_167, %dma_start3A_168] : memref<10112x128xf32, #tpu.memory_space<vmem_shared>> -> memref<10112x128xf32, #tpu.memory_space<vmem_shared>>
          tpu.enqueue_indirect_dma source(%dma_start3A_159 : memref<100x128xf32, #tpu.memory_space<vmem>>) target(%dma_start3A_169 : memref<10112x128xf32, #tpu.memory_space<vmem_shared>>) offsets(%dma_start3A_166 : memref<100xi32, #tpu.memory_space<vmem>>) semaphore(%run_scoped3A_155 : memref<!tpu.dma_semaphore, #tpu.memory_space<semaphore_mem>>) {add = true}
          %dma_wait3A_170 = arith.constant 0 : i32
          %dma_wait3A_171 = arith.constant 0 : i32
          %dma_wait3A_172 = tpu.memref_slice %arg12[%scan3A_62, %dma_wait3A_170, %dma_wait3A_171] : memref<2x100x128xf32, #tpu.memory_space<vmem>> -> memref<1x100x128xf32, #tpu.memory_space<vmem>>
          %dma_wait3A_173 = tpu.memref_squeeze %dma_wait3A_172 : memref<1x100x128xf32, #tpu.memory_space<vmem>> -> memref<100x128xf32, #tpu.memory_space<vmem>>
          %dma_wait3A_174 = arith.constant 0 : i32
          %dma_wait3A_175 = arith.constant 0 : i32
          %dma_wait3A_176 = tpu.memref_slice %arg11[%scan3A_59, %dma_wait3A_174, %dma_wait3A_175] : memref<2x2x100xi32, #tpu.memory_space<vmem>> -> memref<1x2x100xi32, #tpu.memory_space<vmem>>
          %dma_wait3A_177 = tpu.memref_squeeze %dma_wait3A_176 : memref<1x2x100xi32, #tpu.memory_space<vmem>> -> memref<2x100xi32, #tpu.memory_space<vmem>>
          %dma_wait3A_178 = arith.constant 0 : i32
          %dma_wait3A_179 = tpu.memref_slice %dma_wait3A_177[%run_scoped3A_146, %dma_wait3A_178] : memref<2x100xi32, #tpu.memory_space<vmem>> -> memref<1x100xi32, #tpu.memory_space<vmem>>
          %dma_wait3A_180 = tpu.memref_squeeze %dma_wait3A_179 : memref<1x100xi32, #tpu.memory_space<vmem>> -> memref<100xi32, #tpu.memory_space<vmem>>
          %dma_wait3A_181 = arith.constant 0 : i32
          %dma_wait3A_182 = arith.constant 0 : i32
          %dma_wait3A_183 = tpu.memref_slice %arg13[%dma_wait3A_181, %dma_wait3A_182] : memref<10112x128xf32, #tpu.memory_space<vmem_shared>> -> memref<10112x128xf32, #tpu.memory_space<vmem_shared>>
          tpu.wait_indirect_dma semaphore(%run_scoped3A_155 : memref<!tpu.dma_semaphore, #tpu.memory_space<semaphore_mem>>) src(%dma_wait3A_173 : memref<100x128xf32, #tpu.memory_space<vmem>>) dst(%dma_wait3A_183 : memref<10112x128xf32, #tpu.memory_space<vmem_shared>>)
          tpu.yield
        }) : () -> ()
        %run_scoped3A_147 = arith.constant 1 : i32
        "tpu.region"() ({
          %run_scoped3A_155 = tpu.sem_alloc : memref<!tpu.dma_semaphore, #tpu.memory_space<semaphore_mem>>
          %dma_start3A_156 = arith.constant 0 : i32
          %dma_start3A_157 = arith.constant 0 : i32
          %dma_start3A_158 = tpu.memref_slice %arg11[%scan3A_59, %dma_start3A_156, %dma_start3A_157] : memref<2x2x100xi32, #tpu.memory_space<vmem>> -> memref<1x2x100xi32, #tpu.memory_space<vmem>>
          %dma_start3A_159 = tpu.memref_squeeze %dma_start3A_158 : memref<1x2x100xi32, #tpu.memory_space<vmem>> -> memref<2x100xi32, #tpu.memory_space<vmem>>
          %dma_start3A_160 = arith.constant 0 : i32
          %dma_start3A_161 = tpu.memref_slice %dma_start3A_159[%run_scoped3A_147, %dma_start3A_160] : memref<2x100xi32, #tpu.memory_space<vmem>> -> memref<1x100xi32, #tpu.memory_space<vmem>>
          %dma_start3A_162 = tpu.memref_squeeze %dma_start3A_161 : memref<1x100xi32, #tpu.memory_space<vmem>> -> memref<100xi32, #tpu.memory_space<vmem>>
          %dma_start3A_163 = arith.constant 0 : i32
          %dma_start3A_164 = arith.constant 0 : i32
          %dma_start3A_165 = tpu.memref_slice %arg19[%dma_start3A_163, %dma_start3A_164] : memref<10112x16xf32, #tpu.memory_space<vmem_shared>> -> memref<10112x16xf32, #tpu.memory_space<vmem_shared>>
          tpu.enqueue_indirect_dma source(%arg18 : memref<100x16xf32, #tpu.memory_space<vmem>>) target(%dma_start3A_165 : memref<10112x16xf32, #tpu.memory_space<vmem_shared>>) offsets(%dma_start3A_162 : memref<100xi32, #tpu.memory_space<vmem>>) semaphore(%run_scoped3A_155 : memref<!tpu.dma_semaphore, #tpu.memory_space<semaphore_mem>>) {add = true}
          %dma_wait3A_166 = arith.constant 0 : i32
          %dma_wait3A_167 = arith.constant 0 : i32
          %dma_wait3A_168 = tpu.memref_slice %arg11[%scan3A_59, %dma_wait3A_166, %dma_wait3A_167] : memref<2x2x100xi32, #tpu.memory_space<vmem>> -> memref<1x2x100xi32, #tpu.memory_space<vmem>>
          %dma_wait3A_169 = tpu.memref_squeeze %dma_wait3A_168 : memref<1x2x100xi32, #tpu.memory_space<vmem>> -> memref<2x100xi32, #tpu.memory_space<vmem>>
          %dma_wait3A_170 = arith.constant 0 : i32
          %dma_wait3A_171 = tpu.memref_slice %dma_wait3A_169[%run_scoped3A_147, %dma_wait3A_170] : memref<2x100xi32, #tpu.memory_space<vmem>> -> memref<1x100xi32, #tpu.memory_space<vmem>>
          %dma_wait3A_172 = tpu.memref_squeeze %dma_wait3A_171 : memref<1x100xi32, #tpu.memory_space<vmem>> -> memref<100xi32, #tpu.memory_space<vmem>>
          %dma_wait3A_173 = arith.constant 0 : i32
          %dma_wait3A_174 = arith.constant 0 : i32
          %dma_wait3A_175 = tpu.memref_slice %arg19[%dma_wait3A_173, %dma_wait3A_174] : memref<10112x16xf32, #tpu.memory_space<vmem_shared>> -> memref<10112x16xf32, #tpu.memory_space<vmem_shared>>
          tpu.wait_indirect_dma semaphore(%run_scoped3A_155 : memref<!tpu.dma_semaphore, #tpu.memory_space<semaphore_mem>>) src(%arg18 : memref<100x16xf32, #tpu.memory_space<vmem>>) dst(%dma_wait3A_175 : memref<10112x16xf32, #tpu.memory_space<vmem_shared>>)
          tpu.yield
        }) : () -> ()
        %add3A_148 = arith.constant 3 : i32
        %add3A_149 = arith.addi %mul3A_70, %add3A_148 : i32
        %lt3A_150 = arith.constant 100 : i32
        %lt3A_151 = arith.cmpi slt, %add3A_149, %lt3A_150 : i32
        %convert_element_type3A_152 = arith.extui %lt3A_151 : i1 to i32
        %cond3A_153 = arith.constant 0 : i32
        %cond3A_154 = arith.cmpi ne, %convert_element_type3A_152, %cond3A_153 : i32
        scf.if %cond3A_154 {
          %add3A_155 = arith.constant 3 : i32
          %add3A_156 = arith.addi %mul3A_70, %add3A_155 : i32
          %dma_start3A_157 = arith.constant 0 : i32
          %dma_start3A_158 = arith.constant 0 : i32
          %dma_start3A_159 = tpu.memref_slice %arg11[%scan3A_59, %dma_start3A_157, %dma_start3A_158] : memref<2x2x100xi32, #tpu.memory_space<vmem>> -> memref<1x2x100xi32, #tpu.memory_space<vmem>>
          %dma_start3A_160 = tpu.memref_squeeze %dma_start3A_159 : memref<1x2x100xi32, #tpu.memory_space<vmem>> -> memref<2x100xi32, #tpu.memory_space<vmem>>
          %dma_start3A_161 = arith.constant 0 : i32
          %dma_start3A_162 = arith.constant 0 : i32
          %dma_start3A_163 = tpu.memref_slice %arg4[%arg1, %add3A_156, %dma_start3A_161, %dma_start3A_162] : memref<16x100x2x100xi32, #tpu.memory_space<hbm>> -> memref<1x1x2x100xi32, #tpu.memory_space<hbm>>
          %dma_start3A_164 = tpu.memref_squeeze %dma_start3A_163 : memref<1x1x2x100xi32, #tpu.memory_space<hbm>> -> memref<2x100xi32, #tpu.memory_space<hbm>>
          %dma_start3A_165 = arith.constant 0 : i32
          %dma_start3A_166 = arith.constant 0 : i32
          %dma_start3A_167 = tpu.memref_slice %arg11[%scan3A_59, %dma_start3A_165, %dma_start3A_166] : memref<2x2x100xi32, #tpu.memory_space<vmem>> -> memref<1x2x100xi32, #tpu.memory_space<vmem>>
          %dma_start3A_168 = tpu.memref_squeeze %dma_start3A_167 : memref<1x2x100xi32, #tpu.memory_space<vmem>> -> memref<2x100xi32, #tpu.memory_space<vmem>>
          %dma_start3A_169 = arith.constant 0 : i32
          %dma_start3A_170 = arith.constant 0 : i32
          %dma_start3A_171 = tpu.memref_slice %arg4[%arg1, %add3A_156, %dma_start3A_169, %dma_start3A_170] : memref<16x100x2x100xi32, #tpu.memory_space<hbm>> -> memref<1x1x2x100xi32, #tpu.memory_space<hbm>>
          %dma_start3A_172 = tpu.memref_squeeze %dma_start3A_171 : memref<1x1x2x100xi32, #tpu.memory_space<hbm>> -> memref<2x100xi32, #tpu.memory_space<hbm>>
          tpu.enqueue_dma source(%dma_start3A_172 : memref<2x100xi32, #tpu.memory_space<hbm>>) target(%dma_start3A_168 : memref<2x100xi32, #tpu.memory_space<vmem>>) target_semaphore(%arg17 : memref<!tpu.dma_semaphore, #tpu.memory_space<semaphore_mem>>)
        } else {
        }
      }
      %scan3A_67 = arith.constant 50 : i32
    } else {
    }
    %eq3A_8 = arith.constant 1 : i32
    %eq3A_9 = arith.cmpi eq, %arg0, %eq3A_8 : i32
    %convert_element_type3A_10 = arith.extui %eq3A_9 : i1 to i32
    %cond3A_11 = arith.constant 0 : i32
    %cond3A_12 = arith.cmpi ne, %convert_element_type3A_10, %cond3A_11 : i32
    scf.if %cond3A_12 {
      %run_scoped3A = arith.constant 0 : i32
      %run_scoped3A_24 = arith.constant 0 : i32
      "tpu.region"() ({
        %run_scoped3A_68 = tpu.sem_alloc : memref<!tpu.dma_semaphore, #tpu.memory_space<semaphore_mem>>
        %dma_start3A_69 = arith.constant 0 : i32
        %dma_start3A_70 = arith.constant 0 : i32
        %dma_start3A_71 = tpu.memref_slice %arg11[%run_scoped3A_24, %dma_start3A_69, %dma_start3A_70] : memref<2x2x100xi32, #tpu.memory_space<vmem>> -> memref<1x2x100xi32, #tpu.memory_space<vmem>>
        %dma_start3A_72 = tpu.memref_squeeze %dma_start3A_71 : memref<1x2x100xi32, #tpu.memory_space<vmem>> -> memref<2x100xi32, #tpu.memory_space<vmem>>
        %dma_start3A_73 = arith.constant 0 : i32
        %dma_start3A_74 = arith.constant 0 : i32
        %dma_start3A_75 = tpu.memref_slice %arg4[%arg1, %run_scoped3A, %dma_start3A_73, %dma_start3A_74] : memref<16x100x2x100xi32, #tpu.memory_space<hbm>> -> memref<1x1x2x100xi32, #tpu.memory_space<hbm>>
        %dma_start3A_76 = tpu.memref_squeeze %dma_start3A_75 : memref<1x1x2x100xi32, #tpu.memory_space<hbm>> -> memref<2x100xi32, #tpu.memory_space<hbm>>
        %dma_start3A_77 = arith.constant 0 : i32
        %dma_start3A_78 = arith.constant 0 : i32
        %dma_start3A_79 = tpu.memref_slice %arg11[%run_scoped3A_24, %dma_start3A_77, %dma_start3A_78] : memref<2x2x100xi32, #tpu.memory_space<vmem>> -> memref<1x2x100xi32, #tpu.memory_space<vmem>>
        %dma_start3A_80 = tpu.memref_squeeze %dma_start3A_79 : memref<1x2x100xi32, #tpu.memory_space<vmem>> -> memref<2x100xi32, #tpu.memory_space<vmem>>
        %dma_start3A_81 = arith.constant 0 : i32
        %dma_start3A_82 = arith.constant 0 : i32
        %dma_start3A_83 = tpu.memref_slice %arg4[%arg1, %run_scoped3A, %dma_start3A_81, %dma_start3A_82] : memref<16x100x2x100xi32, #tpu.memory_space<hbm>> -> memref<1x1x2x100xi32, #tpu.memory_space<hbm>>
        %dma_start3A_84 = tpu.memref_squeeze %dma_start3A_83 : memref<1x1x2x100xi32, #tpu.memory_space<hbm>> -> memref<2x100xi32, #tpu.memory_space<hbm>>
        tpu.enqueue_dma source(%dma_start3A_84 : memref<2x100xi32, #tpu.memory_space<hbm>>) target(%dma_start3A_80 : memref<2x100xi32, #tpu.memory_space<vmem>>) target_semaphore(%run_scoped3A_68 : memref<!tpu.dma_semaphore, #tpu.memory_space<semaphore_mem>>)
        %dma_wait3A = arith.constant 0 : i32
        %dma_wait3A_85 = arith.constant 0 : i32
        %dma_wait3A_86 = tpu.memref_slice %arg11[%run_scoped3A_24, %dma_wait3A, %dma_wait3A_85] : memref<2x2x100xi32, #tpu.memory_space<vmem>> -> memref<1x2x100xi32, #tpu.memory_space<vmem>>
        %dma_wait3A_87 = tpu.memref_squeeze %dma_wait3A_86 : memref<1x2x100xi32, #tpu.memory_space<vmem>> -> memref<2x100xi32, #tpu.memory_space<vmem>>
        %dma_wait3A_88 = arith.constant 0 : i32
        %dma_wait3A_89 = arith.constant 0 : i32
        %dma_wait3A_90 = tpu.memref_slice %arg4[%arg1, %run_scoped3A, %dma_wait3A_88, %dma_wait3A_89] : memref<16x100x2x100xi32, #tpu.memory_space<hbm>> -> memref<1x1x2x100xi32, #tpu.memory_space<hbm>>
        %dma_wait3A_91 = tpu.memref_squeeze %dma_wait3A_90 : memref<1x1x2x100xi32, #tpu.memory_space<hbm>> -> memref<2x100xi32, #tpu.memory_space<hbm>>
        %dma_wait3A_92 = arith.constant 0 : i32
        %dma_wait3A_93 = arith.constant 0 : i32
        %dma_wait3A_94 = tpu.memref_slice %arg11[%run_scoped3A_24, %dma_wait3A_92, %dma_wait3A_93] : memref<2x2x100xi32, #tpu.memory_space<vmem>> -> memref<1x2x100xi32, #tpu.memory_space<vmem>>
        %dma_wait3A_95 = tpu.memref_squeeze %dma_wait3A_94 : memref<1x2x100xi32, #tpu.memory_space<vmem>> -> memref<2x100xi32, #tpu.memory_space<vmem>>
        %dma_wait3A_96 = arith.constant 0 : i32
        %dma_wait3A_97 = arith.constant 0 : i32
        %dma_wait3A_98 = tpu.memref_slice %arg4[%arg1, %run_scoped3A, %dma_wait3A_96, %dma_wait3A_97] : memref<16x100x2x100xi32, #tpu.memory_space<hbm>> -> memref<1x1x2x100xi32, #tpu.memory_space<hbm>>
        %dma_wait3A_99 = tpu.memref_squeeze %dma_wait3A_98 : memref<1x1x2x100xi32, #tpu.memory_space<hbm>> -> memref<2x100xi32, #tpu.memory_space<hbm>>
        tpu.wait_dma2 semaphore(%run_scoped3A_68 : memref<!tpu.dma_semaphore, #tpu.memory_space<semaphore_mem>>) src(%dma_wait3A_99 : memref<2x100xi32, #tpu.memory_space<hbm>>) dst(%dma_wait3A_95 : memref<2x100xi32, #tpu.memory_space<vmem>>)
        tpu.yield
      }) : () -> ()
      %dma_start3A = arith.constant 0 : i32
      %dma_start3A_25 = arith.constant 0 : i32
      %dma_start3A_26 = arith.constant 0 : i32
      %dma_start3A_27 = arith.constant 0 : i32
      %dma_start3A_28 = arith.constant 0 : i32
      %dma_start3A_29 = tpu.memref_slice %arg12[%dma_start3A_26, %dma_start3A_27, %dma_start3A_28] : memref<2x100x128xf32, #tpu.memory_space<vmem>> -> memref<1x100x128xf32, #tpu.memory_space<vmem>>
      %dma_start3A_30 = tpu.memref_squeeze %dma_start3A_29 : memref<1x100x128xf32, #tpu.memory_space<vmem>> -> memref<100x128xf32, #tpu.memory_space<vmem>>
      %dma_start3A_31 = arith.constant 0 : i32
      %dma_start3A_32 = arith.constant 0 : i32
      %dma_start3A_33 = tpu.memref_slice %arg11[%dma_start3A, %dma_start3A_31, %dma_start3A_32] : memref<2x2x100xi32, #tpu.memory_space<vmem>> -> memref<1x2x100xi32, #tpu.memory_space<vmem>>
      %dma_start3A_34 = tpu.memref_squeeze %dma_start3A_33 : memref<1x2x100xi32, #tpu.memory_space<vmem>> -> memref<2x100xi32, #tpu.memory_space<vmem>>
      %dma_start3A_35 = arith.constant 0 : i32
      %dma_start3A_36 = tpu.memref_slice %dma_start3A_34[%dma_start3A_25, %dma_start3A_35] : memref<2x100xi32, #tpu.memory_space<vmem>> -> memref<1x100xi32, #tpu.memory_space<vmem>>
      %dma_start3A_37 = tpu.memref_squeeze %dma_start3A_36 : memref<1x100xi32, #tpu.memory_space<vmem>> -> memref<100xi32, #tpu.memory_space<vmem>>
      %dma_start3A_38 = arith.constant 0 : i32
      %dma_start3A_39 = arith.constant 0 : i32
      %dma_start3A_40 = tpu.memref_slice %arg3[%dma_start3A_38, %dma_start3A_39] : memref<10000x128xf32, #tpu.memory_space<hbm>> -> memref<10000x128xf32, #tpu.memory_space<hbm>>
      tpu.enqueue_indirect_dma source(%dma_start3A_40 : memref<10000x128xf32, #tpu.memory_space<hbm>>) target(%dma_start3A_30 : memref<100x128xf32, #tpu.memory_space<vmem>>) offsets(%dma_start3A_37 : memref<100xi32, #tpu.memory_space<vmem>>) semaphore(%arg14 : memref<!tpu.dma_semaphore, #tpu.memory_space<semaphore_mem>>)
      %dma_start3A_41 = arith.constant 1 : i32
      %dma_start3A_42 = arith.constant 1 : i32
      %dma_start3A_43 = arith.constant 0 : i32
      %dma_start3A_44 = arith.constant 0 : i32
      %dma_start3A_45 = tpu.memref_slice %arg11[%dma_start3A_42, %dma_start3A_43, %dma_start3A_44] : memref<2x2x100xi32, #tpu.memory_space<vmem>> -> memref<1x2x100xi32, #tpu.memory_space<vmem>>
      %dma_start3A_46 = tpu.memref_squeeze %dma_start3A_45 : memref<1x2x100xi32, #tpu.memory_space<vmem>> -> memref<2x100xi32, #tpu.memory_space<vmem>>
      %dma_start3A_47 = arith.constant 0 : i32
      %dma_start3A_48 = arith.constant 0 : i32
      %dma_start3A_49 = tpu.memref_slice %arg4[%arg1, %dma_start3A_41, %dma_start3A_47, %dma_start3A_48] : memref<16x100x2x100xi32, #tpu.memory_space<hbm>> -> memref<1x1x2x100xi32, #tpu.memory_space<hbm>>
      %dma_start3A_50 = tpu.memref_squeeze %dma_start3A_49 : memref<1x1x2x100xi32, #tpu.memory_space<hbm>> -> memref<2x100xi32, #tpu.memory_space<hbm>>
      %dma_start3A_51 = arith.constant 0 : i32
      %dma_start3A_52 = arith.constant 0 : i32
      %dma_start3A_53 = tpu.memref_slice %arg11[%dma_start3A_42, %dma_start3A_51, %dma_start3A_52] : memref<2x2x100xi32, #tpu.memory_space<vmem>> -> memref<1x2x100xi32, #tpu.memory_space<vmem>>
      %dma_start3A_54 = tpu.memref_squeeze %dma_start3A_53 : memref<1x2x100xi32, #tpu.memory_space<vmem>> -> memref<2x100xi32, #tpu.memory_space<vmem>>
      %dma_start3A_55 = arith.constant 0 : i32
      %dma_start3A_56 = arith.constant 0 : i32
      %dma_start3A_57 = tpu.memref_slice %arg4[%arg1, %dma_start3A_41, %dma_start3A_55, %dma_start3A_56] : memref<16x100x2x100xi32, #tpu.memory_space<hbm>> -> memref<1x1x2x100xi32, #tpu.memory_space<hbm>>
      %dma_start3A_58 = tpu.memref_squeeze %dma_start3A_57 : memref<1x1x2x100xi32, #tpu.memory_space<hbm>> -> memref<2x100xi32, #tpu.memory_space<hbm>>
      tpu.enqueue_dma source(%dma_start3A_58 : memref<2x100xi32, #tpu.memory_space<hbm>>) target(%dma_start3A_54 : memref<2x100xi32, #tpu.memory_space<vmem>>) target_semaphore(%arg17 : memref<!tpu.dma_semaphore, #tpu.memory_space<semaphore_mem>>)
      %scan3A = arith.constant 0 : i32
      %scan3A_59 = arith.constant 1 : i32
      %scan3A_60 = arith.constant 0 : i32
      %scan3A_61 = arith.constant 0 : i32
      %scan3A_62 = arith.constant 1 : i32
      %scan3A_63 = arith.constant 0 : i32
      %scan3A_64 = arith.constant 50 : i32
      %scan3A_65 = arith.addi %scan3A_63, %scan3A_64 : i32
      %scan3A_66 = arith.constant 1 : i32
      scf.for %scan3A_68 = %scan3A_63 to %scan3A_65 step %scan3A_66  : i32 {
        %mul3A_69 = arith.constant 2 : i32
        %mul3A_70 = arith.muli %mul3A_69, %scan3A_68 : i32
        %dma_wait3A = arith.constant 0 : i32
        %dma_wait3A_71 = arith.constant 0 : i32
        %dma_wait3A_72 = arith.constant 0 : i32
        %dma_wait3A_73 = tpu.memref_slice %arg11[%scan3A_59, %dma_wait3A_71, %dma_wait3A_72] : memref<2x2x100xi32, #tpu.memory_space<vmem>> -> memref<1x2x100xi32, #tpu.memory_space<vmem>>
        %dma_wait3A_74 = tpu.memref_squeeze %dma_wait3A_73 : memref<1x2x100xi32, #tpu.memory_space<vmem>> -> memref<2x100xi32, #tpu.memory_space<vmem>>
        %dma_wait3A_75 = arith.constant 0 : i32
        %dma_wait3A_76 = arith.constant 0 : i32
        %dma_wait3A_77 = tpu.memref_slice %arg4[%arg1, %dma_wait3A, %dma_wait3A_75, %dma_wait3A_76] : memref<16x100x2x100xi32, #tpu.memory_space<hbm>> -> memref<1x1x2x100xi32, #tpu.memory_space<hbm>>
        %dma_wait3A_78 = tpu.memref_squeeze %dma_wait3A_77 : memref<1x1x2x100xi32, #tpu.memory_space<hbm>> -> memref<2x100xi32, #tpu.memory_space<hbm>>
        %dma_wait3A_79 = arith.constant 0 : i32
        %dma_wait3A_80 = arith.constant 0 : i32
        %dma_wait3A_81 = tpu.memref_slice %arg11[%scan3A_59, %dma_wait3A_79, %dma_wait3A_80] : memref<2x2x100xi32, #tpu.memory_space<vmem>> -> memref<1x2x100xi32, #tpu.memory_space<vmem>>
        %dma_wait3A_82 = tpu.memref_squeeze %dma_wait3A_81 : memref<1x2x100xi32, #tpu.memory_space<vmem>> -> memref<2x100xi32, #tpu.memory_space<vmem>>
        %dma_wait3A_83 = arith.constant 0 : i32
        %dma_wait3A_84 = arith.constant 0 : i32
        %dma_wait3A_85 = tpu.memref_slice %arg4[%arg1, %dma_wait3A, %dma_wait3A_83, %dma_wait3A_84] : memref<16x100x2x100xi32, #tpu.memory_space<hbm>> -> memref<1x1x2x100xi32, #tpu.memory_space<hbm>>
        %dma_wait3A_86 = tpu.memref_squeeze %dma_wait3A_85 : memref<1x1x2x100xi32, #tpu.memory_space<hbm>> -> memref<2x100xi32, #tpu.memory_space<hbm>>
        tpu.wait_dma2 semaphore(%arg17 : memref<!tpu.dma_semaphore, #tpu.memory_space<semaphore_mem>>) src(%dma_wait3A_86 : memref<2x100xi32, #tpu.memory_space<hbm>>) dst(%dma_wait3A_82 : memref<2x100xi32, #tpu.memory_space<vmem>>)
        %dma_wait3A_87 = arith.constant 0 : i32
        %dma_wait3A_88 = arith.constant 0 : i32
        %dma_wait3A_89 = arith.constant 0 : i32
        %dma_wait3A_90 = tpu.memref_slice %arg12[%scan3A_61, %dma_wait3A_88, %dma_wait3A_89] : memref<2x100x128xf32, #tpu.memory_space<vmem>> -> memref<1x100x128xf32, #tpu.memory_space<vmem>>
        %dma_wait3A_91 = tpu.memref_squeeze %dma_wait3A_90 : memref<1x100x128xf32, #tpu.memory_space<vmem>> -> memref<100x128xf32, #tpu.memory_space<vmem>>
        %dma_wait3A_92 = arith.constant 0 : i32
        %dma_wait3A_93 = arith.constant 0 : i32
        %dma_wait3A_94 = tpu.memref_slice %arg11[%scan3A_60, %dma_wait3A_92, %dma_wait3A_93] : memref<2x2x100xi32, #tpu.memory_space<vmem>> -> memref<1x2x100xi32, #tpu.memory_space<vmem>>
        %dma_wait3A_95 = tpu.memref_squeeze %dma_wait3A_94 : memref<1x2x100xi32, #tpu.memory_space<vmem>> -> memref<2x100xi32, #tpu.memory_space<vmem>>
        %dma_wait3A_96 = arith.constant 0 : i32
        %dma_wait3A_97 = tpu.memref_slice %dma_wait3A_95[%dma_wait3A_87, %dma_wait3A_96] : memref<2x100xi32, #tpu.memory_space<vmem>> -> memref<1x100xi32, #tpu.memory_space<vmem>>
        %dma_wait3A_98 = tpu.memref_squeeze %dma_wait3A_97 : memref<1x100xi32, #tpu.memory_space<vmem>> -> memref<100xi32, #tpu.memory_space<vmem>>
        %dma_wait3A_99 = arith.constant 0 : i32
        %dma_wait3A_100 = arith.constant 0 : i32
        %dma_wait3A_101 = tpu.memref_slice %arg3[%dma_wait3A_99, %dma_wait3A_100] : memref<10000x128xf32, #tpu.memory_space<hbm>> -> memref<10000x128xf32, #tpu.memory_space<hbm>>
        tpu.wait_indirect_dma semaphore(%arg14 : memref<!tpu.dma_semaphore, #tpu.memory_space<semaphore_mem>>) src(%dma_wait3A_101 : memref<10000x128xf32, #tpu.memory_space<hbm>>) dst(%dma_wait3A_91 : memref<100x128xf32, #tpu.memory_space<vmem>>)
        %dma_start3A_102 = arith.constant 0 : i32
        %dma_start3A_103 = arith.constant 0 : i32
        %dma_start3A_104 = arith.constant 0 : i32
        %dma_start3A_105 = tpu.memref_slice %arg12[%scan3A_62, %dma_start3A_103, %dma_start3A_104] : memref<2x100x128xf32, #tpu.memory_space<vmem>> -> memref<1x100x128xf32, #tpu.memory_space<vmem>>
        %dma_start3A_106 = tpu.memref_squeeze %dma_start3A_105 : memref<1x100x128xf32, #tpu.memory_space<vmem>> -> memref<100x128xf32, #tpu.memory_space<vmem>>
        %dma_start3A_107 = arith.constant 0 : i32
        %dma_start3A_108 = arith.constant 0 : i32
        %dma_start3A_109 = tpu.memref_slice %arg11[%scan3A_59, %dma_start3A_107, %dma_start3A_108] : memref<2x2x100xi32, #tpu.memory_space<vmem>> -> memref<1x2x100xi32, #tpu.memory_space<vmem>>
        %dma_start3A_110 = tpu.memref_squeeze %dma_start3A_109 : memref<1x2x100xi32, #tpu.memory_space<vmem>> -> memref<2x100xi32, #tpu.memory_space<vmem>>
        %dma_start3A_111 = arith.constant 0 : i32
        %dma_start3A_112 = tpu.memref_slice %dma_start3A_110[%dma_start3A_102, %dma_start3A_111] : memref<2x100xi32, #tpu.memory_space<vmem>> -> memref<1x100xi32, #tpu.memory_space<vmem>>
        %dma_start3A_113 = tpu.memref_squeeze %dma_start3A_112 : memref<1x100xi32, #tpu.memory_space<vmem>> -> memref<100xi32, #tpu.memory_space<vmem>>
        %dma_start3A_114 = arith.constant 0 : i32
        %dma_start3A_115 = arith.constant 0 : i32
        %dma_start3A_116 = tpu.memref_slice %arg3[%dma_start3A_114, %dma_start3A_115] : memref<10000x128xf32, #tpu.memory_space<hbm>> -> memref<10000x128xf32, #tpu.memory_space<hbm>>
        tpu.enqueue_indirect_dma source(%dma_start3A_116 : memref<10000x128xf32, #tpu.memory_space<hbm>>) target(%dma_start3A_106 : memref<100x128xf32, #tpu.memory_space<vmem>>) offsets(%dma_start3A_113 : memref<100xi32, #tpu.memory_space<vmem>>) semaphore(%arg15 : memref<!tpu.dma_semaphore, #tpu.memory_space<semaphore_mem>>)
        %run_scoped3A_117 = arith.constant 1 : i32
        "tpu.region"() ({
          %run_scoped3A_153 = tpu.sem_alloc : memref<!tpu.dma_semaphore, #tpu.memory_space<semaphore_mem>>
          %dma_start3A_154 = arith.constant 0 : i32
          %dma_start3A_155 = arith.constant 0 : i32
          %dma_start3A_156 = tpu.memref_slice %arg12[%scan3A_61, %dma_start3A_154, %dma_start3A_155] : memref<2x100x128xf32, #tpu.memory_space<vmem>> -> memref<1x100x128xf32, #tpu.memory_space<vmem>>
          %dma_start3A_157 = tpu.memref_squeeze %dma_start3A_156 : memref<1x100x128xf32, #tpu.memory_space<vmem>> -> memref<100x128xf32, #tpu.memory_space<vmem>>
          %dma_start3A_158 = arith.constant 0 : i32
          %dma_start3A_159 = arith.constant 0 : i32
          %dma_start3A_160 = tpu.memref_slice %arg11[%scan3A_60, %dma_start3A_158, %dma_start3A_159] : memref<2x2x100xi32, #tpu.memory_space<vmem>> -> memref<1x2x100xi32, #tpu.memory_space<vmem>>
          %dma_start3A_161 = tpu.memref_squeeze %dma_start3A_160 : memref<1x2x100xi32, #tpu.memory_space<vmem>> -> memref<2x100xi32, #tpu.memory_space<vmem>>
          %dma_start3A_162 = arith.constant 0 : i32
          %dma_start3A_163 = tpu.memref_slice %dma_start3A_161[%run_scoped3A_117, %dma_start3A_162] : memref<2x100xi32, #tpu.memory_space<vmem>> -> memref<1x100xi32, #tpu.memory_space<vmem>>
          %dma_start3A_164 = tpu.memref_squeeze %dma_start3A_163 : memref<1x100xi32, #tpu.memory_space<vmem>> -> memref<100xi32, #tpu.memory_space<vmem>>
          %dma_start3A_165 = arith.constant 0 : i32
          %dma_start3A_166 = arith.constant 0 : i32
          %dma_start3A_167 = tpu.memref_slice %arg13[%dma_start3A_165, %dma_start3A_166] : memref<10112x128xf32, #tpu.memory_space<vmem_shared>> -> memref<10112x128xf32, #tpu.memory_space<vmem_shared>>
          tpu.enqueue_indirect_dma source(%dma_start3A_157 : memref<100x128xf32, #tpu.memory_space<vmem>>) target(%dma_start3A_167 : memref<10112x128xf32, #tpu.memory_space<vmem_shared>>) offsets(%dma_start3A_164 : memref<100xi32, #tpu.memory_space<vmem>>) semaphore(%run_scoped3A_153 : memref<!tpu.dma_semaphore, #tpu.memory_space<semaphore_mem>>) {add = true}
          %dma_wait3A_168 = arith.constant 0 : i32
          %dma_wait3A_169 = arith.constant 0 : i32
          %dma_wait3A_170 = tpu.memref_slice %arg12[%scan3A_61, %dma_wait3A_168, %dma_wait3A_169] : memref<2x100x128xf32, #tpu.memory_space<vmem>> -> memref<1x100x128xf32, #tpu.memory_space<vmem>>
          %dma_wait3A_171 = tpu.memref_squeeze %dma_wait3A_170 : memref<1x100x128xf32, #tpu.memory_space<vmem>> -> memref<100x128xf32, #tpu.memory_space<vmem>>
          %dma_wait3A_172 = arith.constant 0 : i32
          %dma_wait3A_173 = arith.constant 0 : i32
          %dma_wait3A_174 = tpu.memref_slice %arg11[%scan3A_60, %dma_wait3A_172, %dma_wait3A_173] : memref<2x2x100xi32, #tpu.memory_space<vmem>> -> memref<1x2x100xi32, #tpu.memory_space<vmem>>
          %dma_wait3A_175 = tpu.memref_squeeze %dma_wait3A_174 : memref<1x2x100xi32, #tpu.memory_space<vmem>> -> memref<2x100xi32, #tpu.memory_space<vmem>>
          %dma_wait3A_176 = arith.constant 0 : i32
          %dma_wait3A_177 = tpu.memref_slice %dma_wait3A_175[%run_scoped3A_117, %dma_wait3A_176] : memref<2x100xi32, #tpu.memory_space<vmem>> -> memref<1x100xi32, #tpu.memory_space<vmem>>
          %dma_wait3A_178 = tpu.memref_squeeze %dma_wait3A_177 : memref<1x100xi32, #tpu.memory_space<vmem>> -> memref<100xi32, #tpu.memory_space<vmem>>
          %dma_wait3A_179 = arith.constant 0 : i32
          %dma_wait3A_180 = arith.constant 0 : i32
          %dma_wait3A_181 = tpu.memref_slice %arg13[%dma_wait3A_179, %dma_wait3A_180] : memref<10112x128xf32, #tpu.memory_space<vmem_shared>> -> memref<10112x128xf32, #tpu.memory_space<vmem_shared>>
          tpu.wait_indirect_dma semaphore(%run_scoped3A_153 : memref<!tpu.dma_semaphore, #tpu.memory_space<semaphore_mem>>) src(%dma_wait3A_171 : memref<100x128xf32, #tpu.memory_space<vmem>>) dst(%dma_wait3A_181 : memref<10112x128xf32, #tpu.memory_space<vmem_shared>>)
          tpu.yield
        }) : () -> ()
        %add3A = arith.constant 2 : i32
        %add3A_118 = arith.addi %mul3A_70, %add3A : i32
        %lt3A = arith.constant 100 : i32
        %lt3A_119 = arith.cmpi slt, %add3A_118, %lt3A : i32
        %convert_element_type3A_120 = arith.extui %lt3A_119 : i1 to i32
        %cond3A_121 = arith.constant 0 : i32
        %cond3A_122 = arith.cmpi ne, %convert_element_type3A_120, %cond3A_121 : i32
        scf.if %cond3A_122 {
          %add3A_153 = arith.constant 2 : i32
          %add3A_154 = arith.addi %mul3A_70, %add3A_153 : i32
          %dma_start3A_155 = arith.constant 0 : i32
          %dma_start3A_156 = arith.constant 0 : i32
          %dma_start3A_157 = tpu.memref_slice %arg11[%scan3A_60, %dma_start3A_155, %dma_start3A_156] : memref<2x2x100xi32, #tpu.memory_space<vmem>> -> memref<1x2x100xi32, #tpu.memory_space<vmem>>
          %dma_start3A_158 = tpu.memref_squeeze %dma_start3A_157 : memref<1x2x100xi32, #tpu.memory_space<vmem>> -> memref<2x100xi32, #tpu.memory_space<vmem>>
          %dma_start3A_159 = arith.constant 0 : i32
          %dma_start3A_160 = arith.constant 0 : i32
          %dma_start3A_161 = tpu.memref_slice %arg4[%arg1, %add3A_154, %dma_start3A_159, %dma_start3A_160] : memref<16x100x2x100xi32, #tpu.memory_space<hbm>> -> memref<1x1x2x100xi32, #tpu.memory_space<hbm>>
          %dma_start3A_162 = tpu.memref_squeeze %dma_start3A_161 : memref<1x1x2x100xi32, #tpu.memory_space<hbm>> -> memref<2x100xi32, #tpu.memory_space<hbm>>
          %dma_start3A_163 = arith.constant 0 : i32
          %dma_start3A_164 = arith.constant 0 : i32
          %dma_start3A_165 = tpu.memref_slice %arg11[%scan3A_60, %dma_start3A_163, %dma_start3A_164] : memref<2x2x100xi32, #tpu.memory_space<vmem>> -> memref<1x2x100xi32, #tpu.memory_space<vmem>>
          %dma_start3A_166 = tpu.memref_squeeze %dma_start3A_165 : memref<1x2x100xi32, #tpu.memory_space<vmem>> -> memref<2x100xi32, #tpu.memory_space<vmem>>
          %dma_start3A_167 = arith.constant 0 : i32
          %dma_start3A_168 = arith.constant 0 : i32
          %dma_start3A_169 = tpu.memref_slice %arg4[%arg1, %add3A_154, %dma_start3A_167, %dma_start3A_168] : memref<16x100x2x100xi32, #tpu.memory_space<hbm>> -> memref<1x1x2x100xi32, #tpu.memory_space<hbm>>
          %dma_start3A_170 = tpu.memref_squeeze %dma_start3A_169 : memref<1x1x2x100xi32, #tpu.memory_space<hbm>> -> memref<2x100xi32, #tpu.memory_space<hbm>>
          tpu.enqueue_dma source(%dma_start3A_170 : memref<2x100xi32, #tpu.memory_space<hbm>>) target(%dma_start3A_166 : memref<2x100xi32, #tpu.memory_space<vmem>>) target_semaphore(%arg16 : memref<!tpu.dma_semaphore, #tpu.memory_space<semaphore_mem>>)
        } else {
        }
        %add3A_123 = arith.constant 2 : i32
        %add3A_124 = arith.addi %mul3A_70, %add3A_123 : i32
        %lt3A_125 = arith.constant 100 : i32
        %lt3A_126 = arith.cmpi slt, %add3A_124, %lt3A_125 : i32
        %convert_element_type3A_127 = arith.extui %lt3A_126 : i1 to i32
        %cond3A_128 = arith.constant 0 : i32
        %cond3A_129 = arith.cmpi ne, %convert_element_type3A_127, %cond3A_128 : i32
        scf.if %cond3A_129 {
          %dma_wait3A_153 = arith.constant 0 : i32
          %dma_wait3A_154 = arith.constant 0 : i32
          %dma_wait3A_155 = arith.constant 0 : i32
          %dma_wait3A_156 = tpu.memref_slice %arg11[%scan3A_60, %dma_wait3A_154, %dma_wait3A_155] : memref<2x2x100xi32, #tpu.memory_space<vmem>> -> memref<1x2x100xi32, #tpu.memory_space<vmem>>
          %dma_wait3A_157 = tpu.memref_squeeze %dma_wait3A_156 : memref<1x2x100xi32, #tpu.memory_space<vmem>> -> memref<2x100xi32, #tpu.memory_space<vmem>>
          %dma_wait3A_158 = arith.constant 0 : i32
          %dma_wait3A_159 = arith.constant 0 : i32
          %dma_wait3A_160 = tpu.memref_slice %arg4[%arg1, %dma_wait3A_153, %dma_wait3A_158, %dma_wait3A_159] : memref<16x100x2x100xi32, #tpu.memory_space<hbm>> -> memref<1x1x2x100xi32, #tpu.memory_space<hbm>>
          %dma_wait3A_161 = tpu.memref_squeeze %dma_wait3A_160 : memref<1x1x2x100xi32, #tpu.memory_space<hbm>> -> memref<2x100xi32, #tpu.memory_space<hbm>>
          %dma_wait3A_162 = arith.constant 0 : i32
          %dma_wait3A_163 = arith.constant 0 : i32
          %dma_wait3A_164 = tpu.memref_slice %arg11[%scan3A_60, %dma_wait3A_162, %dma_wait3A_163] : memref<2x2x100xi32, #tpu.memory_space<vmem>> -> memref<1x2x100xi32, #tpu.memory_space<vmem>>
          %dma_wait3A_165 = tpu.memref_squeeze %dma_wait3A_164 : memref<1x2x100xi32, #tpu.memory_space<vmem>> -> memref<2x100xi32, #tpu.memory_space<vmem>>
          %dma_wait3A_166 = arith.constant 0 : i32
          %dma_wait3A_167 = arith.constant 0 : i32
          %dma_wait3A_168 = tpu.memref_slice %arg4[%arg1, %dma_wait3A_153, %dma_wait3A_166, %dma_wait3A_167] : memref<16x100x2x100xi32, #tpu.memory_space<hbm>> -> memref<1x1x2x100xi32, #tpu.memory_space<hbm>>
          %dma_wait3A_169 = tpu.memref_squeeze %dma_wait3A_168 : memref<1x1x2x100xi32, #tpu.memory_space<hbm>> -> memref<2x100xi32, #tpu.memory_space<hbm>>
          tpu.wait_dma2 semaphore(%arg16 : memref<!tpu.dma_semaphore, #tpu.memory_space<semaphore_mem>>) src(%dma_wait3A_169 : memref<2x100xi32, #tpu.memory_space<hbm>>) dst(%dma_wait3A_165 : memref<2x100xi32, #tpu.memory_space<vmem>>)
          %dma_start3A_170 = arith.constant 0 : i32
          %dma_start3A_171 = arith.constant 0 : i32
          %dma_start3A_172 = arith.constant 0 : i32
          %dma_start3A_173 = tpu.memref_slice %arg12[%scan3A_61, %dma_start3A_171, %dma_start3A_172] : memref<2x100x128xf32, #tpu.memory_space<vmem>> -> memref<1x100x128xf32, #tpu.memory_space<vmem>>
          %dma_start3A_174 = tpu.memref_squeeze %dma_start3A_173 : memref<1x100x128xf32, #tpu.memory_space<vmem>> -> memref<100x128xf32, #tpu.memory_space<vmem>>
          %dma_start3A_175 = arith.constant 0 : i32
          %dma_start3A_176 = arith.constant 0 : i32
          %dma_start3A_177 = tpu.memref_slice %arg11[%scan3A_60, %dma_start3A_175, %dma_start3A_176] : memref<2x2x100xi32, #tpu.memory_space<vmem>> -> memref<1x2x100xi32, #tpu.memory_space<vmem>>
          %dma_start3A_178 = tpu.memref_squeeze %dma_start3A_177 : memref<1x2x100xi32, #tpu.memory_space<vmem>> -> memref<2x100xi32, #tpu.memory_space<vmem>>
          %dma_start3A_179 = arith.constant 0 : i32
          %dma_start3A_180 = tpu.memref_slice %dma_start3A_178[%dma_start3A_170, %dma_start3A_179] : memref<2x100xi32, #tpu.memory_space<vmem>> -> memref<1x100xi32, #tpu.memory_space<vmem>>
          %dma_start3A_181 = tpu.memref_squeeze %dma_start3A_180 : memref<1x100xi32, #tpu.memory_space<vmem>> -> memref<100xi32, #tpu.memory_space<vmem>>
          %dma_start3A_182 = arith.constant 0 : i32
          %dma_start3A_183 = arith.constant 0 : i32
          %dma_start3A_184 = tpu.memref_slice %arg3[%dma_start3A_182, %dma_start3A_183] : memref<10000x128xf32, #tpu.memory_space<hbm>> -> memref<10000x128xf32, #tpu.memory_space<hbm>>
          tpu.enqueue_indirect_dma source(%dma_start3A_184 : memref<10000x128xf32, #tpu.memory_space<hbm>>) target(%dma_start3A_174 : memref<100x128xf32, #tpu.memory_space<vmem>>) offsets(%dma_start3A_181 : memref<100xi32, #tpu.memory_space<vmem>>) semaphore(%arg14 : memref<!tpu.dma_semaphore, #tpu.memory_space<semaphore_mem>>)
        } else {
        }
        %dma_wait3A_130 = arith.constant 0 : i32
        %dma_wait3A_131 = arith.constant 0 : i32
        %dma_wait3A_132 = arith.constant 0 : i32
        %dma_wait3A_133 = tpu.memref_slice %arg12[%scan3A_62, %dma_wait3A_131, %dma_wait3A_132] : memref<2x100x128xf32, #tpu.memory_space<vmem>> -> memref<1x100x128xf32, #tpu.memory_space<vmem>>
        %dma_wait3A_134 = tpu.memref_squeeze %dma_wait3A_133 : memref<1x100x128xf32, #tpu.memory_space<vmem>> -> memref<100x128xf32, #tpu.memory_space<vmem>>
        %dma_wait3A_135 = arith.constant 0 : i32
        %dma_wait3A_136 = arith.constant 0 : i32
        %dma_wait3A_137 = tpu.memref_slice %arg11[%scan3A_59, %dma_wait3A_135, %dma_wait3A_136] : memref<2x2x100xi32, #tpu.memory_space<vmem>> -> memref<1x2x100xi32, #tpu.memory_space<vmem>>
        %dma_wait3A_138 = tpu.memref_squeeze %dma_wait3A_137 : memref<1x2x100xi32, #tpu.memory_space<vmem>> -> memref<2x100xi32, #tpu.memory_space<vmem>>
        %dma_wait3A_139 = arith.constant 0 : i32
        %dma_wait3A_140 = tpu.memref_slice %dma_wait3A_138[%dma_wait3A_130, %dma_wait3A_139] : memref<2x100xi32, #tpu.memory_space<vmem>> -> memref<1x100xi32, #tpu.memory_space<vmem>>
        %dma_wait3A_141 = tpu.memref_squeeze %dma_wait3A_140 : memref<1x100xi32, #tpu.memory_space<vmem>> -> memref<100xi32, #tpu.memory_space<vmem>>
        %dma_wait3A_142 = arith.constant 0 : i32
        %dma_wait3A_143 = arith.constant 0 : i32
        %dma_wait3A_144 = tpu.memref_slice %arg3[%dma_wait3A_142, %dma_wait3A_143] : memref<10000x128xf32, #tpu.memory_space<hbm>> -> memref<10000x128xf32, #tpu.memory_space<hbm>>
        tpu.wait_indirect_dma semaphore(%arg15 : memref<!tpu.dma_semaphore, #tpu.memory_space<semaphore_mem>>) src(%dma_wait3A_144 : memref<10000x128xf32, #tpu.memory_space<hbm>>) dst(%dma_wait3A_134 : memref<100x128xf32, #tpu.memory_space<vmem>>)
        %run_scoped3A_145 = arith.constant 1 : i32
        "tpu.region"() ({
          %run_scoped3A_153 = tpu.sem_alloc : memref<!tpu.dma_semaphore, #tpu.memory_space<semaphore_mem>>
          %dma_start3A_154 = arith.constant 0 : i32
          %dma_start3A_155 = arith.constant 0 : i32
          %dma_start3A_156 = tpu.memref_slice %arg12[%scan3A_62, %dma_start3A_154, %dma_start3A_155] : memref<2x100x128xf32, #tpu.memory_space<vmem>> -> memref<1x100x128xf32, #tpu.memory_space<vmem>>
          %dma_start3A_157 = tpu.memref_squeeze %dma_start3A_156 : memref<1x100x128xf32, #tpu.memory_space<vmem>> -> memref<100x128xf32, #tpu.memory_space<vmem>>
          %dma_start3A_158 = arith.constant 0 : i32
          %dma_start3A_159 = arith.constant 0 : i32
          %dma_start3A_160 = tpu.memref_slice %arg11[%scan3A_59, %dma_start3A_158, %dma_start3A_159] : memref<2x2x100xi32, #tpu.memory_space<vmem>> -> memref<1x2x100xi32, #tpu.memory_space<vmem>>
          %dma_start3A_161 = tpu.memref_squeeze %dma_start3A_160 : memref<1x2x100xi32, #tpu.memory_space<vmem>> -> memref<2x100xi32, #tpu.memory_space<vmem>>
          %dma_start3A_162 = arith.constant 0 : i32
          %dma_start3A_163 = tpu.memref_slice %dma_start3A_161[%run_scoped3A_145, %dma_start3A_162] : memref<2x100xi32, #tpu.memory_space<vmem>> -> memref<1x100xi32, #tpu.memory_space<vmem>>
          %dma_start3A_164 = tpu.memref_squeeze %dma_start3A_163 : memref<1x100xi32, #tpu.memory_space<vmem>> -> memref<100xi32, #tpu.memory_space<vmem>>
          %dma_start3A_165 = arith.constant 0 : i32
          %dma_start3A_166 = arith.constant 0 : i32
          %dma_start3A_167 = tpu.memref_slice %arg13[%dma_start3A_165, %dma_start3A_166] : memref<10112x128xf32, #tpu.memory_space<vmem_shared>> -> memref<10112x128xf32, #tpu.memory_space<vmem_shared>>
          tpu.enqueue_indirect_dma source(%dma_start3A_157 : memref<100x128xf32, #tpu.memory_space<vmem>>) target(%dma_start3A_167 : memref<10112x128xf32, #tpu.memory_space<vmem_shared>>) offsets(%dma_start3A_164 : memref<100xi32, #tpu.memory_space<vmem>>) semaphore(%run_scoped3A_153 : memref<!tpu.dma_semaphore, #tpu.memory_space<semaphore_mem>>) {add = true}
          %dma_wait3A_168 = arith.constant 0 : i32
          %dma_wait3A_169 = arith.constant 0 : i32
          %dma_wait3A_170 = tpu.memref_slice %arg12[%scan3A_62, %dma_wait3A_168, %dma_wait3A_169] : memref<2x100x128xf32, #tpu.memory_space<vmem>> -> memref<1x100x128xf32, #tpu.memory_space<vmem>>
          %dma_wait3A_171 = tpu.memref_squeeze %dma_wait3A_170 : memref<1x100x128xf32, #tpu.memory_space<vmem>> -> memref<100x128xf32, #tpu.memory_space<vmem>>
          %dma_wait3A_172 = arith.constant 0 : i32
          %dma_wait3A_173 = arith.constant 0 : i32
          %dma_wait3A_174 = tpu.memref_slice %arg11[%scan3A_59, %dma_wait3A_172, %dma_wait3A_173] : memref<2x2x100xi32, #tpu.memory_space<vmem>> -> memref<1x2x100xi32, #tpu.memory_space<vmem>>
          %dma_wait3A_175 = tpu.memref_squeeze %dma_wait3A_174 : memref<1x2x100xi32, #tpu.memory_space<vmem>> -> memref<2x100xi32, #tpu.memory_space<vmem>>
          %dma_wait3A_176 = arith.constant 0 : i32
          %dma_wait3A_177 = tpu.memref_slice %dma_wait3A_175[%run_scoped3A_145, %dma_wait3A_176] : memref<2x100xi32, #tpu.memory_space<vmem>> -> memref<1x100xi32, #tpu.memory_space<vmem>>
          %dma_wait3A_178 = tpu.memref_squeeze %dma_wait3A_177 : memref<1x100xi32, #tpu.memory_space<vmem>> -> memref<100xi32, #tpu.memory_space<vmem>>
          %dma_wait3A_179 = arith.constant 0 : i32
          %dma_wait3A_180 = arith.constant 0 : i32
          %dma_wait3A_181 = tpu.memref_slice %arg13[%dma_wait3A_179, %dma_wait3A_180] : memref<10112x128xf32, #tpu.memory_space<vmem_shared>> -> memref<10112x128xf32, #tpu.memory_space<vmem_shared>>
          tpu.wait_indirect_dma semaphore(%run_scoped3A_153 : memref<!tpu.dma_semaphore, #tpu.memory_space<semaphore_mem>>) src(%dma_wait3A_171 : memref<100x128xf32, #tpu.memory_space<vmem>>) dst(%dma_wait3A_181 : memref<10112x128xf32, #tpu.memory_space<vmem_shared>>)
          tpu.yield
        }) : () -> ()
        %add3A_146 = arith.constant 3 : i32
        %add3A_147 = arith.addi %mul3A_70, %add3A_146 : i32
        %lt3A_148 = arith.constant 100 : i32
        %lt3A_149 = arith.cmpi slt, %add3A_147, %lt3A_148 : i32
        %convert_element_type3A_150 = arith.extui %lt3A_149 : i1 to i32
        %cond3A_151 = arith.constant 0 : i32
        %cond3A_152 = arith.cmpi ne, %convert_element_type3A_150, %cond3A_151 : i32
        scf.if %cond3A_152 {
          %add3A_153 = arith.constant 3 : i32
          %add3A_154 = arith.addi %mul3A_70, %add3A_153 : i32
          %dma_start3A_155 = arith.constant 0 : i32
          %dma_start3A_156 = arith.constant 0 : i32
          %dma_start3A_157 = tpu.memref_slice %arg11[%scan3A_59, %dma_start3A_155, %dma_start3A_156] : memref<2x2x100xi32, #tpu.memory_space<vmem>> -> memref<1x2x100xi32, #tpu.memory_space<vmem>>
          %dma_start3A_158 = tpu.memref_squeeze %dma_start3A_157 : memref<1x2x100xi32, #tpu.memory_space<vmem>> -> memref<2x100xi32, #tpu.memory_space<vmem>>
          %dma_start3A_159 = arith.constant 0 : i32
          %dma_start3A_160 = arith.constant 0 : i32
          %dma_start3A_161 = tpu.memref_slice %arg4[%arg1, %add3A_154, %dma_start3A_159, %dma_start3A_160] : memref<16x100x2x100xi32, #tpu.memory_space<hbm>> -> memref<1x1x2x100xi32, #tpu.memory_space<hbm>>
          %dma_start3A_162 = tpu.memref_squeeze %dma_start3A_161 : memref<1x1x2x100xi32, #tpu.memory_space<hbm>> -> memref<2x100xi32, #tpu.memory_space<hbm>>
          %dma_start3A_163 = arith.constant 0 : i32
          %dma_start3A_164 = arith.constant 0 : i32
          %dma_start3A_165 = tpu.memref_slice %arg11[%scan3A_59, %dma_start3A_163, %dma_start3A_164] : memref<2x2x100xi32, #tpu.memory_space<vmem>> -> memref<1x2x100xi32, #tpu.memory_space<vmem>>
          %dma_start3A_166 = tpu.memref_squeeze %dma_start3A_165 : memref<1x2x100xi32, #tpu.memory_space<vmem>> -> memref<2x100xi32, #tpu.memory_space<vmem>>
          %dma_start3A_167 = arith.constant 0 : i32
          %dma_start3A_168 = arith.constant 0 : i32
          %dma_start3A_169 = tpu.memref_slice %arg4[%arg1, %add3A_154, %dma_start3A_167, %dma_start3A_168] : memref<16x100x2x100xi32, #tpu.memory_space<hbm>> -> memref<1x1x2x100xi32, #tpu.memory_space<hbm>>
          %dma_start3A_170 = tpu.memref_squeeze %dma_start3A_169 : memref<1x1x2x100xi32, #tpu.memory_space<hbm>> -> memref<2x100xi32, #tpu.memory_space<hbm>>
          tpu.enqueue_dma source(%dma_start3A_170 : memref<2x100xi32, #tpu.memory_space<hbm>>) target(%dma_start3A_166 : memref<2x100xi32, #tpu.memory_space<vmem>>) target_semaphore(%arg17 : memref<!tpu.dma_semaphore, #tpu.memory_space<semaphore_mem>>)
        } else {
        }
      }
      %scan3A_67 = arith.constant 50 : i32
    } else {
    }
    %barrier3A_13 = arith.constant 0 : index
    tpu.barrier barrier_id(%barrier3A_13)
    %eq3A_14 = arith.constant 0 : i32
    %eq3A_15 = arith.cmpi eq, %arg0, %eq3A_14 : i32
    %convert_element_type3A_16 = arith.extui %eq3A_15 : i1 to i32
    %cond3A_17 = arith.constant 0 : i32
    %cond3A_18 = arith.cmpi ne, %convert_element_type3A_16, %cond3A_17 : i32
    scf.if %cond3A_18 {
      "tpu.region"() ({
        %run_scoped3A = tpu.sem_alloc : memref<!tpu.dma_semaphore, #tpu.memory_space<semaphore_mem>>
        %dma_start3A = arith.constant 0 : i32
        %dma_start3A_24 = tpu.memref_slice %arg8[%mul3A_0, %dma_start3A] : memref<10112x128xf32, #tpu.memory_space<hbm>> -> memref<632x128xf32, #tpu.memory_space<hbm>>
        %dma_start3A_25 = arith.constant 0 : i32
        %dma_start3A_26 = tpu.memref_slice %arg13[%mul3A_0, %dma_start3A_25] : memref<10112x128xf32, #tpu.memory_space<vmem_shared>> -> memref<632x128xf32, #tpu.memory_space<vmem_shared>>
        tpu.enqueue_dma source(%dma_start3A_26 : memref<632x128xf32, #tpu.memory_space<vmem_shared>>) target(%dma_start3A_24 : memref<632x128xf32, #tpu.memory_space<hbm>>) target_semaphore(%run_scoped3A : memref<!tpu.dma_semaphore, #tpu.memory_space<semaphore_mem>>)
        %dma_wait3A = arith.constant 0 : i32
        %dma_wait3A_27 = tpu.memref_slice %arg8[%mul3A_0, %dma_wait3A] : memref<10112x128xf32, #tpu.memory_space<hbm>> -> memref<632x128xf32, #tpu.memory_space<hbm>>
        %dma_wait3A_28 = arith.constant 0 : i32
        %dma_wait3A_29 = tpu.memref_slice %arg13[%mul3A_0, %dma_wait3A_28] : memref<10112x128xf32, #tpu.memory_space<vmem_shared>> -> memref<632x128xf32, #tpu.memory_space<vmem_shared>>
        tpu.wait_dma2 semaphore(%run_scoped3A : memref<!tpu.dma_semaphore, #tpu.memory_space<semaphore_mem>>) src(%dma_wait3A_29 : memref<632x128xf32, #tpu.memory_space<vmem_shared>>) dst(%dma_wait3A_27 : memref<632x128xf32, #tpu.memory_space<hbm>>)
        tpu.yield
      }) : () -> ()
      "tpu.region"() ({
        %run_scoped3A = tpu.sem_alloc : memref<!tpu.dma_semaphore, #tpu.memory_space<semaphore_mem>>
        %dma_start3A = arith.constant 0 : i32
        %dma_start3A_24 = tpu.memref_slice %arg10[%mul3A_0, %dma_start3A] : memref<10112x16xf32, #tpu.memory_space<hbm>> -> memref<632x16xf32, #tpu.memory_space<hbm>>
        %dma_start3A_25 = arith.constant 0 : i32
        %dma_start3A_26 = tpu.memref_slice %arg19[%mul3A_0, %dma_start3A_25] : memref<10112x16xf32, #tpu.memory_space<vmem_shared>> -> memref<632x16xf32, #tpu.memory_space<vmem_shared>>
        tpu.enqueue_dma source(%dma_start3A_26 : memref<632x16xf32, #tpu.memory_space<vmem_shared>>) target(%dma_start3A_24 : memref<632x16xf32, #tpu.memory_space<hbm>>) target_semaphore(%run_scoped3A : memref<!tpu.dma_semaphore, #tpu.memory_space<semaphore_mem>>)
        %dma_wait3A = arith.constant 0 : i32
        %dma_wait3A_27 = tpu.memref_slice %arg10[%mul3A_0, %dma_wait3A] : memref<10112x16xf32, #tpu.memory_space<hbm>> -> memref<632x16xf32, #tpu.memory_space<hbm>>
        %dma_wait3A_28 = arith.constant 0 : i32
        %dma_wait3A_29 = tpu.memref_slice %arg19[%mul3A_0, %dma_wait3A_28] : memref<10112x16xf32, #tpu.memory_space<vmem_shared>> -> memref<632x16xf32, #tpu.memory_space<vmem_shared>>
        tpu.wait_dma2 semaphore(%run_scoped3A : memref<!tpu.dma_semaphore, #tpu.memory_space<semaphore_mem>>) src(%dma_wait3A_29 : memref<632x16xf32, #tpu.memory_space<vmem_shared>>) dst(%dma_wait3A_27 : memref<632x16xf32, #tpu.memory_space<hbm>>)
        tpu.yield
      }) : () -> ()
    } else {
    }
    %eq3A_19 = arith.constant 1 : i32
    %eq3A_20 = arith.cmpi eq, %arg0, %eq3A_19 : i32
    %convert_element_type3A_21 = arith.extui %eq3A_20 : i1 to i32
    %cond3A_22 = arith.constant 0 : i32
    %cond3A_23 = arith.cmpi ne, %convert_element_type3A_21, %cond3A_22 : i32
    scf.if %cond3A_23 {
      "tpu.region"() ({
        %run_scoped3A = tpu.sem_alloc : memref<!tpu.dma_semaphore, #tpu.memory_space<semaphore_mem>>
        %dma_start3A = arith.constant 0 : i32
        %dma_start3A_24 = tpu.memref_slice %arg9[%mul3A_0, %dma_start3A] : memref<10112x128xf32, #tpu.memory_space<hbm>> -> memref<632x128xf32, #tpu.memory_space<hbm>>
        %dma_start3A_25 = arith.constant 0 : i32
        %dma_start3A_26 = tpu.memref_slice %arg13[%mul3A_0, %dma_start3A_25] : memref<10112x128xf32, #tpu.memory_space<vmem_shared>> -> memref<632x128xf32, #tpu.memory_space<vmem_shared>>
        tpu.enqueue_dma source(%dma_start3A_26 : memref<632x128xf32, #tpu.memory_space<vmem_shared>>) target(%dma_start3A_24 : memref<632x128xf32, #tpu.memory_space<hbm>>) target_semaphore(%run_scoped3A : memref<!tpu.dma_semaphore, #tpu.memory_space<semaphore_mem>>)
        %dma_wait3A = arith.constant 0 : i32
        %dma_wait3A_27 = tpu.memref_slice %arg9[%mul3A_0, %dma_wait3A] : memref<10112x128xf32, #tpu.memory_space<hbm>> -> memref<632x128xf32, #tpu.memory_space<hbm>>
        %dma_wait3A_28 = arith.constant 0 : i32
        %dma_wait3A_29 = tpu.memref_slice %arg13[%mul3A_0, %dma_wait3A_28] : memref<10112x128xf32, #tpu.memory_space<vmem_shared>> -> memref<632x128xf32, #tpu.memory_space<vmem_shared>>
        tpu.wait_dma2 semaphore(%run_scoped3A : memref<!tpu.dma_semaphore, #tpu.memory_space<semaphore_mem>>) src(%dma_wait3A_29 : memref<632x128xf32, #tpu.memory_space<vmem_shared>>) dst(%dma_wait3A_27 : memref<632x128xf32, #tpu.memory_space<hbm>>)
        tpu.yield
      }) : () -> ()
    } else {
    }
    return
  }
}

#map = affine_map<(d0, d1) -> (0, 0)>
#map1 = affine_map<(d0, d1) -> (0, 0, 0, 0)>
module attributes {stable_mosaic.version = 14 : i64} {
  func.func @body_nd(%arg0: i32, %arg1: i32, %arg2: memref<10000x128xf32, #tpu.memory_space<hbm>>, %arg3: memref<10000x128xf32, #tpu.memory_space<hbm>>, %arg4: memref<16x100x2x100xi32, #tpu.memory_space<hbm>>, %arg5: memref<632x128xf32, #tpu.memory_space<hbm>>, %arg6: memref<632x16xf32, #tpu.memory_space<hbm>>, %arg7: memref<100x16xf32, #tpu.memory_space<hbm>>, %arg8: memref<10112x128xf32, #tpu.memory_space<hbm>>, %arg9: memref<10112x128xf32, #tpu.memory_space<hbm>>, %arg10: memref<2x2x100xi32, #tpu.memory_space<vmem>>, %arg11: memref<2x100x128xf32, #tpu.memory_space<vmem>>, %arg12: memref<10112x128xf32, #tpu.memory_space<vmem_shared>>, %arg13: memref<!tpu.dma_semaphore, #tpu.memory_space<semaphore_mem>>, %arg14: memref<!tpu.dma_semaphore, #tpu.memory_space<semaphore_mem>>, %arg15: memref<!tpu.dma_semaphore, #tpu.memory_space<semaphore_mem>>, %arg16: memref<!tpu.dma_semaphore, #tpu.memory_space<semaphore_mem>>) attributes {dimension_semantics = [#tpu.dimension_semantics<core_parallel>, #tpu.dimension_semantics<subcore_parallel>], iteration_bounds = array<i64: 2, 16>, scalar_prefetch = 0 : i64, scratch_operands = 7 : i64, tpu.core_type = #tpu.core_type<sc_vector_subcore>, window_params = [{transform_indices = #map}, {transform_indices = #map}, {transform_indices = #map1}, {transform_indices = #map}, {transform_indices = #map}, {transform_indices = #map}, {transform_indices = #map}, {transform_indices = #map}]} {
    %mul3A = arith.constant 632 : i32
    %mul3A_0 = arith.muli %arg1, %mul3A : i32
    "tpu.region"() ({
      %run_scoped3A = tpu.sem_alloc : memref<!tpu.dma_semaphore, #tpu.memory_space<semaphore_mem>>
      %dma_start3A = arith.constant 0 : i32
      %dma_start3A_19 = tpu.memref_slice %arg12[%mul3A_0, %dma_start3A] : memref<10112x128xf32, #tpu.memory_space<vmem_shared>> -> memref<632x128xf32, #tpu.memory_space<vmem_shared>>
      tpu.enqueue_dma source(%arg5 : memref<632x128xf32, #tpu.memory_space<hbm>>) target(%dma_start3A_19 : memref<632x128xf32, #tpu.memory_space<vmem_shared>>) target_semaphore(%run_scoped3A : memref<!tpu.dma_semaphore, #tpu.memory_space<semaphore_mem>>)
      %dma_wait3A = arith.constant 0 : i32
      %dma_wait3A_20 = tpu.memref_slice %arg12[%mul3A_0, %dma_wait3A] : memref<10112x128xf32, #tpu.memory_space<vmem_shared>> -> memref<632x128xf32, #tpu.memory_space<vmem_shared>>
      tpu.wait_dma2 semaphore(%run_scoped3A : memref<!tpu.dma_semaphore, #tpu.memory_space<semaphore_mem>>) src(%arg5 : memref<632x128xf32, #tpu.memory_space<hbm>>) dst(%dma_wait3A_20 : memref<632x128xf32, #tpu.memory_space<vmem_shared>>)
      tpu.yield
    }) : () -> ()
    %barrier3A = arith.constant 0 : index
    tpu.barrier barrier_id(%barrier3A)
    %eq3A = arith.constant 0 : i32
    %eq3A_1 = arith.cmpi eq, %arg0, %eq3A : i32
    %convert_element_type3A = arith.extui %eq3A_1 : i1 to i32
    %cond3A = arith.constant 0 : i32
    %cond3A_2 = arith.cmpi ne, %convert_element_type3A, %cond3A : i32
    scf.if %cond3A_2 {
      %run_scoped3A = arith.constant 0 : i32
      %run_scoped3A_19 = arith.constant 0 : i32
      "tpu.region"() ({
        %run_scoped3A_63 = tpu.sem_alloc : memref<!tpu.dma_semaphore, #tpu.memory_space<semaphore_mem>>
        %dma_start3A_64 = arith.constant 0 : i32
        %dma_start3A_65 = arith.constant 0 : i32
        %dma_start3A_66 = tpu.memref_slice %arg10[%run_scoped3A_19, %dma_start3A_64, %dma_start3A_65] : memref<2x2x100xi32, #tpu.memory_space<vmem>> -> memref<1x2x100xi32, #tpu.memory_space<vmem>>
        %dma_start3A_67 = tpu.memref_squeeze %dma_start3A_66 : memref<1x2x100xi32, #tpu.memory_space<vmem>> -> memref<2x100xi32, #tpu.memory_space<vmem>>
        %dma_start3A_68 = arith.constant 0 : i32
        %dma_start3A_69 = arith.constant 0 : i32
        %dma_start3A_70 = tpu.memref_slice %arg4[%arg1, %run_scoped3A, %dma_start3A_68, %dma_start3A_69] : memref<16x100x2x100xi32, #tpu.memory_space<hbm>> -> memref<1x1x2x100xi32, #tpu.memory_space<hbm>>
        %dma_start3A_71 = tpu.memref_squeeze %dma_start3A_70 : memref<1x1x2x100xi32, #tpu.memory_space<hbm>> -> memref<2x100xi32, #tpu.memory_space<hbm>>
        %dma_start3A_72 = arith.constant 0 : i32
        %dma_start3A_73 = arith.constant 0 : i32
        %dma_start3A_74 = tpu.memref_slice %arg10[%run_scoped3A_19, %dma_start3A_72, %dma_start3A_73] : memref<2x2x100xi32, #tpu.memory_space<vmem>> -> memref<1x2x100xi32, #tpu.memory_space<vmem>>
        %dma_start3A_75 = tpu.memref_squeeze %dma_start3A_74 : memref<1x2x100xi32, #tpu.memory_space<vmem>> -> memref<2x100xi32, #tpu.memory_space<vmem>>
        %dma_start3A_76 = arith.constant 0 : i32
        %dma_start3A_77 = arith.constant 0 : i32
        %dma_start3A_78 = tpu.memref_slice %arg4[%arg1, %run_scoped3A, %dma_start3A_76, %dma_start3A_77] : memref<16x100x2x100xi32, #tpu.memory_space<hbm>> -> memref<1x1x2x100xi32, #tpu.memory_space<hbm>>
        %dma_start3A_79 = tpu.memref_squeeze %dma_start3A_78 : memref<1x1x2x100xi32, #tpu.memory_space<hbm>> -> memref<2x100xi32, #tpu.memory_space<hbm>>
        tpu.enqueue_dma source(%dma_start3A_79 : memref<2x100xi32, #tpu.memory_space<hbm>>) target(%dma_start3A_75 : memref<2x100xi32, #tpu.memory_space<vmem>>) target_semaphore(%run_scoped3A_63 : memref<!tpu.dma_semaphore, #tpu.memory_space<semaphore_mem>>)
        %dma_wait3A = arith.constant 0 : i32
        %dma_wait3A_80 = arith.constant 0 : i32
        %dma_wait3A_81 = tpu.memref_slice %arg10[%run_scoped3A_19, %dma_wait3A, %dma_wait3A_80] : memref<2x2x100xi32, #tpu.memory_space<vmem>> -> memref<1x2x100xi32, #tpu.memory_space<vmem>>
        %dma_wait3A_82 = tpu.memref_squeeze %dma_wait3A_81 : memref<1x2x100xi32, #tpu.memory_space<vmem>> -> memref<2x100xi32, #tpu.memory_space<vmem>>
        %dma_wait3A_83 = arith.constant 0 : i32
        %dma_wait3A_84 = arith.constant 0 : i32
        %dma_wait3A_85 = tpu.memref_slice %arg4[%arg1, %run_scoped3A, %dma_wait3A_83, %dma_wait3A_84] : memref<16x100x2x100xi32, #tpu.memory_space<hbm>> -> memref<1x1x2x100xi32, #tpu.memory_space<hbm>>
        %dma_wait3A_86 = tpu.memref_squeeze %dma_wait3A_85 : memref<1x1x2x100xi32, #tpu.memory_space<hbm>> -> memref<2x100xi32, #tpu.memory_space<hbm>>
        %dma_wait3A_87 = arith.constant 0 : i32
        %dma_wait3A_88 = arith.constant 0 : i32
        %dma_wait3A_89 = tpu.memref_slice %arg10[%run_scoped3A_19, %dma_wait3A_87, %dma_wait3A_88] : memref<2x2x100xi32, #tpu.memory_space<vmem>> -> memref<1x2x100xi32, #tpu.memory_space<vmem>>
        %dma_wait3A_90 = tpu.memref_squeeze %dma_wait3A_89 : memref<1x2x100xi32, #tpu.memory_space<vmem>> -> memref<2x100xi32, #tpu.memory_space<vmem>>
        %dma_wait3A_91 = arith.constant 0 : i32
        %dma_wait3A_92 = arith.constant 0 : i32
        %dma_wait3A_93 = tpu.memref_slice %arg4[%arg1, %run_scoped3A, %dma_wait3A_91, %dma_wait3A_92] : memref<16x100x2x100xi32, #tpu.memory_space<hbm>> -> memref<1x1x2x100xi32, #tpu.memory_space<hbm>>
        %dma_wait3A_94 = tpu.memref_squeeze %dma_wait3A_93 : memref<1x1x2x100xi32, #tpu.memory_space<hbm>> -> memref<2x100xi32, #tpu.memory_space<hbm>>
        tpu.wait_dma2 semaphore(%run_scoped3A_63 : memref<!tpu.dma_semaphore, #tpu.memory_space<semaphore_mem>>) src(%dma_wait3A_94 : memref<2x100xi32, #tpu.memory_space<hbm>>) dst(%dma_wait3A_90 : memref<2x100xi32, #tpu.memory_space<vmem>>)
        tpu.yield
      }) : () -> ()
      %dma_start3A = arith.constant 0 : i32
      %dma_start3A_20 = arith.constant 0 : i32
      %dma_start3A_21 = arith.constant 0 : i32
      %dma_start3A_22 = arith.constant 0 : i32
      %dma_start3A_23 = arith.constant 0 : i32
      %dma_start3A_24 = tpu.memref_slice %arg11[%dma_start3A_21, %dma_start3A_22, %dma_start3A_23] : memref<2x100x128xf32, #tpu.memory_space<vmem>> -> memref<1x100x128xf32, #tpu.memory_space<vmem>>
      %dma_start3A_25 = tpu.memref_squeeze %dma_start3A_24 : memref<1x100x128xf32, #tpu.memory_space<vmem>> -> memref<100x128xf32, #tpu.memory_space<vmem>>
      %dma_start3A_26 = arith.constant 0 : i32
      %dma_start3A_27 = arith.constant 0 : i32
      %dma_start3A_28 = tpu.memref_slice %arg10[%dma_start3A, %dma_start3A_26, %dma_start3A_27] : memref<2x2x100xi32, #tpu.memory_space<vmem>> -> memref<1x2x100xi32, #tpu.memory_space<vmem>>
      %dma_start3A_29 = tpu.memref_squeeze %dma_start3A_28 : memref<1x2x100xi32, #tpu.memory_space<vmem>> -> memref<2x100xi32, #tpu.memory_space<vmem>>
      %dma_start3A_30 = arith.constant 0 : i32
      %dma_start3A_31 = tpu.memref_slice %dma_start3A_29[%dma_start3A_20, %dma_start3A_30] : memref<2x100xi32, #tpu.memory_space<vmem>> -> memref<1x100xi32, #tpu.memory_space<vmem>>
      %dma_start3A_32 = tpu.memref_squeeze %dma_start3A_31 : memref<1x100xi32, #tpu.memory_space<vmem>> -> memref<100xi32, #tpu.memory_space<vmem>>
      %dma_start3A_33 = arith.constant 0 : i32
      %dma_start3A_34 = arith.constant 0 : i32
      %dma_start3A_35 = tpu.memref_slice %arg2[%dma_start3A_33, %dma_start3A_34] : memref<10000x128xf32, #tpu.memory_space<hbm>> -> memref<10000x128xf32, #tpu.memory_space<hbm>>
      tpu.enqueue_indirect_dma source(%dma_start3A_35 : memref<10000x128xf32, #tpu.memory_space<hbm>>) target(%dma_start3A_25 : memref<100x128xf32, #tpu.memory_space<vmem>>) offsets(%dma_start3A_32 : memref<100xi32, #tpu.memory_space<vmem>>) semaphore(%arg13 : memref<!tpu.dma_semaphore, #tpu.memory_space<semaphore_mem>>)
      %dma_start3A_36 = arith.constant 1 : i32
      %dma_start3A_37 = arith.constant 1 : i32
      %dma_start3A_38 = arith.constant 0 : i32
      %dma_start3A_39 = arith.constant 0 : i32
      %dma_start3A_40 = tpu.memref_slice %arg10[%dma_start3A_37, %dma_start3A_38, %dma_start3A_39] : memref<2x2x100xi32, #tpu.memory_space<vmem>> -> memref<1x2x100xi32, #tpu.memory_space<vmem>>
      %dma_start3A_41 = tpu.memref_squeeze %dma_start3A_40 : memref<1x2x100xi32, #tpu.memory_space<vmem>> -> memref<2x100xi32, #tpu.memory_space<vmem>>
      %dma_start3A_42 = arith.constant 0 : i32
      %dma_start3A_43 = arith.constant 0 : i32
      %dma_start3A_44 = tpu.memref_slice %arg4[%arg1, %dma_start3A_36, %dma_start3A_42, %dma_start3A_43] : memref<16x100x2x100xi32, #tpu.memory_space<hbm>> -> memref<1x1x2x100xi32, #tpu.memory_space<hbm>>
      %dma_start3A_45 = tpu.memref_squeeze %dma_start3A_44 : memref<1x1x2x100xi32, #tpu.memory_space<hbm>> -> memref<2x100xi32, #tpu.memory_space<hbm>>
      %dma_start3A_46 = arith.constant 0 : i32
      %dma_start3A_47 = arith.constant 0 : i32
      %dma_start3A_48 = tpu.memref_slice %arg10[%dma_start3A_37, %dma_start3A_46, %dma_start3A_47] : memref<2x2x100xi32, #tpu.memory_space<vmem>> -> memref<1x2x100xi32, #tpu.memory_space<vmem>>
      %dma_start3A_49 = tpu.memref_squeeze %dma_start3A_48 : memref<1x2x100xi32, #tpu.memory_space<vmem>> -> memref<2x100xi32, #tpu.memory_space<vmem>>
      %dma_start3A_50 = arith.constant 0 : i32
      %dma_start3A_51 = arith.constant 0 : i32
      %dma_start3A_52 = tpu.memref_slice %arg4[%arg1, %dma_start3A_36, %dma_start3A_50, %dma_start3A_51] : memref<16x100x2x100xi32, #tpu.memory_space<hbm>> -> memref<1x1x2x100xi32, #tpu.memory_space<hbm>>
      %dma_start3A_53 = tpu.memref_squeeze %dma_start3A_52 : memref<1x1x2x100xi32, #tpu.memory_space<hbm>> -> memref<2x100xi32, #tpu.memory_space<hbm>>
      tpu.enqueue_dma source(%dma_start3A_53 : memref<2x100xi32, #tpu.memory_space<hbm>>) target(%dma_start3A_49 : memref<2x100xi32, #tpu.memory_space<vmem>>) target_semaphore(%arg16 : memref<!tpu.dma_semaphore, #tpu.memory_space<semaphore_mem>>)
      %scan3A = arith.constant 0 : i32
      %scan3A_54 = arith.constant 1 : i32
      %scan3A_55 = arith.constant 0 : i32
      %scan3A_56 = arith.constant 0 : i32
      %scan3A_57 = arith.constant 1 : i32
      %scan3A_58 = arith.constant 0 : i32
      %scan3A_59 = arith.constant 50 : i32
      %scan3A_60 = arith.addi %scan3A_58, %scan3A_59 : i32
      %scan3A_61 = arith.constant 1 : i32
      scf.for %scan3A_63 = %scan3A_58 to %scan3A_60 step %scan3A_61  : i32 {
        %mul3A_64 = arith.constant 2 : i32
        %mul3A_65 = arith.muli %mul3A_64, %scan3A_63 : i32
        %dma_wait3A = arith.constant 0 : i32
        %dma_wait3A_66 = arith.constant 0 : i32
        %dma_wait3A_67 = arith.constant 0 : i32
        %dma_wait3A_68 = tpu.memref_slice %arg10[%scan3A_54, %dma_wait3A_66, %dma_wait3A_67] : memref<2x2x100xi32, #tpu.memory_space<vmem>> -> memref<1x2x100xi32, #tpu.memory_space<vmem>>
        %dma_wait3A_69 = tpu.memref_squeeze %dma_wait3A_68 : memref<1x2x100xi32, #tpu.memory_space<vmem>> -> memref<2x100xi32, #tpu.memory_space<vmem>>
        %dma_wait3A_70 = arith.constant 0 : i32
        %dma_wait3A_71 = arith.constant 0 : i32
        %dma_wait3A_72 = tpu.memref_slice %arg4[%arg1, %dma_wait3A, %dma_wait3A_70, %dma_wait3A_71] : memref<16x100x2x100xi32, #tpu.memory_space<hbm>> -> memref<1x1x2x100xi32, #tpu.memory_space<hbm>>
        %dma_wait3A_73 = tpu.memref_squeeze %dma_wait3A_72 : memref<1x1x2x100xi32, #tpu.memory_space<hbm>> -> memref<2x100xi32, #tpu.memory_space<hbm>>
        %dma_wait3A_74 = arith.constant 0 : i32
        %dma_wait3A_75 = arith.constant 0 : i32
        %dma_wait3A_76 = tpu.memref_slice %arg10[%scan3A_54, %dma_wait3A_74, %dma_wait3A_75] : memref<2x2x100xi32, #tpu.memory_space<vmem>> -> memref<1x2x100xi32, #tpu.memory_space<vmem>>
        %dma_wait3A_77 = tpu.memref_squeeze %dma_wait3A_76 : memref<1x2x100xi32, #tpu.memory_space<vmem>> -> memref<2x100xi32, #tpu.memory_space<vmem>>
        %dma_wait3A_78 = arith.constant 0 : i32
        %dma_wait3A_79 = arith.constant 0 : i32
        %dma_wait3A_80 = tpu.memref_slice %arg4[%arg1, %dma_wait3A, %dma_wait3A_78, %dma_wait3A_79] : memref<16x100x2x100xi32, #tpu.memory_space<hbm>> -> memref<1x1x2x100xi32, #tpu.memory_space<hbm>>
        %dma_wait3A_81 = tpu.memref_squeeze %dma_wait3A_80 : memref<1x1x2x100xi32, #tpu.memory_space<hbm>> -> memref<2x100xi32, #tpu.memory_space<hbm>>
        tpu.wait_dma2 semaphore(%arg16 : memref<!tpu.dma_semaphore, #tpu.memory_space<semaphore_mem>>) src(%dma_wait3A_81 : memref<2x100xi32, #tpu.memory_space<hbm>>) dst(%dma_wait3A_77 : memref<2x100xi32, #tpu.memory_space<vmem>>)
        %dma_wait3A_82 = arith.constant 0 : i32
        %dma_wait3A_83 = arith.constant 0 : i32
        %dma_wait3A_84 = arith.constant 0 : i32
        %dma_wait3A_85 = tpu.memref_slice %arg11[%scan3A_56, %dma_wait3A_83, %dma_wait3A_84] : memref<2x100x128xf32, #tpu.memory_space<vmem>> -> memref<1x100x128xf32, #tpu.memory_space<vmem>>
        %dma_wait3A_86 = tpu.memref_squeeze %dma_wait3A_85 : memref<1x100x128xf32, #tpu.memory_space<vmem>> -> memref<100x128xf32, #tpu.memory_space<vmem>>
        %dma_wait3A_87 = arith.constant 0 : i32
        %dma_wait3A_88 = arith.constant 0 : i32
        %dma_wait3A_89 = tpu.memref_slice %arg10[%scan3A_55, %dma_wait3A_87, %dma_wait3A_88] : memref<2x2x100xi32, #tpu.memory_space<vmem>> -> memref<1x2x100xi32, #tpu.memory_space<vmem>>
        %dma_wait3A_90 = tpu.memref_squeeze %dma_wait3A_89 : memref<1x2x100xi32, #tpu.memory_space<vmem>> -> memref<2x100xi32, #tpu.memory_space<vmem>>
        %dma_wait3A_91 = arith.constant 0 : i32
        %dma_wait3A_92 = tpu.memref_slice %dma_wait3A_90[%dma_wait3A_82, %dma_wait3A_91] : memref<2x100xi32, #tpu.memory_space<vmem>> -> memref<1x100xi32, #tpu.memory_space<vmem>>
        %dma_wait3A_93 = tpu.memref_squeeze %dma_wait3A_92 : memref<1x100xi32, #tpu.memory_space<vmem>> -> memref<100xi32, #tpu.memory_space<vmem>>
        %dma_wait3A_94 = arith.constant 0 : i32
        %dma_wait3A_95 = arith.constant 0 : i32
        %dma_wait3A_96 = tpu.memref_slice %arg2[%dma_wait3A_94, %dma_wait3A_95] : memref<10000x128xf32, #tpu.memory_space<hbm>> -> memref<10000x128xf32, #tpu.memory_space<hbm>>
        tpu.wait_indirect_dma semaphore(%arg13 : memref<!tpu.dma_semaphore, #tpu.memory_space<semaphore_mem>>) src(%dma_wait3A_96 : memref<10000x128xf32, #tpu.memory_space<hbm>>) dst(%dma_wait3A_86 : memref<100x128xf32, #tpu.memory_space<vmem>>)
        %dma_start3A_97 = arith.constant 0 : i32
        %dma_start3A_98 = arith.constant 0 : i32
        %dma_start3A_99 = arith.constant 0 : i32
        %dma_start3A_100 = tpu.memref_slice %arg11[%scan3A_57, %dma_start3A_98, %dma_start3A_99] : memref<2x100x128xf32, #tpu.memory_space<vmem>> -> memref<1x100x128xf32, #tpu.memory_space<vmem>>
        %dma_start3A_101 = tpu.memref_squeeze %dma_start3A_100 : memref<1x100x128xf32, #tpu.memory_space<vmem>> -> memref<100x128xf32, #tpu.memory_space<vmem>>
        %dma_start3A_102 = arith.constant 0 : i32
        %dma_start3A_103 = arith.constant 0 : i32
        %dma_start3A_104 = tpu.memref_slice %arg10[%scan3A_54, %dma_start3A_102, %dma_start3A_103] : memref<2x2x100xi32, #tpu.memory_space<vmem>> -> memref<1x2x100xi32, #tpu.memory_space<vmem>>
        %dma_start3A_105 = tpu.memref_squeeze %dma_start3A_104 : memref<1x2x100xi32, #tpu.memory_space<vmem>> -> memref<2x100xi32, #tpu.memory_space<vmem>>
        %dma_start3A_106 = arith.constant 0 : i32
        %dma_start3A_107 = tpu.memref_slice %dma_start3A_105[%dma_start3A_97, %dma_start3A_106] : memref<2x100xi32, #tpu.memory_space<vmem>> -> memref<1x100xi32, #tpu.memory_space<vmem>>
        %dma_start3A_108 = tpu.memref_squeeze %dma_start3A_107 : memref<1x100xi32, #tpu.memory_space<vmem>> -> memref<100xi32, #tpu.memory_space<vmem>>
        %dma_start3A_109 = arith.constant 0 : i32
        %dma_start3A_110 = arith.constant 0 : i32
        %dma_start3A_111 = tpu.memref_slice %arg2[%dma_start3A_109, %dma_start3A_110] : memref<10000x128xf32, #tpu.memory_space<hbm>> -> memref<10000x128xf32, #tpu.memory_space<hbm>>
        tpu.enqueue_indirect_dma source(%dma_start3A_111 : memref<10000x128xf32, #tpu.memory_space<hbm>>) target(%dma_start3A_101 : memref<100x128xf32, #tpu.memory_space<vmem>>) offsets(%dma_start3A_108 : memref<100xi32, #tpu.memory_space<vmem>>) semaphore(%arg14 : memref<!tpu.dma_semaphore, #tpu.memory_space<semaphore_mem>>)
        %run_scoped3A_112 = arith.constant 1 : i32
        "tpu.region"() ({
          %run_scoped3A_148 = tpu.sem_alloc : memref<!tpu.dma_semaphore, #tpu.memory_space<semaphore_mem>>
          %dma_start3A_149 = arith.constant 0 : i32
          %dma_start3A_150 = arith.constant 0 : i32
          %dma_start3A_151 = tpu.memref_slice %arg11[%scan3A_56, %dma_start3A_149, %dma_start3A_150] : memref<2x100x128xf32, #tpu.memory_space<vmem>> -> memref<1x100x128xf32, #tpu.memory_space<vmem>>
          %dma_start3A_152 = tpu.memref_squeeze %dma_start3A_151 : memref<1x100x128xf32, #tpu.memory_space<vmem>> -> memref<100x128xf32, #tpu.memory_space<vmem>>
          %dma_start3A_153 = arith.constant 0 : i32
          %dma_start3A_154 = arith.constant 0 : i32
          %dma_start3A_155 = tpu.memref_slice %arg10[%scan3A_55, %dma_start3A_153, %dma_start3A_154] : memref<2x2x100xi32, #tpu.memory_space<vmem>> -> memref<1x2x100xi32, #tpu.memory_space<vmem>>
          %dma_start3A_156 = tpu.memref_squeeze %dma_start3A_155 : memref<1x2x100xi32, #tpu.memory_space<vmem>> -> memref<2x100xi32, #tpu.memory_space<vmem>>
          %dma_start3A_157 = arith.constant 0 : i32
          %dma_start3A_158 = tpu.memref_slice %dma_start3A_156[%run_scoped3A_112, %dma_start3A_157] : memref<2x100xi32, #tpu.memory_space<vmem>> -> memref<1x100xi32, #tpu.memory_space<vmem>>
          %dma_start3A_159 = tpu.memref_squeeze %dma_start3A_158 : memref<1x100xi32, #tpu.memory_space<vmem>> -> memref<100xi32, #tpu.memory_space<vmem>>
          %dma_start3A_160 = arith.constant 0 : i32
          %dma_start3A_161 = arith.constant 0 : i32
          %dma_start3A_162 = tpu.memref_slice %arg12[%dma_start3A_160, %dma_start3A_161] : memref<10112x128xf32, #tpu.memory_space<vmem_shared>> -> memref<10112x128xf32, #tpu.memory_space<vmem_shared>>
          tpu.enqueue_indirect_dma source(%dma_start3A_152 : memref<100x128xf32, #tpu.memory_space<vmem>>) target(%dma_start3A_162 : memref<10112x128xf32, #tpu.memory_space<vmem_shared>>) offsets(%dma_start3A_159 : memref<100xi32, #tpu.memory_space<vmem>>) semaphore(%run_scoped3A_148 : memref<!tpu.dma_semaphore, #tpu.memory_space<semaphore_mem>>) {add = true}
          %dma_wait3A_163 = arith.constant 0 : i32
          %dma_wait3A_164 = arith.constant 0 : i32
          %dma_wait3A_165 = tpu.memref_slice %arg11[%scan3A_56, %dma_wait3A_163, %dma_wait3A_164] : memref<2x100x128xf32, #tpu.memory_space<vmem>> -> memref<1x100x128xf32, #tpu.memory_space<vmem>>
          %dma_wait3A_166 = tpu.memref_squeeze %dma_wait3A_165 : memref<1x100x128xf32, #tpu.memory_space<vmem>> -> memref<100x128xf32, #tpu.memory_space<vmem>>
          %dma_wait3A_167 = arith.constant 0 : i32
          %dma_wait3A_168 = arith.constant 0 : i32
          %dma_wait3A_169 = tpu.memref_slice %arg10[%scan3A_55, %dma_wait3A_167, %dma_wait3A_168] : memref<2x2x100xi32, #tpu.memory_space<vmem>> -> memref<1x2x100xi32, #tpu.memory_space<vmem>>
          %dma_wait3A_170 = tpu.memref_squeeze %dma_wait3A_169 : memref<1x2x100xi32, #tpu.memory_space<vmem>> -> memref<2x100xi32, #tpu.memory_space<vmem>>
          %dma_wait3A_171 = arith.constant 0 : i32
          %dma_wait3A_172 = tpu.memref_slice %dma_wait3A_170[%run_scoped3A_112, %dma_wait3A_171] : memref<2x100xi32, #tpu.memory_space<vmem>> -> memref<1x100xi32, #tpu.memory_space<vmem>>
          %dma_wait3A_173 = tpu.memref_squeeze %dma_wait3A_172 : memref<1x100xi32, #tpu.memory_space<vmem>> -> memref<100xi32, #tpu.memory_space<vmem>>
          %dma_wait3A_174 = arith.constant 0 : i32
          %dma_wait3A_175 = arith.constant 0 : i32
          %dma_wait3A_176 = tpu.memref_slice %arg12[%dma_wait3A_174, %dma_wait3A_175] : memref<10112x128xf32, #tpu.memory_space<vmem_shared>> -> memref<10112x128xf32, #tpu.memory_space<vmem_shared>>
          tpu.wait_indirect_dma semaphore(%run_scoped3A_148 : memref<!tpu.dma_semaphore, #tpu.memory_space<semaphore_mem>>) src(%dma_wait3A_166 : memref<100x128xf32, #tpu.memory_space<vmem>>) dst(%dma_wait3A_176 : memref<10112x128xf32, #tpu.memory_space<vmem_shared>>)
          tpu.yield
        }) : () -> ()
        %add3A = arith.constant 2 : i32
        %add3A_113 = arith.addi %mul3A_65, %add3A : i32
        %lt3A = arith.constant 100 : i32
        %lt3A_114 = arith.cmpi slt, %add3A_113, %lt3A : i32
        %convert_element_type3A_115 = arith.extui %lt3A_114 : i1 to i32
        %cond3A_116 = arith.constant 0 : i32
        %cond3A_117 = arith.cmpi ne, %convert_element_type3A_115, %cond3A_116 : i32
        scf.if %cond3A_117 {
          %add3A_148 = arith.constant 2 : i32
          %add3A_149 = arith.addi %mul3A_65, %add3A_148 : i32
          %dma_start3A_150 = arith.constant 0 : i32
          %dma_start3A_151 = arith.constant 0 : i32
          %dma_start3A_152 = tpu.memref_slice %arg10[%scan3A_55, %dma_start3A_150, %dma_start3A_151] : memref<2x2x100xi32, #tpu.memory_space<vmem>> -> memref<1x2x100xi32, #tpu.memory_space<vmem>>
          %dma_start3A_153 = tpu.memref_squeeze %dma_start3A_152 : memref<1x2x100xi32, #tpu.memory_space<vmem>> -> memref<2x100xi32, #tpu.memory_space<vmem>>
          %dma_start3A_154 = arith.constant 0 : i32
          %dma_start3A_155 = arith.constant 0 : i32
          %dma_start3A_156 = tpu.memref_slice %arg4[%arg1, %add3A_149, %dma_start3A_154, %dma_start3A_155] : memref<16x100x2x100xi32, #tpu.memory_space<hbm>> -> memref<1x1x2x100xi32, #tpu.memory_space<hbm>>
          %dma_start3A_157 = tpu.memref_squeeze %dma_start3A_156 : memref<1x1x2x100xi32, #tpu.memory_space<hbm>> -> memref<2x100xi32, #tpu.memory_space<hbm>>
          %dma_start3A_158 = arith.constant 0 : i32
          %dma_start3A_159 = arith.constant 0 : i32
          %dma_start3A_160 = tpu.memref_slice %arg10[%scan3A_55, %dma_start3A_158, %dma_start3A_159] : memref<2x2x100xi32, #tpu.memory_space<vmem>> -> memref<1x2x100xi32, #tpu.memory_space<vmem>>
          %dma_start3A_161 = tpu.memref_squeeze %dma_start3A_160 : memref<1x2x100xi32, #tpu.memory_space<vmem>> -> memref<2x100xi32, #tpu.memory_space<vmem>>
          %dma_start3A_162 = arith.constant 0 : i32
          %dma_start3A_163 = arith.constant 0 : i32
          %dma_start3A_164 = tpu.memref_slice %arg4[%arg1, %add3A_149, %dma_start3A_162, %dma_start3A_163] : memref<16x100x2x100xi32, #tpu.memory_space<hbm>> -> memref<1x1x2x100xi32, #tpu.memory_space<hbm>>
          %dma_start3A_165 = tpu.memref_squeeze %dma_start3A_164 : memref<1x1x2x100xi32, #tpu.memory_space<hbm>> -> memref<2x100xi32, #tpu.memory_space<hbm>>
          tpu.enqueue_dma source(%dma_start3A_165 : memref<2x100xi32, #tpu.memory_space<hbm>>) target(%dma_start3A_161 : memref<2x100xi32, #tpu.memory_space<vmem>>) target_semaphore(%arg15 : memref<!tpu.dma_semaphore, #tpu.memory_space<semaphore_mem>>)
        } else {
        }
        %add3A_118 = arith.constant 2 : i32
        %add3A_119 = arith.addi %mul3A_65, %add3A_118 : i32
        %lt3A_120 = arith.constant 100 : i32
        %lt3A_121 = arith.cmpi slt, %add3A_119, %lt3A_120 : i32
        %convert_element_type3A_122 = arith.extui %lt3A_121 : i1 to i32
        %cond3A_123 = arith.constant 0 : i32
        %cond3A_124 = arith.cmpi ne, %convert_element_type3A_122, %cond3A_123 : i32
        scf.if %cond3A_124 {
          %dma_wait3A_148 = arith.constant 0 : i32
          %dma_wait3A_149 = arith.constant 0 : i32
          %dma_wait3A_150 = arith.constant 0 : i32
          %dma_wait3A_151 = tpu.memref_slice %arg10[%scan3A_55, %dma_wait3A_149, %dma_wait3A_150] : memref<2x2x100xi32, #tpu.memory_space<vmem>> -> memref<1x2x100xi32, #tpu.memory_space<vmem>>
          %dma_wait3A_152 = tpu.memref_squeeze %dma_wait3A_151 : memref<1x2x100xi32, #tpu.memory_space<vmem>> -> memref<2x100xi32, #tpu.memory_space<vmem>>
          %dma_wait3A_153 = arith.constant 0 : i32
          %dma_wait3A_154 = arith.constant 0 : i32
          %dma_wait3A_155 = tpu.memref_slice %arg4[%arg1, %dma_wait3A_148, %dma_wait3A_153, %dma_wait3A_154] : memref<16x100x2x100xi32, #tpu.memory_space<hbm>> -> memref<1x1x2x100xi32, #tpu.memory_space<hbm>>
          %dma_wait3A_156 = tpu.memref_squeeze %dma_wait3A_155 : memref<1x1x2x100xi32, #tpu.memory_space<hbm>> -> memref<2x100xi32, #tpu.memory_space<hbm>>
          %dma_wait3A_157 = arith.constant 0 : i32
          %dma_wait3A_158 = arith.constant 0 : i32
          %dma_wait3A_159 = tpu.memref_slice %arg10[%scan3A_55, %dma_wait3A_157, %dma_wait3A_158] : memref<2x2x100xi32, #tpu.memory_space<vmem>> -> memref<1x2x100xi32, #tpu.memory_space<vmem>>
          %dma_wait3A_160 = tpu.memref_squeeze %dma_wait3A_159 : memref<1x2x100xi32, #tpu.memory_space<vmem>> -> memref<2x100xi32, #tpu.memory_space<vmem>>
          %dma_wait3A_161 = arith.constant 0 : i32
          %dma_wait3A_162 = arith.constant 0 : i32
          %dma_wait3A_163 = tpu.memref_slice %arg4[%arg1, %dma_wait3A_148, %dma_wait3A_161, %dma_wait3A_162] : memref<16x100x2x100xi32, #tpu.memory_space<hbm>> -> memref<1x1x2x100xi32, #tpu.memory_space<hbm>>
          %dma_wait3A_164 = tpu.memref_squeeze %dma_wait3A_163 : memref<1x1x2x100xi32, #tpu.memory_space<hbm>> -> memref<2x100xi32, #tpu.memory_space<hbm>>
          tpu.wait_dma2 semaphore(%arg15 : memref<!tpu.dma_semaphore, #tpu.memory_space<semaphore_mem>>) src(%dma_wait3A_164 : memref<2x100xi32, #tpu.memory_space<hbm>>) dst(%dma_wait3A_160 : memref<2x100xi32, #tpu.memory_space<vmem>>)
          %dma_start3A_165 = arith.constant 0 : i32
          %dma_start3A_166 = arith.constant 0 : i32
          %dma_start3A_167 = arith.constant 0 : i32
          %dma_start3A_168 = tpu.memref_slice %arg11[%scan3A_56, %dma_start3A_166, %dma_start3A_167] : memref<2x100x128xf32, #tpu.memory_space<vmem>> -> memref<1x100x128xf32, #tpu.memory_space<vmem>>
          %dma_start3A_169 = tpu.memref_squeeze %dma_start3A_168 : memref<1x100x128xf32, #tpu.memory_space<vmem>> -> memref<100x128xf32, #tpu.memory_space<vmem>>
          %dma_start3A_170 = arith.constant 0 : i32
          %dma_start3A_171 = arith.constant 0 : i32
          %dma_start3A_172 = tpu.memref_slice %arg10[%scan3A_55, %dma_start3A_170, %dma_start3A_171] : memref<2x2x100xi32, #tpu.memory_space<vmem>> -> memref<1x2x100xi32, #tpu.memory_space<vmem>>
          %dma_start3A_173 = tpu.memref_squeeze %dma_start3A_172 : memref<1x2x100xi32, #tpu.memory_space<vmem>> -> memref<2x100xi32, #tpu.memory_space<vmem>>
          %dma_start3A_174 = arith.constant 0 : i32
          %dma_start3A_175 = tpu.memref_slice %dma_start3A_173[%dma_start3A_165, %dma_start3A_174] : memref<2x100xi32, #tpu.memory_space<vmem>> -> memref<1x100xi32, #tpu.memory_space<vmem>>
          %dma_start3A_176 = tpu.memref_squeeze %dma_start3A_175 : memref<1x100xi32, #tpu.memory_space<vmem>> -> memref<100xi32, #tpu.memory_space<vmem>>
          %dma_start3A_177 = arith.constant 0 : i32
          %dma_start3A_178 = arith.constant 0 : i32
          %dma_start3A_179 = tpu.memref_slice %arg2[%dma_start3A_177, %dma_start3A_178] : memref<10000x128xf32, #tpu.memory_space<hbm>> -> memref<10000x128xf32, #tpu.memory_space<hbm>>
          tpu.enqueue_indirect_dma source(%dma_start3A_179 : memref<10000x128xf32, #tpu.memory_space<hbm>>) target(%dma_start3A_169 : memref<100x128xf32, #tpu.memory_space<vmem>>) offsets(%dma_start3A_176 : memref<100xi32, #tpu.memory_space<vmem>>) semaphore(%arg13 : memref<!tpu.dma_semaphore, #tpu.memory_space<semaphore_mem>>)
        } else {
        }
        %dma_wait3A_125 = arith.constant 0 : i32
        %dma_wait3A_126 = arith.constant 0 : i32
        %dma_wait3A_127 = arith.constant 0 : i32
        %dma_wait3A_128 = tpu.memref_slice %arg11[%scan3A_57, %dma_wait3A_126, %dma_wait3A_127] : memref<2x100x128xf32, #tpu.memory_space<vmem>> -> memref<1x100x128xf32, #tpu.memory_space<vmem>>
        %dma_wait3A_129 = tpu.memref_squeeze %dma_wait3A_128 : memref<1x100x128xf32, #tpu.memory_space<vmem>> -> memref<100x128xf32, #tpu.memory_space<vmem>>
        %dma_wait3A_130 = arith.constant 0 : i32
        %dma_wait3A_131 = arith.constant 0 : i32
        %dma_wait3A_132 = tpu.memref_slice %arg10[%scan3A_54, %dma_wait3A_130, %dma_wait3A_131] : memref<2x2x100xi32, #tpu.memory_space<vmem>> -> memref<1x2x100xi32, #tpu.memory_space<vmem>>
        %dma_wait3A_133 = tpu.memref_squeeze %dma_wait3A_132 : memref<1x2x100xi32, #tpu.memory_space<vmem>> -> memref<2x100xi32, #tpu.memory_space<vmem>>
        %dma_wait3A_134 = arith.constant 0 : i32
        %dma_wait3A_135 = tpu.memref_slice %dma_wait3A_133[%dma_wait3A_125, %dma_wait3A_134] : memref<2x100xi32, #tpu.memory_space<vmem>> -> memref<1x100xi32, #tpu.memory_space<vmem>>
        %dma_wait3A_136 = tpu.memref_squeeze %dma_wait3A_135 : memref<1x100xi32, #tpu.memory_space<vmem>> -> memref<100xi32, #tpu.memory_space<vmem>>
        %dma_wait3A_137 = arith.constant 0 : i32
        %dma_wait3A_138 = arith.constant 0 : i32
        %dma_wait3A_139 = tpu.memref_slice %arg2[%dma_wait3A_137, %dma_wait3A_138] : memref<10000x128xf32, #tpu.memory_space<hbm>> -> memref<10000x128xf32, #tpu.memory_space<hbm>>
        tpu.wait_indirect_dma semaphore(%arg14 : memref<!tpu.dma_semaphore, #tpu.memory_space<semaphore_mem>>) src(%dma_wait3A_139 : memref<10000x128xf32, #tpu.memory_space<hbm>>) dst(%dma_wait3A_129 : memref<100x128xf32, #tpu.memory_space<vmem>>)
        %run_scoped3A_140 = arith.constant 1 : i32
        "tpu.region"() ({
          %run_scoped3A_148 = tpu.sem_alloc : memref<!tpu.dma_semaphore, #tpu.memory_space<semaphore_mem>>
          %dma_start3A_149 = arith.constant 0 : i32
          %dma_start3A_150 = arith.constant 0 : i32
          %dma_start3A_151 = tpu.memref_slice %arg11[%scan3A_57, %dma_start3A_149, %dma_start3A_150] : memref<2x100x128xf32, #tpu.memory_space<vmem>> -> memref<1x100x128xf32, #tpu.memory_space<vmem>>
          %dma_start3A_152 = tpu.memref_squeeze %dma_start3A_151 : memref<1x100x128xf32, #tpu.memory_space<vmem>> -> memref<100x128xf32, #tpu.memory_space<vmem>>
          %dma_start3A_153 = arith.constant 0 : i32
          %dma_start3A_154 = arith.constant 0 : i32
          %dma_start3A_155 = tpu.memref_slice %arg10[%scan3A_54, %dma_start3A_153, %dma_start3A_154] : memref<2x2x100xi32, #tpu.memory_space<vmem>> -> memref<1x2x100xi32, #tpu.memory_space<vmem>>
          %dma_start3A_156 = tpu.memref_squeeze %dma_start3A_155 : memref<1x2x100xi32, #tpu.memory_space<vmem>> -> memref<2x100xi32, #tpu.memory_space<vmem>>
          %dma_start3A_157 = arith.constant 0 : i32
          %dma_start3A_158 = tpu.memref_slice %dma_start3A_156[%run_scoped3A_140, %dma_start3A_157] : memref<2x100xi32, #tpu.memory_space<vmem>> -> memref<1x100xi32, #tpu.memory_space<vmem>>
          %dma_start3A_159 = tpu.memref_squeeze %dma_start3A_158 : memref<1x100xi32, #tpu.memory_space<vmem>> -> memref<100xi32, #tpu.memory_space<vmem>>
          %dma_start3A_160 = arith.constant 0 : i32
          %dma_start3A_161 = arith.constant 0 : i32
          %dma_start3A_162 = tpu.memref_slice %arg12[%dma_start3A_160, %dma_start3A_161] : memref<10112x128xf32, #tpu.memory_space<vmem_shared>> -> memref<10112x128xf32, #tpu.memory_space<vmem_shared>>
          tpu.enqueue_indirect_dma source(%dma_start3A_152 : memref<100x128xf32, #tpu.memory_space<vmem>>) target(%dma_start3A_162 : memref<10112x128xf32, #tpu.memory_space<vmem_shared>>) offsets(%dma_start3A_159 : memref<100xi32, #tpu.memory_space<vmem>>) semaphore(%run_scoped3A_148 : memref<!tpu.dma_semaphore, #tpu.memory_space<semaphore_mem>>) {add = true}
          %dma_wait3A_163 = arith.constant 0 : i32
          %dma_wait3A_164 = arith.constant 0 : i32
          %dma_wait3A_165 = tpu.memref_slice %arg11[%scan3A_57, %dma_wait3A_163, %dma_wait3A_164] : memref<2x100x128xf32, #tpu.memory_space<vmem>> -> memref<1x100x128xf32, #tpu.memory_space<vmem>>
          %dma_wait3A_166 = tpu.memref_squeeze %dma_wait3A_165 : memref<1x100x128xf32, #tpu.memory_space<vmem>> -> memref<100x128xf32, #tpu.memory_space<vmem>>
          %dma_wait3A_167 = arith.constant 0 : i32
          %dma_wait3A_168 = arith.constant 0 : i32
          %dma_wait3A_169 = tpu.memref_slice %arg10[%scan3A_54, %dma_wait3A_167, %dma_wait3A_168] : memref<2x2x100xi32, #tpu.memory_space<vmem>> -> memref<1x2x100xi32, #tpu.memory_space<vmem>>
          %dma_wait3A_170 = tpu.memref_squeeze %dma_wait3A_169 : memref<1x2x100xi32, #tpu.memory_space<vmem>> -> memref<2x100xi32, #tpu.memory_space<vmem>>
          %dma_wait3A_171 = arith.constant 0 : i32
          %dma_wait3A_172 = tpu.memref_slice %dma_wait3A_170[%run_scoped3A_140, %dma_wait3A_171] : memref<2x100xi32, #tpu.memory_space<vmem>> -> memref<1x100xi32, #tpu.memory_space<vmem>>
          %dma_wait3A_173 = tpu.memref_squeeze %dma_wait3A_172 : memref<1x100xi32, #tpu.memory_space<vmem>> -> memref<100xi32, #tpu.memory_space<vmem>>
          %dma_wait3A_174 = arith.constant 0 : i32
          %dma_wait3A_175 = arith.constant 0 : i32
          %dma_wait3A_176 = tpu.memref_slice %arg12[%dma_wait3A_174, %dma_wait3A_175] : memref<10112x128xf32, #tpu.memory_space<vmem_shared>> -> memref<10112x128xf32, #tpu.memory_space<vmem_shared>>
          tpu.wait_indirect_dma semaphore(%run_scoped3A_148 : memref<!tpu.dma_semaphore, #tpu.memory_space<semaphore_mem>>) src(%dma_wait3A_166 : memref<100x128xf32, #tpu.memory_space<vmem>>) dst(%dma_wait3A_176 : memref<10112x128xf32, #tpu.memory_space<vmem_shared>>)
          tpu.yield
        }) : () -> ()
        %add3A_141 = arith.constant 3 : i32
        %add3A_142 = arith.addi %mul3A_65, %add3A_141 : i32
        %lt3A_143 = arith.constant 100 : i32
        %lt3A_144 = arith.cmpi slt, %add3A_142, %lt3A_143 : i32
        %convert_element_type3A_145 = arith.extui %lt3A_144 : i1 to i32
        %cond3A_146 = arith.constant 0 : i32
        %cond3A_147 = arith.cmpi ne, %convert_element_type3A_145, %cond3A_146 : i32
        scf.if %cond3A_147 {
          %add3A_148 = arith.constant 3 : i32
          %add3A_149 = arith.addi %mul3A_65, %add3A_148 : i32
          %dma_start3A_150 = arith.constant 0 : i32
          %dma_start3A_151 = arith.constant 0 : i32
          %dma_start3A_152 = tpu.memref_slice %arg10[%scan3A_54, %dma_start3A_150, %dma_start3A_151] : memref<2x2x100xi32, #tpu.memory_space<vmem>> -> memref<1x2x100xi32, #tpu.memory_space<vmem>>
          %dma_start3A_153 = tpu.memref_squeeze %dma_start3A_152 : memref<1x2x100xi32, #tpu.memory_space<vmem>> -> memref<2x100xi32, #tpu.memory_space<vmem>>
          %dma_start3A_154 = arith.constant 0 : i32
          %dma_start3A_155 = arith.constant 0 : i32
          %dma_start3A_156 = tpu.memref_slice %arg4[%arg1, %add3A_149, %dma_start3A_154, %dma_start3A_155] : memref<16x100x2x100xi32, #tpu.memory_space<hbm>> -> memref<1x1x2x100xi32, #tpu.memory_space<hbm>>
          %dma_start3A_157 = tpu.memref_squeeze %dma_start3A_156 : memref<1x1x2x100xi32, #tpu.memory_space<hbm>> -> memref<2x100xi32, #tpu.memory_space<hbm>>
          %dma_start3A_158 = arith.constant 0 : i32
          %dma_start3A_159 = arith.constant 0 : i32
          %dma_start3A_160 = tpu.memref_slice %arg10[%scan3A_54, %dma_start3A_158, %dma_start3A_159] : memref<2x2x100xi32, #tpu.memory_space<vmem>> -> memref<1x2x100xi32, #tpu.memory_space<vmem>>
          %dma_start3A_161 = tpu.memref_squeeze %dma_start3A_160 : memref<1x2x100xi32, #tpu.memory_space<vmem>> -> memref<2x100xi32, #tpu.memory_space<vmem>>
          %dma_start3A_162 = arith.constant 0 : i32
          %dma_start3A_163 = arith.constant 0 : i32
          %dma_start3A_164 = tpu.memref_slice %arg4[%arg1, %add3A_149, %dma_start3A_162, %dma_start3A_163] : memref<16x100x2x100xi32, #tpu.memory_space<hbm>> -> memref<1x1x2x100xi32, #tpu.memory_space<hbm>>
          %dma_start3A_165 = tpu.memref_squeeze %dma_start3A_164 : memref<1x1x2x100xi32, #tpu.memory_space<hbm>> -> memref<2x100xi32, #tpu.memory_space<hbm>>
          tpu.enqueue_dma source(%dma_start3A_165 : memref<2x100xi32, #tpu.memory_space<hbm>>) target(%dma_start3A_161 : memref<2x100xi32, #tpu.memory_space<vmem>>) target_semaphore(%arg16 : memref<!tpu.dma_semaphore, #tpu.memory_space<semaphore_mem>>)
        } else {
        }
      }
      %scan3A_62 = arith.constant 50 : i32
    } else {
    }
    %eq3A_3 = arith.constant 1 : i32
    %eq3A_4 = arith.cmpi eq, %arg0, %eq3A_3 : i32
    %convert_element_type3A_5 = arith.extui %eq3A_4 : i1 to i32
    %cond3A_6 = arith.constant 0 : i32
    %cond3A_7 = arith.cmpi ne, %convert_element_type3A_5, %cond3A_6 : i32
    scf.if %cond3A_7 {
      %run_scoped3A = arith.constant 0 : i32
      %run_scoped3A_19 = arith.constant 0 : i32
      "tpu.region"() ({
        %run_scoped3A_63 = tpu.sem_alloc : memref<!tpu.dma_semaphore, #tpu.memory_space<semaphore_mem>>
        %dma_start3A_64 = arith.constant 0 : i32
        %dma_start3A_65 = arith.constant 0 : i32
        %dma_start3A_66 = tpu.memref_slice %arg10[%run_scoped3A_19, %dma_start3A_64, %dma_start3A_65] : memref<2x2x100xi32, #tpu.memory_space<vmem>> -> memref<1x2x100xi32, #tpu.memory_space<vmem>>
        %dma_start3A_67 = tpu.memref_squeeze %dma_start3A_66 : memref<1x2x100xi32, #tpu.memory_space<vmem>> -> memref<2x100xi32, #tpu.memory_space<vmem>>
        %dma_start3A_68 = arith.constant 0 : i32
        %dma_start3A_69 = arith.constant 0 : i32
        %dma_start3A_70 = tpu.memref_slice %arg4[%arg1, %run_scoped3A, %dma_start3A_68, %dma_start3A_69] : memref<16x100x2x100xi32, #tpu.memory_space<hbm>> -> memref<1x1x2x100xi32, #tpu.memory_space<hbm>>
        %dma_start3A_71 = tpu.memref_squeeze %dma_start3A_70 : memref<1x1x2x100xi32, #tpu.memory_space<hbm>> -> memref<2x100xi32, #tpu.memory_space<hbm>>
        %dma_start3A_72 = arith.constant 0 : i32
        %dma_start3A_73 = arith.constant 0 : i32
        %dma_start3A_74 = tpu.memref_slice %arg10[%run_scoped3A_19, %dma_start3A_72, %dma_start3A_73] : memref<2x2x100xi32, #tpu.memory_space<vmem>> -> memref<1x2x100xi32, #tpu.memory_space<vmem>>
        %dma_start3A_75 = tpu.memref_squeeze %dma_start3A_74 : memref<1x2x100xi32, #tpu.memory_space<vmem>> -> memref<2x100xi32, #tpu.memory_space<vmem>>
        %dma_start3A_76 = arith.constant 0 : i32
        %dma_start3A_77 = arith.constant 0 : i32
        %dma_start3A_78 = tpu.memref_slice %arg4[%arg1, %run_scoped3A, %dma_start3A_76, %dma_start3A_77] : memref<16x100x2x100xi32, #tpu.memory_space<hbm>> -> memref<1x1x2x100xi32, #tpu.memory_space<hbm>>
        %dma_start3A_79 = tpu.memref_squeeze %dma_start3A_78 : memref<1x1x2x100xi32, #tpu.memory_space<hbm>> -> memref<2x100xi32, #tpu.memory_space<hbm>>
        tpu.enqueue_dma source(%dma_start3A_79 : memref<2x100xi32, #tpu.memory_space<hbm>>) target(%dma_start3A_75 : memref<2x100xi32, #tpu.memory_space<vmem>>) target_semaphore(%run_scoped3A_63 : memref<!tpu.dma_semaphore, #tpu.memory_space<semaphore_mem>>)
        %dma_wait3A = arith.constant 0 : i32
        %dma_wait3A_80 = arith.constant 0 : i32
        %dma_wait3A_81 = tpu.memref_slice %arg10[%run_scoped3A_19, %dma_wait3A, %dma_wait3A_80] : memref<2x2x100xi32, #tpu.memory_space<vmem>> -> memref<1x2x100xi32, #tpu.memory_space<vmem>>
        %dma_wait3A_82 = tpu.memref_squeeze %dma_wait3A_81 : memref<1x2x100xi32, #tpu.memory_space<vmem>> -> memref<2x100xi32, #tpu.memory_space<vmem>>
        %dma_wait3A_83 = arith.constant 0 : i32
        %dma_wait3A_84 = arith.constant 0 : i32
        %dma_wait3A_85 = tpu.memref_slice %arg4[%arg1, %run_scoped3A, %dma_wait3A_83, %dma_wait3A_84] : memref<16x100x2x100xi32, #tpu.memory_space<hbm>> -> memref<1x1x2x100xi32, #tpu.memory_space<hbm>>
        %dma_wait3A_86 = tpu.memref_squeeze %dma_wait3A_85 : memref<1x1x2x100xi32, #tpu.memory_space<hbm>> -> memref<2x100xi32, #tpu.memory_space<hbm>>
        %dma_wait3A_87 = arith.constant 0 : i32
        %dma_wait3A_88 = arith.constant 0 : i32
        %dma_wait3A_89 = tpu.memref_slice %arg10[%run_scoped3A_19, %dma_wait3A_87, %dma_wait3A_88] : memref<2x2x100xi32, #tpu.memory_space<vmem>> -> memref<1x2x100xi32, #tpu.memory_space<vmem>>
        %dma_wait3A_90 = tpu.memref_squeeze %dma_wait3A_89 : memref<1x2x100xi32, #tpu.memory_space<vmem>> -> memref<2x100xi32, #tpu.memory_space<vmem>>
        %dma_wait3A_91 = arith.constant 0 : i32
        %dma_wait3A_92 = arith.constant 0 : i32
        %dma_wait3A_93 = tpu.memref_slice %arg4[%arg1, %run_scoped3A, %dma_wait3A_91, %dma_wait3A_92] : memref<16x100x2x100xi32, #tpu.memory_space<hbm>> -> memref<1x1x2x100xi32, #tpu.memory_space<hbm>>
        %dma_wait3A_94 = tpu.memref_squeeze %dma_wait3A_93 : memref<1x1x2x100xi32, #tpu.memory_space<hbm>> -> memref<2x100xi32, #tpu.memory_space<hbm>>
        tpu.wait_dma2 semaphore(%run_scoped3A_63 : memref<!tpu.dma_semaphore, #tpu.memory_space<semaphore_mem>>) src(%dma_wait3A_94 : memref<2x100xi32, #tpu.memory_space<hbm>>) dst(%dma_wait3A_90 : memref<2x100xi32, #tpu.memory_space<vmem>>)
        tpu.yield
      }) : () -> ()
      %dma_start3A = arith.constant 0 : i32
      %dma_start3A_20 = arith.constant 0 : i32
      %dma_start3A_21 = arith.constant 0 : i32
      %dma_start3A_22 = arith.constant 0 : i32
      %dma_start3A_23 = arith.constant 0 : i32
      %dma_start3A_24 = tpu.memref_slice %arg11[%dma_start3A_21, %dma_start3A_22, %dma_start3A_23] : memref<2x100x128xf32, #tpu.memory_space<vmem>> -> memref<1x100x128xf32, #tpu.memory_space<vmem>>
      %dma_start3A_25 = tpu.memref_squeeze %dma_start3A_24 : memref<1x100x128xf32, #tpu.memory_space<vmem>> -> memref<100x128xf32, #tpu.memory_space<vmem>>
      %dma_start3A_26 = arith.constant 0 : i32
      %dma_start3A_27 = arith.constant 0 : i32
      %dma_start3A_28 = tpu.memref_slice %arg10[%dma_start3A, %dma_start3A_26, %dma_start3A_27] : memref<2x2x100xi32, #tpu.memory_space<vmem>> -> memref<1x2x100xi32, #tpu.memory_space<vmem>>
      %dma_start3A_29 = tpu.memref_squeeze %dma_start3A_28 : memref<1x2x100xi32, #tpu.memory_space<vmem>> -> memref<2x100xi32, #tpu.memory_space<vmem>>
      %dma_start3A_30 = arith.constant 0 : i32
      %dma_start3A_31 = tpu.memref_slice %dma_start3A_29[%dma_start3A_20, %dma_start3A_30] : memref<2x100xi32, #tpu.memory_space<vmem>> -> memref<1x100xi32, #tpu.memory_space<vmem>>
      %dma_start3A_32 = tpu.memref_squeeze %dma_start3A_31 : memref<1x100xi32, #tpu.memory_space<vmem>> -> memref<100xi32, #tpu.memory_space<vmem>>
      %dma_start3A_33 = arith.constant 0 : i32
      %dma_start3A_34 = arith.constant 0 : i32
      %dma_start3A_35 = tpu.memref_slice %arg3[%dma_start3A_33, %dma_start3A_34] : memref<10000x128xf32, #tpu.memory_space<hbm>> -> memref<10000x128xf32, #tpu.memory_space<hbm>>
      tpu.enqueue_indirect_dma source(%dma_start3A_35 : memref<10000x128xf32, #tpu.memory_space<hbm>>) target(%dma_start3A_25 : memref<100x128xf32, #tpu.memory_space<vmem>>) offsets(%dma_start3A_32 : memref<100xi32, #tpu.memory_space<vmem>>) semaphore(%arg13 : memref<!tpu.dma_semaphore, #tpu.memory_space<semaphore_mem>>)
      %dma_start3A_36 = arith.constant 1 : i32
      %dma_start3A_37 = arith.constant 1 : i32
      %dma_start3A_38 = arith.constant 0 : i32
      %dma_start3A_39 = arith.constant 0 : i32
      %dma_start3A_40 = tpu.memref_slice %arg10[%dma_start3A_37, %dma_start3A_38, %dma_start3A_39] : memref<2x2x100xi32, #tpu.memory_space<vmem>> -> memref<1x2x100xi32, #tpu.memory_space<vmem>>
      %dma_start3A_41 = tpu.memref_squeeze %dma_start3A_40 : memref<1x2x100xi32, #tpu.memory_space<vmem>> -> memref<2x100xi32, #tpu.memory_space<vmem>>
      %dma_start3A_42 = arith.constant 0 : i32
      %dma_start3A_43 = arith.constant 0 : i32
      %dma_start3A_44 = tpu.memref_slice %arg4[%arg1, %dma_start3A_36, %dma_start3A_42, %dma_start3A_43] : memref<16x100x2x100xi32, #tpu.memory_space<hbm>> -> memref<1x1x2x100xi32, #tpu.memory_space<hbm>>
      %dma_start3A_45 = tpu.memref_squeeze %dma_start3A_44 : memref<1x1x2x100xi32, #tpu.memory_space<hbm>> -> memref<2x100xi32, #tpu.memory_space<hbm>>
      %dma_start3A_46 = arith.constant 0 : i32
      %dma_start3A_47 = arith.constant 0 : i32
      %dma_start3A_48 = tpu.memref_slice %arg10[%dma_start3A_37, %dma_start3A_46, %dma_start3A_47] : memref<2x2x100xi32, #tpu.memory_space<vmem>> -> memref<1x2x100xi32, #tpu.memory_space<vmem>>
      %dma_start3A_49 = tpu.memref_squeeze %dma_start3A_48 : memref<1x2x100xi32, #tpu.memory_space<vmem>> -> memref<2x100xi32, #tpu.memory_space<vmem>>
      %dma_start3A_50 = arith.constant 0 : i32
      %dma_start3A_51 = arith.constant 0 : i32
      %dma_start3A_52 = tpu.memref_slice %arg4[%arg1, %dma_start3A_36, %dma_start3A_50, %dma_start3A_51] : memref<16x100x2x100xi32, #tpu.memory_space<hbm>> -> memref<1x1x2x100xi32, #tpu.memory_space<hbm>>
      %dma_start3A_53 = tpu.memref_squeeze %dma_start3A_52 : memref<1x1x2x100xi32, #tpu.memory_space<hbm>> -> memref<2x100xi32, #tpu.memory_space<hbm>>
      tpu.enqueue_dma source(%dma_start3A_53 : memref<2x100xi32, #tpu.memory_space<hbm>>) target(%dma_start3A_49 : memref<2x100xi32, #tpu.memory_space<vmem>>) target_semaphore(%arg16 : memref<!tpu.dma_semaphore, #tpu.memory_space<semaphore_mem>>)
      %scan3A = arith.constant 0 : i32
      %scan3A_54 = arith.constant 1 : i32
      %scan3A_55 = arith.constant 0 : i32
      %scan3A_56 = arith.constant 0 : i32
      %scan3A_57 = arith.constant 1 : i32
      %scan3A_58 = arith.constant 0 : i32
      %scan3A_59 = arith.constant 50 : i32
      %scan3A_60 = arith.addi %scan3A_58, %scan3A_59 : i32
      %scan3A_61 = arith.constant 1 : i32
      scf.for %scan3A_63 = %scan3A_58 to %scan3A_60 step %scan3A_61  : i32 {
        %mul3A_64 = arith.constant 2 : i32
        %mul3A_65 = arith.muli %mul3A_64, %scan3A_63 : i32
        %dma_wait3A = arith.constant 0 : i32
        %dma_wait3A_66 = arith.constant 0 : i32
        %dma_wait3A_67 = arith.constant 0 : i32
        %dma_wait3A_68 = tpu.memref_slice %arg10[%scan3A_54, %dma_wait3A_66, %dma_wait3A_67] : memref<2x2x100xi32, #tpu.memory_space<vmem>> -> memref<1x2x100xi32, #tpu.memory_space<vmem>>
        %dma_wait3A_69 = tpu.memref_squeeze %dma_wait3A_68 : memref<1x2x100xi32, #tpu.memory_space<vmem>> -> memref<2x100xi32, #tpu.memory_space<vmem>>
        %dma_wait3A_70 = arith.constant 0 : i32
        %dma_wait3A_71 = arith.constant 0 : i32
        %dma_wait3A_72 = tpu.memref_slice %arg4[%arg1, %dma_wait3A, %dma_wait3A_70, %dma_wait3A_71] : memref<16x100x2x100xi32, #tpu.memory_space<hbm>> -> memref<1x1x2x100xi32, #tpu.memory_space<hbm>>
        %dma_wait3A_73 = tpu.memref_squeeze %dma_wait3A_72 : memref<1x1x2x100xi32, #tpu.memory_space<hbm>> -> memref<2x100xi32, #tpu.memory_space<hbm>>
        %dma_wait3A_74 = arith.constant 0 : i32
        %dma_wait3A_75 = arith.constant 0 : i32
        %dma_wait3A_76 = tpu.memref_slice %arg10[%scan3A_54, %dma_wait3A_74, %dma_wait3A_75] : memref<2x2x100xi32, #tpu.memory_space<vmem>> -> memref<1x2x100xi32, #tpu.memory_space<vmem>>
        %dma_wait3A_77 = tpu.memref_squeeze %dma_wait3A_76 : memref<1x2x100xi32, #tpu.memory_space<vmem>> -> memref<2x100xi32, #tpu.memory_space<vmem>>
        %dma_wait3A_78 = arith.constant 0 : i32
        %dma_wait3A_79 = arith.constant 0 : i32
        %dma_wait3A_80 = tpu.memref_slice %arg4[%arg1, %dma_wait3A, %dma_wait3A_78, %dma_wait3A_79] : memref<16x100x2x100xi32, #tpu.memory_space<hbm>> -> memref<1x1x2x100xi32, #tpu.memory_space<hbm>>
        %dma_wait3A_81 = tpu.memref_squeeze %dma_wait3A_80 : memref<1x1x2x100xi32, #tpu.memory_space<hbm>> -> memref<2x100xi32, #tpu.memory_space<hbm>>
        tpu.wait_dma2 semaphore(%arg16 : memref<!tpu.dma_semaphore, #tpu.memory_space<semaphore_mem>>) src(%dma_wait3A_81 : memref<2x100xi32, #tpu.memory_space<hbm>>) dst(%dma_wait3A_77 : memref<2x100xi32, #tpu.memory_space<vmem>>)
        %dma_wait3A_82 = arith.constant 0 : i32
        %dma_wait3A_83 = arith.constant 0 : i32
        %dma_wait3A_84 = arith.constant 0 : i32
        %dma_wait3A_85 = tpu.memref_slice %arg11[%scan3A_56, %dma_wait3A_83, %dma_wait3A_84] : memref<2x100x128xf32, #tpu.memory_space<vmem>> -> memref<1x100x128xf32, #tpu.memory_space<vmem>>
        %dma_wait3A_86 = tpu.memref_squeeze %dma_wait3A_85 : memref<1x100x128xf32, #tpu.memory_space<vmem>> -> memref<100x128xf32, #tpu.memory_space<vmem>>
        %dma_wait3A_87 = arith.constant 0 : i32
        %dma_wait3A_88 = arith.constant 0 : i32
        %dma_wait3A_89 = tpu.memref_slice %arg10[%scan3A_55, %dma_wait3A_87, %dma_wait3A_88] : memref<2x2x100xi32, #tpu.memory_space<vmem>> -> memref<1x2x100xi32, #tpu.memory_space<vmem>>
        %dma_wait3A_90 = tpu.memref_squeeze %dma_wait3A_89 : memref<1x2x100xi32, #tpu.memory_space<vmem>> -> memref<2x100xi32, #tpu.memory_space<vmem>>
        %dma_wait3A_91 = arith.constant 0 : i32
        %dma_wait3A_92 = tpu.memref_slice %dma_wait3A_90[%dma_wait3A_82, %dma_wait3A_91] : memref<2x100xi32, #tpu.memory_space<vmem>> -> memref<1x100xi32, #tpu.memory_space<vmem>>
        %dma_wait3A_93 = tpu.memref_squeeze %dma_wait3A_92 : memref<1x100xi32, #tpu.memory_space<vmem>> -> memref<100xi32, #tpu.memory_space<vmem>>
        %dma_wait3A_94 = arith.constant 0 : i32
        %dma_wait3A_95 = arith.constant 0 : i32
        %dma_wait3A_96 = tpu.memref_slice %arg3[%dma_wait3A_94, %dma_wait3A_95] : memref<10000x128xf32, #tpu.memory_space<hbm>> -> memref<10000x128xf32, #tpu.memory_space<hbm>>
        tpu.wait_indirect_dma semaphore(%arg13 : memref<!tpu.dma_semaphore, #tpu.memory_space<semaphore_mem>>) src(%dma_wait3A_96 : memref<10000x128xf32, #tpu.memory_space<hbm>>) dst(%dma_wait3A_86 : memref<100x128xf32, #tpu.memory_space<vmem>>)
        %dma_start3A_97 = arith.constant 0 : i32
        %dma_start3A_98 = arith.constant 0 : i32
        %dma_start3A_99 = arith.constant 0 : i32
        %dma_start3A_100 = tpu.memref_slice %arg11[%scan3A_57, %dma_start3A_98, %dma_start3A_99] : memref<2x100x128xf32, #tpu.memory_space<vmem>> -> memref<1x100x128xf32, #tpu.memory_space<vmem>>
        %dma_start3A_101 = tpu.memref_squeeze %dma_start3A_100 : memref<1x100x128xf32, #tpu.memory_space<vmem>> -> memref<100x128xf32, #tpu.memory_space<vmem>>
        %dma_start3A_102 = arith.constant 0 : i32
        %dma_start3A_103 = arith.constant 0 : i32
        %dma_start3A_104 = tpu.memref_slice %arg10[%scan3A_54, %dma_start3A_102, %dma_start3A_103] : memref<2x2x100xi32, #tpu.memory_space<vmem>> -> memref<1x2x100xi32, #tpu.memory_space<vmem>>
        %dma_start3A_105 = tpu.memref_squeeze %dma_start3A_104 : memref<1x2x100xi32, #tpu.memory_space<vmem>> -> memref<2x100xi32, #tpu.memory_space<vmem>>
        %dma_start3A_106 = arith.constant 0 : i32
        %dma_start3A_107 = tpu.memref_slice %dma_start3A_105[%dma_start3A_97, %dma_start3A_106] : memref<2x100xi32, #tpu.memory_space<vmem>> -> memref<1x100xi32, #tpu.memory_space<vmem>>
        %dma_start3A_108 = tpu.memref_squeeze %dma_start3A_107 : memref<1x100xi32, #tpu.memory_space<vmem>> -> memref<100xi32, #tpu.memory_space<vmem>>
        %dma_start3A_109 = arith.constant 0 : i32
        %dma_start3A_110 = arith.constant 0 : i32
        %dma_start3A_111 = tpu.memref_slice %arg3[%dma_start3A_109, %dma_start3A_110] : memref<10000x128xf32, #tpu.memory_space<hbm>> -> memref<10000x128xf32, #tpu.memory_space<hbm>>
        tpu.enqueue_indirect_dma source(%dma_start3A_111 : memref<10000x128xf32, #tpu.memory_space<hbm>>) target(%dma_start3A_101 : memref<100x128xf32, #tpu.memory_space<vmem>>) offsets(%dma_start3A_108 : memref<100xi32, #tpu.memory_space<vmem>>) semaphore(%arg14 : memref<!tpu.dma_semaphore, #tpu.memory_space<semaphore_mem>>)
        %run_scoped3A_112 = arith.constant 1 : i32
        "tpu.region"() ({
          %run_scoped3A_148 = tpu.sem_alloc : memref<!tpu.dma_semaphore, #tpu.memory_space<semaphore_mem>>
          %dma_start3A_149 = arith.constant 0 : i32
          %dma_start3A_150 = arith.constant 0 : i32
          %dma_start3A_151 = tpu.memref_slice %arg11[%scan3A_56, %dma_start3A_149, %dma_start3A_150] : memref<2x100x128xf32, #tpu.memory_space<vmem>> -> memref<1x100x128xf32, #tpu.memory_space<vmem>>
          %dma_start3A_152 = tpu.memref_squeeze %dma_start3A_151 : memref<1x100x128xf32, #tpu.memory_space<vmem>> -> memref<100x128xf32, #tpu.memory_space<vmem>>
          %dma_start3A_153 = arith.constant 0 : i32
          %dma_start3A_154 = arith.constant 0 : i32
          %dma_start3A_155 = tpu.memref_slice %arg10[%scan3A_55, %dma_start3A_153, %dma_start3A_154] : memref<2x2x100xi32, #tpu.memory_space<vmem>> -> memref<1x2x100xi32, #tpu.memory_space<vmem>>
          %dma_start3A_156 = tpu.memref_squeeze %dma_start3A_155 : memref<1x2x100xi32, #tpu.memory_space<vmem>> -> memref<2x100xi32, #tpu.memory_space<vmem>>
          %dma_start3A_157 = arith.constant 0 : i32
          %dma_start3A_158 = tpu.memref_slice %dma_start3A_156[%run_scoped3A_112, %dma_start3A_157] : memref<2x100xi32, #tpu.memory_space<vmem>> -> memref<1x100xi32, #tpu.memory_space<vmem>>
          %dma_start3A_159 = tpu.memref_squeeze %dma_start3A_158 : memref<1x100xi32, #tpu.memory_space<vmem>> -> memref<100xi32, #tpu.memory_space<vmem>>
          %dma_start3A_160 = arith.constant 0 : i32
          %dma_start3A_161 = arith.constant 0 : i32
          %dma_start3A_162 = tpu.memref_slice %arg12[%dma_start3A_160, %dma_start3A_161] : memref<10112x128xf32, #tpu.memory_space<vmem_shared>> -> memref<10112x128xf32, #tpu.memory_space<vmem_shared>>
          tpu.enqueue_indirect_dma source(%dma_start3A_152 : memref<100x128xf32, #tpu.memory_space<vmem>>) target(%dma_start3A_162 : memref<10112x128xf32, #tpu.memory_space<vmem_shared>>) offsets(%dma_start3A_159 : memref<100xi32, #tpu.memory_space<vmem>>) semaphore(%run_scoped3A_148 : memref<!tpu.dma_semaphore, #tpu.memory_space<semaphore_mem>>) {add = true}
          %dma_wait3A_163 = arith.constant 0 : i32
          %dma_wait3A_164 = arith.constant 0 : i32
          %dma_wait3A_165 = tpu.memref_slice %arg11[%scan3A_56, %dma_wait3A_163, %dma_wait3A_164] : memref<2x100x128xf32, #tpu.memory_space<vmem>> -> memref<1x100x128xf32, #tpu.memory_space<vmem>>
          %dma_wait3A_166 = tpu.memref_squeeze %dma_wait3A_165 : memref<1x100x128xf32, #tpu.memory_space<vmem>> -> memref<100x128xf32, #tpu.memory_space<vmem>>
          %dma_wait3A_167 = arith.constant 0 : i32
          %dma_wait3A_168 = arith.constant 0 : i32
          %dma_wait3A_169 = tpu.memref_slice %arg10[%scan3A_55, %dma_wait3A_167, %dma_wait3A_168] : memref<2x2x100xi32, #tpu.memory_space<vmem>> -> memref<1x2x100xi32, #tpu.memory_space<vmem>>
          %dma_wait3A_170 = tpu.memref_squeeze %dma_wait3A_169 : memref<1x2x100xi32, #tpu.memory_space<vmem>> -> memref<2x100xi32, #tpu.memory_space<vmem>>
          %dma_wait3A_171 = arith.constant 0 : i32
          %dma_wait3A_172 = tpu.memref_slice %dma_wait3A_170[%run_scoped3A_112, %dma_wait3A_171] : memref<2x100xi32, #tpu.memory_space<vmem>> -> memref<1x100xi32, #tpu.memory_space<vmem>>
          %dma_wait3A_173 = tpu.memref_squeeze %dma_wait3A_172 : memref<1x100xi32, #tpu.memory_space<vmem>> -> memref<100xi32, #tpu.memory_space<vmem>>
          %dma_wait3A_174 = arith.constant 0 : i32
          %dma_wait3A_175 = arith.constant 0 : i32
          %dma_wait3A_176 = tpu.memref_slice %arg12[%dma_wait3A_174, %dma_wait3A_175] : memref<10112x128xf32, #tpu.memory_space<vmem_shared>> -> memref<10112x128xf32, #tpu.memory_space<vmem_shared>>
          tpu.wait_indirect_dma semaphore(%run_scoped3A_148 : memref<!tpu.dma_semaphore, #tpu.memory_space<semaphore_mem>>) src(%dma_wait3A_166 : memref<100x128xf32, #tpu.memory_space<vmem>>) dst(%dma_wait3A_176 : memref<10112x128xf32, #tpu.memory_space<vmem_shared>>)
          tpu.yield
        }) : () -> ()
        %add3A = arith.constant 2 : i32
        %add3A_113 = arith.addi %mul3A_65, %add3A : i32
        %lt3A = arith.constant 100 : i32
        %lt3A_114 = arith.cmpi slt, %add3A_113, %lt3A : i32
        %convert_element_type3A_115 = arith.extui %lt3A_114 : i1 to i32
        %cond3A_116 = arith.constant 0 : i32
        %cond3A_117 = arith.cmpi ne, %convert_element_type3A_115, %cond3A_116 : i32
        scf.if %cond3A_117 {
          %add3A_148 = arith.constant 2 : i32
          %add3A_149 = arith.addi %mul3A_65, %add3A_148 : i32
          %dma_start3A_150 = arith.constant 0 : i32
          %dma_start3A_151 = arith.constant 0 : i32
          %dma_start3A_152 = tpu.memref_slice %arg10[%scan3A_55, %dma_start3A_150, %dma_start3A_151] : memref<2x2x100xi32, #tpu.memory_space<vmem>> -> memref<1x2x100xi32, #tpu.memory_space<vmem>>
          %dma_start3A_153 = tpu.memref_squeeze %dma_start3A_152 : memref<1x2x100xi32, #tpu.memory_space<vmem>> -> memref<2x100xi32, #tpu.memory_space<vmem>>
          %dma_start3A_154 = arith.constant 0 : i32
          %dma_start3A_155 = arith.constant 0 : i32
          %dma_start3A_156 = tpu.memref_slice %arg4[%arg1, %add3A_149, %dma_start3A_154, %dma_start3A_155] : memref<16x100x2x100xi32, #tpu.memory_space<hbm>> -> memref<1x1x2x100xi32, #tpu.memory_space<hbm>>
          %dma_start3A_157 = tpu.memref_squeeze %dma_start3A_156 : memref<1x1x2x100xi32, #tpu.memory_space<hbm>> -> memref<2x100xi32, #tpu.memory_space<hbm>>
          %dma_start3A_158 = arith.constant 0 : i32
          %dma_start3A_159 = arith.constant 0 : i32
          %dma_start3A_160 = tpu.memref_slice %arg10[%scan3A_55, %dma_start3A_158, %dma_start3A_159] : memref<2x2x100xi32, #tpu.memory_space<vmem>> -> memref<1x2x100xi32, #tpu.memory_space<vmem>>
          %dma_start3A_161 = tpu.memref_squeeze %dma_start3A_160 : memref<1x2x100xi32, #tpu.memory_space<vmem>> -> memref<2x100xi32, #tpu.memory_space<vmem>>
          %dma_start3A_162 = arith.constant 0 : i32
          %dma_start3A_163 = arith.constant 0 : i32
          %dma_start3A_164 = tpu.memref_slice %arg4[%arg1, %add3A_149, %dma_start3A_162, %dma_start3A_163] : memref<16x100x2x100xi32, #tpu.memory_space<hbm>> -> memref<1x1x2x100xi32, #tpu.memory_space<hbm>>
          %dma_start3A_165 = tpu.memref_squeeze %dma_start3A_164 : memref<1x1x2x100xi32, #tpu.memory_space<hbm>> -> memref<2x100xi32, #tpu.memory_space<hbm>>
          tpu.enqueue_dma source(%dma_start3A_165 : memref<2x100xi32, #tpu.memory_space<hbm>>) target(%dma_start3A_161 : memref<2x100xi32, #tpu.memory_space<vmem>>) target_semaphore(%arg15 : memref<!tpu.dma_semaphore, #tpu.memory_space<semaphore_mem>>)
        } else {
        }
        %add3A_118 = arith.constant 2 : i32
        %add3A_119 = arith.addi %mul3A_65, %add3A_118 : i32
        %lt3A_120 = arith.constant 100 : i32
        %lt3A_121 = arith.cmpi slt, %add3A_119, %lt3A_120 : i32
        %convert_element_type3A_122 = arith.extui %lt3A_121 : i1 to i32
        %cond3A_123 = arith.constant 0 : i32
        %cond3A_124 = arith.cmpi ne, %convert_element_type3A_122, %cond3A_123 : i32
        scf.if %cond3A_124 {
          %dma_wait3A_148 = arith.constant 0 : i32
          %dma_wait3A_149 = arith.constant 0 : i32
          %dma_wait3A_150 = arith.constant 0 : i32
          %dma_wait3A_151 = tpu.memref_slice %arg10[%scan3A_55, %dma_wait3A_149, %dma_wait3A_150] : memref<2x2x100xi32, #tpu.memory_space<vmem>> -> memref<1x2x100xi32, #tpu.memory_space<vmem>>
          %dma_wait3A_152 = tpu.memref_squeeze %dma_wait3A_151 : memref<1x2x100xi32, #tpu.memory_space<vmem>> -> memref<2x100xi32, #tpu.memory_space<vmem>>
          %dma_wait3A_153 = arith.constant 0 : i32
          %dma_wait3A_154 = arith.constant 0 : i32
          %dma_wait3A_155 = tpu.memref_slice %arg4[%arg1, %dma_wait3A_148, %dma_wait3A_153, %dma_wait3A_154] : memref<16x100x2x100xi32, #tpu.memory_space<hbm>> -> memref<1x1x2x100xi32, #tpu.memory_space<hbm>>
          %dma_wait3A_156 = tpu.memref_squeeze %dma_wait3A_155 : memref<1x1x2x100xi32, #tpu.memory_space<hbm>> -> memref<2x100xi32, #tpu.memory_space<hbm>>
          %dma_wait3A_157 = arith.constant 0 : i32
          %dma_wait3A_158 = arith.constant 0 : i32
          %dma_wait3A_159 = tpu.memref_slice %arg10[%scan3A_55, %dma_wait3A_157, %dma_wait3A_158] : memref<2x2x100xi32, #tpu.memory_space<vmem>> -> memref<1x2x100xi32, #tpu.memory_space<vmem>>
          %dma_wait3A_160 = tpu.memref_squeeze %dma_wait3A_159 : memref<1x2x100xi32, #tpu.memory_space<vmem>> -> memref<2x100xi32, #tpu.memory_space<vmem>>
          %dma_wait3A_161 = arith.constant 0 : i32
          %dma_wait3A_162 = arith.constant 0 : i32
          %dma_wait3A_163 = tpu.memref_slice %arg4[%arg1, %dma_wait3A_148, %dma_wait3A_161, %dma_wait3A_162] : memref<16x100x2x100xi32, #tpu.memory_space<hbm>> -> memref<1x1x2x100xi32, #tpu.memory_space<hbm>>
          %dma_wait3A_164 = tpu.memref_squeeze %dma_wait3A_163 : memref<1x1x2x100xi32, #tpu.memory_space<hbm>> -> memref<2x100xi32, #tpu.memory_space<hbm>>
          tpu.wait_dma2 semaphore(%arg15 : memref<!tpu.dma_semaphore, #tpu.memory_space<semaphore_mem>>) src(%dma_wait3A_164 : memref<2x100xi32, #tpu.memory_space<hbm>>) dst(%dma_wait3A_160 : memref<2x100xi32, #tpu.memory_space<vmem>>)
          %dma_start3A_165 = arith.constant 0 : i32
          %dma_start3A_166 = arith.constant 0 : i32
          %dma_start3A_167 = arith.constant 0 : i32
          %dma_start3A_168 = tpu.memref_slice %arg11[%scan3A_56, %dma_start3A_166, %dma_start3A_167] : memref<2x100x128xf32, #tpu.memory_space<vmem>> -> memref<1x100x128xf32, #tpu.memory_space<vmem>>
          %dma_start3A_169 = tpu.memref_squeeze %dma_start3A_168 : memref<1x100x128xf32, #tpu.memory_space<vmem>> -> memref<100x128xf32, #tpu.memory_space<vmem>>
          %dma_start3A_170 = arith.constant 0 : i32
          %dma_start3A_171 = arith.constant 0 : i32
          %dma_start3A_172 = tpu.memref_slice %arg10[%scan3A_55, %dma_start3A_170, %dma_start3A_171] : memref<2x2x100xi32, #tpu.memory_space<vmem>> -> memref<1x2x100xi32, #tpu.memory_space<vmem>>
          %dma_start3A_173 = tpu.memref_squeeze %dma_start3A_172 : memref<1x2x100xi32, #tpu.memory_space<vmem>> -> memref<2x100xi32, #tpu.memory_space<vmem>>
          %dma_start3A_174 = arith.constant 0 : i32
          %dma_start3A_175 = tpu.memref_slice %dma_start3A_173[%dma_start3A_165, %dma_start3A_174] : memref<2x100xi32, #tpu.memory_space<vmem>> -> memref<1x100xi32, #tpu.memory_space<vmem>>
          %dma_start3A_176 = tpu.memref_squeeze %dma_start3A_175 : memref<1x100xi32, #tpu.memory_space<vmem>> -> memref<100xi32, #tpu.memory_space<vmem>>
          %dma_start3A_177 = arith.constant 0 : i32
          %dma_start3A_178 = arith.constant 0 : i32
          %dma_start3A_179 = tpu.memref_slice %arg3[%dma_start3A_177, %dma_start3A_178] : memref<10000x128xf32, #tpu.memory_space<hbm>> -> memref<10000x128xf32, #tpu.memory_space<hbm>>
          tpu.enqueue_indirect_dma source(%dma_start3A_179 : memref<10000x128xf32, #tpu.memory_space<hbm>>) target(%dma_start3A_169 : memref<100x128xf32, #tpu.memory_space<vmem>>) offsets(%dma_start3A_176 : memref<100xi32, #tpu.memory_space<vmem>>) semaphore(%arg13 : memref<!tpu.dma_semaphore, #tpu.memory_space<semaphore_mem>>)
        } else {
        }
        %dma_wait3A_125 = arith.constant 0 : i32
        %dma_wait3A_126 = arith.constant 0 : i32
        %dma_wait3A_127 = arith.constant 0 : i32
        %dma_wait3A_128 = tpu.memref_slice %arg11[%scan3A_57, %dma_wait3A_126, %dma_wait3A_127] : memref<2x100x128xf32, #tpu.memory_space<vmem>> -> memref<1x100x128xf32, #tpu.memory_space<vmem>>
        %dma_wait3A_129 = tpu.memref_squeeze %dma_wait3A_128 : memref<1x100x128xf32, #tpu.memory_space<vmem>> -> memref<100x128xf32, #tpu.memory_space<vmem>>
        %dma_wait3A_130 = arith.constant 0 : i32
        %dma_wait3A_131 = arith.constant 0 : i32
        %dma_wait3A_132 = tpu.memref_slice %arg10[%scan3A_54, %dma_wait3A_130, %dma_wait3A_131] : memref<2x2x100xi32, #tpu.memory_space<vmem>> -> memref<1x2x100xi32, #tpu.memory_space<vmem>>
        %dma_wait3A_133 = tpu.memref_squeeze %dma_wait3A_132 : memref<1x2x100xi32, #tpu.memory_space<vmem>> -> memref<2x100xi32, #tpu.memory_space<vmem>>
        %dma_wait3A_134 = arith.constant 0 : i32
        %dma_wait3A_135 = tpu.memref_slice %dma_wait3A_133[%dma_wait3A_125, %dma_wait3A_134] : memref<2x100xi32, #tpu.memory_space<vmem>> -> memref<1x100xi32, #tpu.memory_space<vmem>>
        %dma_wait3A_136 = tpu.memref_squeeze %dma_wait3A_135 : memref<1x100xi32, #tpu.memory_space<vmem>> -> memref<100xi32, #tpu.memory_space<vmem>>
        %dma_wait3A_137 = arith.constant 0 : i32
        %dma_wait3A_138 = arith.constant 0 : i32
        %dma_wait3A_139 = tpu.memref_slice %arg3[%dma_wait3A_137, %dma_wait3A_138] : memref<10000x128xf32, #tpu.memory_space<hbm>> -> memref<10000x128xf32, #tpu.memory_space<hbm>>
        tpu.wait_indirect_dma semaphore(%arg14 : memref<!tpu.dma_semaphore, #tpu.memory_space<semaphore_mem>>) src(%dma_wait3A_139 : memref<10000x128xf32, #tpu.memory_space<hbm>>) dst(%dma_wait3A_129 : memref<100x128xf32, #tpu.memory_space<vmem>>)
        %run_scoped3A_140 = arith.constant 1 : i32
        "tpu.region"() ({
          %run_scoped3A_148 = tpu.sem_alloc : memref<!tpu.dma_semaphore, #tpu.memory_space<semaphore_mem>>
          %dma_start3A_149 = arith.constant 0 : i32
          %dma_start3A_150 = arith.constant 0 : i32
          %dma_start3A_151 = tpu.memref_slice %arg11[%scan3A_57, %dma_start3A_149, %dma_start3A_150] : memref<2x100x128xf32, #tpu.memory_space<vmem>> -> memref<1x100x128xf32, #tpu.memory_space<vmem>>
          %dma_start3A_152 = tpu.memref_squeeze %dma_start3A_151 : memref<1x100x128xf32, #tpu.memory_space<vmem>> -> memref<100x128xf32, #tpu.memory_space<vmem>>
          %dma_start3A_153 = arith.constant 0 : i32
          %dma_start3A_154 = arith.constant 0 : i32
          %dma_start3A_155 = tpu.memref_slice %arg10[%scan3A_54, %dma_start3A_153, %dma_start3A_154] : memref<2x2x100xi32, #tpu.memory_space<vmem>> -> memref<1x2x100xi32, #tpu.memory_space<vmem>>
          %dma_start3A_156 = tpu.memref_squeeze %dma_start3A_155 : memref<1x2x100xi32, #tpu.memory_space<vmem>> -> memref<2x100xi32, #tpu.memory_space<vmem>>
          %dma_start3A_157 = arith.constant 0 : i32
          %dma_start3A_158 = tpu.memref_slice %dma_start3A_156[%run_scoped3A_140, %dma_start3A_157] : memref<2x100xi32, #tpu.memory_space<vmem>> -> memref<1x100xi32, #tpu.memory_space<vmem>>
          %dma_start3A_159 = tpu.memref_squeeze %dma_start3A_158 : memref<1x100xi32, #tpu.memory_space<vmem>> -> memref<100xi32, #tpu.memory_space<vmem>>
          %dma_start3A_160 = arith.constant 0 : i32
          %dma_start3A_161 = arith.constant 0 : i32
          %dma_start3A_162 = tpu.memref_slice %arg12[%dma_start3A_160, %dma_start3A_161] : memref<10112x128xf32, #tpu.memory_space<vmem_shared>> -> memref<10112x128xf32, #tpu.memory_space<vmem_shared>>
          tpu.enqueue_indirect_dma source(%dma_start3A_152 : memref<100x128xf32, #tpu.memory_space<vmem>>) target(%dma_start3A_162 : memref<10112x128xf32, #tpu.memory_space<vmem_shared>>) offsets(%dma_start3A_159 : memref<100xi32, #tpu.memory_space<vmem>>) semaphore(%run_scoped3A_148 : memref<!tpu.dma_semaphore, #tpu.memory_space<semaphore_mem>>) {add = true}
          %dma_wait3A_163 = arith.constant 0 : i32
          %dma_wait3A_164 = arith.constant 0 : i32
          %dma_wait3A_165 = tpu.memref_slice %arg11[%scan3A_57, %dma_wait3A_163, %dma_wait3A_164] : memref<2x100x128xf32, #tpu.memory_space<vmem>> -> memref<1x100x128xf32, #tpu.memory_space<vmem>>
          %dma_wait3A_166 = tpu.memref_squeeze %dma_wait3A_165 : memref<1x100x128xf32, #tpu.memory_space<vmem>> -> memref<100x128xf32, #tpu.memory_space<vmem>>
          %dma_wait3A_167 = arith.constant 0 : i32
          %dma_wait3A_168 = arith.constant 0 : i32
          %dma_wait3A_169 = tpu.memref_slice %arg10[%scan3A_54, %dma_wait3A_167, %dma_wait3A_168] : memref<2x2x100xi32, #tpu.memory_space<vmem>> -> memref<1x2x100xi32, #tpu.memory_space<vmem>>
          %dma_wait3A_170 = tpu.memref_squeeze %dma_wait3A_169 : memref<1x2x100xi32, #tpu.memory_space<vmem>> -> memref<2x100xi32, #tpu.memory_space<vmem>>
          %dma_wait3A_171 = arith.constant 0 : i32
          %dma_wait3A_172 = tpu.memref_slice %dma_wait3A_170[%run_scoped3A_140, %dma_wait3A_171] : memref<2x100xi32, #tpu.memory_space<vmem>> -> memref<1x100xi32, #tpu.memory_space<vmem>>
          %dma_wait3A_173 = tpu.memref_squeeze %dma_wait3A_172 : memref<1x100xi32, #tpu.memory_space<vmem>> -> memref<100xi32, #tpu.memory_space<vmem>>
          %dma_wait3A_174 = arith.constant 0 : i32
          %dma_wait3A_175 = arith.constant 0 : i32
          %dma_wait3A_176 = tpu.memref_slice %arg12[%dma_wait3A_174, %dma_wait3A_175] : memref<10112x128xf32, #tpu.memory_space<vmem_shared>> -> memref<10112x128xf32, #tpu.memory_space<vmem_shared>>
          tpu.wait_indirect_dma semaphore(%run_scoped3A_148 : memref<!tpu.dma_semaphore, #tpu.memory_space<semaphore_mem>>) src(%dma_wait3A_166 : memref<100x128xf32, #tpu.memory_space<vmem>>) dst(%dma_wait3A_176 : memref<10112x128xf32, #tpu.memory_space<vmem_shared>>)
          tpu.yield
        }) : () -> ()
        %add3A_141 = arith.constant 3 : i32
        %add3A_142 = arith.addi %mul3A_65, %add3A_141 : i32
        %lt3A_143 = arith.constant 100 : i32
        %lt3A_144 = arith.cmpi slt, %add3A_142, %lt3A_143 : i32
        %convert_element_type3A_145 = arith.extui %lt3A_144 : i1 to i32
        %cond3A_146 = arith.constant 0 : i32
        %cond3A_147 = arith.cmpi ne, %convert_element_type3A_145, %cond3A_146 : i32
        scf.if %cond3A_147 {
          %add3A_148 = arith.constant 3 : i32
          %add3A_149 = arith.addi %mul3A_65, %add3A_148 : i32
          %dma_start3A_150 = arith.constant 0 : i32
          %dma_start3A_151 = arith.constant 0 : i32
          %dma_start3A_152 = tpu.memref_slice %arg10[%scan3A_54, %dma_start3A_150, %dma_start3A_151] : memref<2x2x100xi32, #tpu.memory_space<vmem>> -> memref<1x2x100xi32, #tpu.memory_space<vmem>>
          %dma_start3A_153 = tpu.memref_squeeze %dma_start3A_152 : memref<1x2x100xi32, #tpu.memory_space<vmem>> -> memref<2x100xi32, #tpu.memory_space<vmem>>
          %dma_start3A_154 = arith.constant 0 : i32
          %dma_start3A_155 = arith.constant 0 : i32
          %dma_start3A_156 = tpu.memref_slice %arg4[%arg1, %add3A_149, %dma_start3A_154, %dma_start3A_155] : memref<16x100x2x100xi32, #tpu.memory_space<hbm>> -> memref<1x1x2x100xi32, #tpu.memory_space<hbm>>
          %dma_start3A_157 = tpu.memref_squeeze %dma_start3A_156 : memref<1x1x2x100xi32, #tpu.memory_space<hbm>> -> memref<2x100xi32, #tpu.memory_space<hbm>>
          %dma_start3A_158 = arith.constant 0 : i32
          %dma_start3A_159 = arith.constant 0 : i32
          %dma_start3A_160 = tpu.memref_slice %arg10[%scan3A_54, %dma_start3A_158, %dma_start3A_159] : memref<2x2x100xi32, #tpu.memory_space<vmem>> -> memref<1x2x100xi32, #tpu.memory_space<vmem>>
          %dma_start3A_161 = tpu.memref_squeeze %dma_start3A_160 : memref<1x2x100xi32, #tpu.memory_space<vmem>> -> memref<2x100xi32, #tpu.memory_space<vmem>>
          %dma_start3A_162 = arith.constant 0 : i32
          %dma_start3A_163 = arith.constant 0 : i32
          %dma_start3A_164 = tpu.memref_slice %arg4[%arg1, %add3A_149, %dma_start3A_162, %dma_start3A_163] : memref<16x100x2x100xi32, #tpu.memory_space<hbm>> -> memref<1x1x2x100xi32, #tpu.memory_space<hbm>>
          %dma_start3A_165 = tpu.memref_squeeze %dma_start3A_164 : memref<1x1x2x100xi32, #tpu.memory_space<hbm>> -> memref<2x100xi32, #tpu.memory_space<hbm>>
          tpu.enqueue_dma source(%dma_start3A_165 : memref<2x100xi32, #tpu.memory_space<hbm>>) target(%dma_start3A_161 : memref<2x100xi32, #tpu.memory_space<vmem>>) target_semaphore(%arg16 : memref<!tpu.dma_semaphore, #tpu.memory_space<semaphore_mem>>)
        } else {
        }
      }
      %scan3A_62 = arith.constant 50 : i32
    } else {
    }
    %barrier3A_8 = arith.constant 0 : index
    tpu.barrier barrier_id(%barrier3A_8)
    %eq3A_9 = arith.constant 0 : i32
    %eq3A_10 = arith.cmpi eq, %arg0, %eq3A_9 : i32
    %convert_element_type3A_11 = arith.extui %eq3A_10 : i1 to i32
    %cond3A_12 = arith.constant 0 : i32
    %cond3A_13 = arith.cmpi ne, %convert_element_type3A_11, %cond3A_12 : i32
    scf.if %cond3A_13 {
      "tpu.region"() ({
        %run_scoped3A = tpu.sem_alloc : memref<!tpu.dma_semaphore, #tpu.memory_space<semaphore_mem>>
        %dma_start3A = arith.constant 0 : i32
        %dma_start3A_19 = tpu.memref_slice %arg8[%mul3A_0, %dma_start3A] : memref<10112x128xf32, #tpu.memory_space<hbm>> -> memref<632x128xf32, #tpu.memory_space<hbm>>
        %dma_start3A_20 = arith.constant 0 : i32
        %dma_start3A_21 = tpu.memref_slice %arg12[%mul3A_0, %dma_start3A_20] : memref<10112x128xf32, #tpu.memory_space<vmem_shared>> -> memref<632x128xf32, #tpu.memory_space<vmem_shared>>
        tpu.enqueue_dma source(%dma_start3A_21 : memref<632x128xf32, #tpu.memory_space<vmem_shared>>) target(%dma_start3A_19 : memref<632x128xf32, #tpu.memory_space<hbm>>) target_semaphore(%run_scoped3A : memref<!tpu.dma_semaphore, #tpu.memory_space<semaphore_mem>>)
        %dma_wait3A = arith.constant 0 : i32
        %dma_wait3A_22 = tpu.memref_slice %arg8[%mul3A_0, %dma_wait3A] : memref<10112x128xf32, #tpu.memory_space<hbm>> -> memref<632x128xf32, #tpu.memory_space<hbm>>
        %dma_wait3A_23 = arith.constant 0 : i32
        %dma_wait3A_24 = tpu.memref_slice %arg12[%mul3A_0, %dma_wait3A_23] : memref<10112x128xf32, #tpu.memory_space<vmem_shared>> -> memref<632x128xf32, #tpu.memory_space<vmem_shared>>
        tpu.wait_dma2 semaphore(%run_scoped3A : memref<!tpu.dma_semaphore, #tpu.memory_space<semaphore_mem>>) src(%dma_wait3A_24 : memref<632x128xf32, #tpu.memory_space<vmem_shared>>) dst(%dma_wait3A_22 : memref<632x128xf32, #tpu.memory_space<hbm>>)
        tpu.yield
      }) : () -> ()
    } else {
    }
    %eq3A_14 = arith.constant 1 : i32
    %eq3A_15 = arith.cmpi eq, %arg0, %eq3A_14 : i32
    %convert_element_type3A_16 = arith.extui %eq3A_15 : i1 to i32
    %cond3A_17 = arith.constant 0 : i32
    %cond3A_18 = arith.cmpi ne, %convert_element_type3A_16, %cond3A_17 : i32
    scf.if %cond3A_18 {
      "tpu.region"() ({
        %run_scoped3A = tpu.sem_alloc : memref<!tpu.dma_semaphore, #tpu.memory_space<semaphore_mem>>
        %dma_start3A = arith.constant 0 : i32
        %dma_start3A_19 = tpu.memref_slice %arg9[%mul3A_0, %dma_start3A] : memref<10112x128xf32, #tpu.memory_space<hbm>> -> memref<632x128xf32, #tpu.memory_space<hbm>>
        %dma_start3A_20 = arith.constant 0 : i32
        %dma_start3A_21 = tpu.memref_slice %arg12[%mul3A_0, %dma_start3A_20] : memref<10112x128xf32, #tpu.memory_space<vmem_shared>> -> memref<632x128xf32, #tpu.memory_space<vmem_shared>>
        tpu.enqueue_dma source(%dma_start3A_21 : memref<632x128xf32, #tpu.memory_space<vmem_shared>>) target(%dma_start3A_19 : memref<632x128xf32, #tpu.memory_space<hbm>>) target_semaphore(%run_scoped3A : memref<!tpu.dma_semaphore, #tpu.memory_space<semaphore_mem>>)
        %dma_wait3A = arith.constant 0 : i32
        %dma_wait3A_22 = tpu.memref_slice %arg9[%mul3A_0, %dma_wait3A] : memref<10112x128xf32, #tpu.memory_space<hbm>> -> memref<632x128xf32, #tpu.memory_space<hbm>>
        %dma_wait3A_23 = arith.constant 0 : i32
        %dma_wait3A_24 = tpu.memref_slice %arg12[%mul3A_0, %dma_wait3A_23] : memref<10112x128xf32, #tpu.memory_space<vmem_shared>> -> memref<632x128xf32, #tpu.memory_space<vmem_shared>>
        tpu.wait_dma2 semaphore(%run_scoped3A : memref<!tpu.dma_semaphore, #tpu.memory_space<semaphore_mem>>) src(%dma_wait3A_24 : memref<632x128xf32, #tpu.memory_space<vmem_shared>>) dst(%dma_wait3A_22 : memref<632x128xf32, #tpu.memory_space<hbm>>)
        tpu.yield
      }) : () -> ()
    } else {
    }
    return
  }
}

module attributes {stable_mosaic.version = 14 : i64} {
  func.func @_tc_layer_body(%arg0: i32, %arg1: memref<2000x128xf32, #tpu.memory_space<vmem>>, %arg2: memref<2000x128xf32, #tpu.memory_space<vmem>>, %arg3: memref<2000x128xf32, #tpu.memory_space<vmem>>, %arg4: memref<2000x128xf32, #tpu.memory_space<vmem>>, %arg5: memref<2000x16xf32, #tpu.memory_space<vmem>>, %arg6: memref<512x512xf32, #tpu.memory_space<vmem>>, %arg7: memref<1x512xf32, #tpu.memory_space<vmem>>, %arg8: memref<256x512xf32, #tpu.memory_space<vmem>>, %arg9: memref<1x256xf32, #tpu.memory_space<vmem>>, %arg10: memref<2000x128xf32, #tpu.memory_space<vmem>>, %arg11: memref<2000x128xf32, #tpu.memory_space<vmem>>) attributes {dimension_semantics = [#tpu.dimension_semantics<arbitrary>], iteration_bounds = array<i64: 5>, scalar_prefetch = 0 : i64, scratch_operands = 0 : i64, tpu.core_type = #tpu.core_type<tc>, window_params = [{transform_indices = @transform_0, window_bounds = array<i64: 2000, 128>}, {transform_indices = @transform_1, window_bounds = array<i64: 2000, 128>}, {transform_indices = @transform_2, window_bounds = array<i64: 2000, 128>}, {transform_indices = @transform_3, window_bounds = array<i64: 2000, 128>}, {transform_indices = @transform_4, window_bounds = array<i64: 2000, 16>}, {pipeline_mode = #tpu.pipeline_mode<synchronous>, transform_indices = @transform_5, window_bounds = array<i64: 512, 512>}, {pipeline_mode = #tpu.pipeline_mode<synchronous>, transform_indices = @transform_6, window_bounds = array<i64: 1, 512>}, {pipeline_mode = #tpu.pipeline_mode<synchronous>, transform_indices = @transform_7, window_bounds = array<i64: 256, 512>}, {pipeline_mode = #tpu.pipeline_mode<synchronous>, transform_indices = @transform_8, window_bounds = array<i64: 1, 256>}, {transform_indices = @transform_9, window_bounds = array<i64: 2000, 128>}, {transform_indices = @transform_10, window_bounds = array<i64: 2000, 128>}]} {
    %get3A = arith.constant 0 : index
    %get3A_0 = arith.constant 0 : index
    %get3A_1 = vector.load %arg5[%get3A, %get3A_0] : memref<2000x16xf32, #tpu.memory_space<vmem>>, vector<2000x1xf32>
    %max3A = arith.constant 1.000000e+00 : f32
    %max3A_2 = vector.broadcast %max3A : f32 to vector<2000x1xf32>
    %max3A_3 = arith.maximumf %get3A_1, %max3A_2 : vector<2000x1xf32>
    %div3A = arith.constant 1.000000e+00 : f32
    %div3A_4 = vector.broadcast %div3A : f32 to vector<2000x1xf32>
    %div3A_5 = arith.divf %div3A_4, %max3A_3 : vector<2000x1xf32>
    %get3A_6 = arith.constant 0 : index
    %get3A_7 = arith.constant 0 : index
    %get3A_8 = vector.load %arg1[%get3A_6, %get3A_7] : memref<2000x128xf32, #tpu.memory_space<vmem>>, vector<2000x128xf32>
    %get3A_9 = arith.constant 0 : index
    %get3A_10 = arith.constant 0 : index
    %get3A_11 = vector.load %arg2[%get3A_9, %get3A_10] : memref<2000x128xf32, #tpu.memory_space<vmem>>, vector<2000x128xf32>
    %concatenate3A = tpu.concatenate %get3A_8, %get3A_11 in 1 : vector<2000x128xf32>, vector<2000x128xf32> -> vector<2000x256xf32>
    %get3A_12 = arith.constant 0 : index
    %get3A_13 = arith.constant 0 : index
    %get3A_14 = vector.load %arg3[%get3A_12, %get3A_13] : memref<2000x128xf32, #tpu.memory_space<vmem>>, vector<2000x128xf32>
    %get3A_15 = arith.constant 0 : index
    %get3A_16 = arith.constant 0 : index
    %get3A_17 = vector.load %arg4[%get3A_15, %get3A_16] : memref<2000x128xf32, #tpu.memory_space<vmem>>, vector<2000x128xf32>
    %concatenate3A_18 = tpu.concatenate %get3A_14, %get3A_17 in 1 : vector<2000x128xf32>, vector<2000x128xf32> -> vector<2000x256xf32>
    %mul3A = vector.broadcast %div3A_5 : vector<2000x1xf32> to vector<2000x256xf32>
    %mul3A_19 = arith.mulf %concatenate3A_18, %mul3A : vector<2000x256xf32>
    %concatenate3A_20 = tpu.concatenate %concatenate3A, %mul3A_19 in 1 : vector<2000x256xf32>, vector<2000x256xf32> -> vector<2000x512xf32>
    %get3A_21 = arith.constant 0 : index
    %get3A_22 = arith.constant 0 : index
    %get3A_23 = vector.load %arg6[%get3A_21, %get3A_22] : memref<512x512xf32, #tpu.memory_space<vmem>>, vector<512x512xf32>
    %dot_general3A = arith.constant dense<0.000000e+00> : vector<2000x512xf32>
    %dot_general3A_24 = tpu.matmul %concatenate3A_20, %get3A_23, %dot_general3A {dimension_numbers = #tpu.dot_dimension_numbers<[1], [1], [0], [0], [0, 0, 1, 0], [], []>, transpose_lhs_hint = false} : vector<2000x512xf32>, vector<512x512xf32>, vector<2000x512xf32> -> vector<2000x512xf32>
    %get3A_25 = arith.constant 0 : index
    %get3A_26 = arith.constant 0 : index
    %get3A_27 = vector.load %arg7[%get3A_25, %get3A_26] : memref<1x512xf32, #tpu.memory_space<vmem>>, vector<1x512xf32>
    %add3A = vector.broadcast %get3A_27 : vector<1x512xf32> to vector<2000x512xf32>
    %add3A_28 = arith.addf %dot_general3A_24, %add3A : vector<2000x512xf32>
    %max3A_29 = arith.constant 0.000000e+00 : f32
    %max3A_30 = vector.broadcast %max3A_29 : f32 to vector<2000x512xf32>
    %max3A_31 = arith.maximumf %add3A_28, %max3A_30 : vector<2000x512xf32>
    %get3A_32 = arith.constant 0 : index
    %get3A_33 = arith.constant 0 : index
    %get3A_34 = vector.load %arg8[%get3A_32, %get3A_33] : memref<256x512xf32, #tpu.memory_space<vmem>>, vector<256x512xf32>
    %dot_general3A_35 = arith.constant dense<0.000000e+00> : vector<2000x256xf32>
    %dot_general3A_36 = tpu.matmul %max3A_31, %get3A_34, %dot_general3A_35 {dimension_numbers = #tpu.dot_dimension_numbers<[1], [1], [0], [0], [0, 0, 1, 0], [], []>, transpose_lhs_hint = false} : vector<2000x512xf32>, vector<256x512xf32>, vector<2000x256xf32> -> vector<2000x256xf32>
    %get3A_37 = arith.constant 0 : index
    %get3A_38 = arith.constant 0 : index
    %get3A_39 = vector.load %arg9[%get3A_37, %get3A_38] : memref<1x256xf32, #tpu.memory_space<vmem>>, vector<1x256xf32>
    %add3A_40 = vector.broadcast %get3A_39 : vector<1x256xf32> to vector<2000x256xf32>
    %add3A_41 = arith.addf %dot_general3A_36, %add3A_40 : vector<2000x256xf32>
    %max3A_42 = arith.constant 0.000000e+00 : f32
    %max3A_43 = vector.broadcast %max3A_42 : f32 to vector<2000x256xf32>
    %max3A_44 = arith.maximumf %add3A_41, %max3A_43 : vector<2000x256xf32>
    %slice3A = vector.extract_strided_slice %max3A_44 {offsets = [0, 0], sizes = [2000, 128], strides = [1, 1]} : vector<2000x256xf32> to vector<2000x128xf32>
    %swap3A = arith.constant 0 : index
    %swap3A_45 = arith.constant 0 : index
    %swap3A_46 = vector.load %arg10[%swap3A, %swap3A_45] : memref<2000x128xf32, #tpu.memory_space<vmem>>, vector<2000x128xf32>
    tpu.vector_store %arg10[%swap3A, %swap3A_45], %slice3A {strides = array<i32>} : memref<2000x128xf32, #tpu.memory_space<vmem>>, vector<2000x128xf32>,
    %slice3A_47 = vector.extract_strided_slice %max3A_44 {offsets = [0, 128], sizes = [2000, 128], strides = [1, 1]} : vector<2000x256xf32> to vector<2000x128xf32>
    %swap3A_48 = arith.constant 0 : index
    %swap3A_49 = arith.constant 0 : index
    %swap3A_50 = vector.load %arg11[%swap3A_48, %swap3A_49] : memref<2000x128xf32, #tpu.memory_space<vmem>>, vector<2000x128xf32>
    tpu.vector_store %arg11[%swap3A_48, %swap3A_49], %slice3A_47 {strides = array<i32>} : memref<2000x128xf32, #tpu.memory_space<vmem>>, vector<2000x128xf32>,
    return
  }
  func.func @transform_0(%arg0: i32) -> (i32, i32) {
    %c0_i32 = arith.constant 0 : i32
    %c0_i32_0 = arith.constant 0 : i32
    return %arg0, %c0_i32 : i32, i32
  }
  func.func @transform_1(%arg0: i32) -> (i32, i32) {
    %c0_i32 = arith.constant 0 : i32
    %c0_i32_0 = arith.constant 0 : i32
    return %arg0, %c0_i32 : i32, i32
  }
  func.func @transform_2(%arg0: i32) -> (i32, i32) {
    %c0_i32 = arith.constant 0 : i32
    %c0_i32_0 = arith.constant 0 : i32
    return %arg0, %c0_i32 : i32, i32
  }
  func.func @transform_3(%arg0: i32) -> (i32, i32) {
    %c0_i32 = arith.constant 0 : i32
    %c0_i32_0 = arith.constant 0 : i32
    return %arg0, %c0_i32 : i32, i32
  }
  func.func @transform_4(%arg0: i32) -> (i32, i32) {
    %c0_i32 = arith.constant 0 : i32
    %c0_i32_0 = arith.constant 0 : i32
    return %arg0, %c0_i32 : i32, i32
  }
  func.func @transform_5(%arg0: i32) -> (i32, i32) {
    %c0_i32 = arith.constant 0 : i32
    %c0_i32_0 = arith.constant 0 : i32
    %c0_i32_1 = arith.constant 0 : i32
    return %c0_i32, %c0_i32_0 : i32, i32
  }
  func.func @transform_6(%arg0: i32) -> (i32, i32) {
    %c0_i32 = arith.constant 0 : i32
    %c0_i32_0 = arith.constant 0 : i32
    %c0_i32_1 = arith.constant 0 : i32
    return %c0_i32, %c0_i32_0 : i32, i32
  }
  func.func @transform_7(%arg0: i32) -> (i32, i32) {
    %c0_i32 = arith.constant 0 : i32
    %c0_i32_0 = arith.constant 0 : i32
    %c0_i32_1 = arith.constant 0 : i32
    return %c0_i32, %c0_i32_0 : i32, i32
  }
  func.func @transform_8(%arg0: i32) -> (i32, i32) {
    %c0_i32 = arith.constant 0 : i32
    %c0_i32_0 = arith.constant 0 : i32
    %c0_i32_1 = arith.constant 0 : i32
    return %c0_i32, %c0_i32_0 : i32, i32
  }
  func.func @transform_9(%arg0: i32) -> (i32, i32) {
    %c0_i32 = arith.constant 0 : i32
    %c0_i32_0 = arith.constant 0 : i32
    return %arg0, %c0_i32 : i32, i32
  }
  func.func @transform_10(%arg0: i32) -> (i32, i32) {
    %c0_i32 = arith.constant 0 : i32
    %c0_i32_0 = arith.constant 0 : i32
    return %arg0, %c0_i32 : i32, i32
  }
}

module attributes {stable_mosaic.version = 14 : i64} {
  func.func @_layer2_pool_body(%arg0: i32, %arg1: memref<2000x128xf32, #tpu.memory_space<vmem>>, %arg2: memref<2000x128xf32, #tpu.memory_space<vmem>>, %arg3: memref<2000x128xf32, #tpu.memory_space<vmem>>, %arg4: memref<2000x128xf32, #tpu.memory_space<vmem>>, %arg5: memref<2000x16xf32, #tpu.memory_space<vmem>>, %arg6: memref<512x512xf32, #tpu.memory_space<vmem>>, %arg7: memref<1x512xf32, #tpu.memory_space<vmem>>, %arg8: memref<256x512xf32, #tpu.memory_space<vmem>>, %arg9: memref<1x256xf32, #tpu.memory_space<vmem>>, %arg10: memref<1x1x2000xi32, #tpu.memory_space<vmem>>, %arg11: memref<1x10000xi32, #tpu.memory_space<vmem>>, %arg12: memref<512x512xf32, #tpu.memory_space<vmem>>, %arg13: memref<1x512xf32, #tpu.memory_space<vmem>>, %arg14: memref<128x512xf32, #tpu.memory_space<vmem>>, %arg15: memref<1x128xf32, #tpu.memory_space<vmem>>, %arg16: memref<64x128xf32, #tpu.memory_space<vmem>>, %arg17: memref<10000x256xf32, #tpu.memory_space<vmem>>, %arg18: memref<64x256xf32, #tpu.memory_space<vmem>>, %arg19: memref<64x128xf32, #tpu.memory_space<vmem>>) attributes {dimension_semantics = [#tpu.dimension_semantics<arbitrary>], iteration_bounds = array<i64: 5>, scalar_prefetch = 0 : i64, scratch_operands = 3 : i64, tpu.core_type = #tpu.core_type<tc>, window_params = [{transform_indices = @transform_0, window_bounds = array<i64: 2000, 128>}, {transform_indices = @transform_1, window_bounds = array<i64: 2000, 128>}, {transform_indices = @transform_2, window_bounds = array<i64: 2000, 128>}, {transform_indices = @transform_3, window_bounds = array<i64: 2000, 128>}, {transform_indices = @transform_4, window_bounds = array<i64: 2000, 16>}, {pipeline_mode = #tpu.pipeline_mode<synchronous>, transform_indices = @transform_5, window_bounds = array<i64: 512, 512>}, {pipeline_mode = #tpu.pipeline_mode<synchronous>, transform_indices = @transform_6, window_bounds = array<i64: 1, 512>}, {pipeline_mode = #tpu.pipeline_mode<synchronous>, transform_indices = @transform_7, window_bounds = array<i64: 256, 512>}, {pipeline_mode = #tpu.pipeline_mode<synchronous>, transform_indices = @transform_8, window_bounds = array<i64: 1, 256>}, {transform_indices = @transform_9, window_bounds = array<i64: 1, 1, 2000>}, {pipeline_mode = #tpu.pipeline_mode<synchronous>, transform_indices = @transform_10, window_bounds = array<i64: 1, 10000>}, {pipeline_mode = #tpu.pipeline_mode<synchronous>, transform_indices = @transform_11, window_bounds = array<i64: 512, 512>}, {pipeline_mode = #tpu.pipeline_mode<synchronous>, transform_indices = @transform_12, window_bounds = array<i64: 1, 512>}, {pipeline_mode = #tpu.pipeline_mode<synchronous>, transform_indices = @transform_13, window_bounds = array<i64: 128, 512>}, {pipeline_mode = #tpu.pipeline_mode<synchronous>, transform_indices = @transform_14, window_bounds = array<i64: 1, 128>}, {pipeline_mode = #tpu.pipeline_mode<synchronous>, transform_indices = @transform_15, window_bounds = array<i64: 64, 128>}]} {
    %eq3A = arith.constant 0 : i32
    %eq3A_0 = arith.cmpi eq, %arg0, %eq3A : i32
    %convert_element_type3A = arith.extui %eq3A_0 : i1 to i32
    %cond3A = arith.constant 0 : i32
    %cond3A_1 = arith.cmpi ne, %convert_element_type3A, %cond3A : i32
    scf.if %cond3A_1 {
      %broadcast_in_dim3A_85 = arith.constant 0.000000e+00 : f32
      %broadcast_in_dim3A_86 = vector.broadcast %broadcast_in_dim3A_85 : f32 to vector<64x256xf32>
      %swap3A_87 = arith.constant 0 : index
      %swap3A_88 = arith.constant 0 : index
      %swap3A_89 = vector.load %arg18[%swap3A_87, %swap3A_88] : memref<64x256xf32, #tpu.memory_space<vmem>>, vector<64x256xf32>
      tpu.vector_store %arg18[%swap3A_87, %swap3A_88], %broadcast_in_dim3A_86 {strides = array<i32>} : memref<64x256xf32, #tpu.memory_space<vmem>>, vector<64x256xf32>,
      %broadcast_in_dim3A_90 = arith.constant 0.000000e+00 : f32
      %broadcast_in_dim3A_91 = vector.broadcast %broadcast_in_dim3A_90 : f32 to vector<64x128xf32>
      %swap3A_92 = arith.constant 0 : index
      %swap3A_93 = arith.constant 0 : index
      %swap3A_94 = vector.load %arg19[%swap3A_92, %swap3A_93] : memref<64x128xf32, #tpu.memory_space<vmem>>, vector<64x128xf32>
      tpu.vector_store %arg19[%swap3A_92, %swap3A_93], %broadcast_in_dim3A_91 {strides = array<i32>} : memref<64x128xf32, #tpu.memory_space<vmem>>, vector<64x128xf32>,
    } else {
    }
    %get3A = arith.constant 0 : index
    %get3A_2 = arith.constant 0 : index
    %get3A_3 = vector.load %arg5[%get3A, %get3A_2] : memref<2000x16xf32, #tpu.memory_space<vmem>>, vector<2000x1xf32>
    %max3A = arith.constant 1.000000e+00 : f32
    %max3A_4 = vector.broadcast %max3A : f32 to vector<2000x1xf32>
    %max3A_5 = arith.maximumf %get3A_3, %max3A_4 : vector<2000x1xf32>
    %div3A = arith.constant 1.000000e+00 : f32
    %div3A_6 = vector.broadcast %div3A : f32 to vector<2000x1xf32>
    %div3A_7 = arith.divf %div3A_6, %max3A_5 : vector<2000x1xf32>
    %get3A_8 = arith.constant 0 : index
    %get3A_9 = arith.constant 0 : index
    %get3A_10 = vector.load %arg1[%get3A_8, %get3A_9] : memref<2000x128xf32, #tpu.memory_space<vmem>>, vector<2000x128xf32>
    %get3A_11 = arith.constant 0 : index
    %get3A_12 = arith.constant 0 : index
    %get3A_13 = vector.load %arg2[%get3A_11, %get3A_12] : memref<2000x128xf32, #tpu.memory_space<vmem>>, vector<2000x128xf32>
    %concatenate3A = tpu.concatenate %get3A_10, %get3A_13 in 1 : vector<2000x128xf32>, vector<2000x128xf32> -> vector<2000x256xf32>
    %get3A_14 = arith.constant 0 : index
    %get3A_15 = arith.constant 0 : index
    %get3A_16 = vector.load %arg3[%get3A_14, %get3A_15] : memref<2000x128xf32, #tpu.memory_space<vmem>>, vector<2000x128xf32>
    %get3A_17 = arith.constant 0 : index
    %get3A_18 = arith.constant 0 : index
    %get3A_19 = vector.load %arg4[%get3A_17, %get3A_18] : memref<2000x128xf32, #tpu.memory_space<vmem>>, vector<2000x128xf32>
    %concatenate3A_20 = tpu.concatenate %get3A_16, %get3A_19 in 1 : vector<2000x128xf32>, vector<2000x128xf32> -> vector<2000x256xf32>
    %mul3A = vector.broadcast %div3A_7 : vector<2000x1xf32> to vector<2000x256xf32>
    %mul3A_21 = arith.mulf %concatenate3A_20, %mul3A : vector<2000x256xf32>
    %concatenate3A_22 = tpu.concatenate %concatenate3A, %mul3A_21 in 1 : vector<2000x256xf32>, vector<2000x256xf32> -> vector<2000x512xf32>
    %get3A_23 = arith.constant 0 : index
    %get3A_24 = arith.constant 0 : index
    %get3A_25 = vector.load %arg6[%get3A_23, %get3A_24] : memref<512x512xf32, #tpu.memory_space<vmem>>, vector<512x512xf32>
    %dot_general3A = arith.constant dense<0.000000e+00> : vector<2000x512xf32>
    %dot_general3A_26 = tpu.matmul %concatenate3A_22, %get3A_25, %dot_general3A {dimension_numbers = #tpu.dot_dimension_numbers<[1], [1], [0], [0], [0, 0, 1, 0], [], []>, transpose_lhs_hint = false} : vector<2000x512xf32>, vector<512x512xf32>, vector<2000x512xf32> -> vector<2000x512xf32>
    %get3A_27 = arith.constant 0 : index
    %get3A_28 = arith.constant 0 : index
    %get3A_29 = vector.load %arg7[%get3A_27, %get3A_28] : memref<1x512xf32, #tpu.memory_space<vmem>>, vector<1x512xf32>
    %add3A = vector.broadcast %get3A_29 : vector<1x512xf32> to vector<2000x512xf32>
    %add3A_30 = arith.addf %dot_general3A_26, %add3A : vector<2000x512xf32>
    %max3A_31 = arith.constant 0.000000e+00 : f32
    %max3A_32 = vector.broadcast %max3A_31 : f32 to vector<2000x512xf32>
    %max3A_33 = arith.maximumf %add3A_30, %max3A_32 : vector<2000x512xf32>
    %get3A_34 = arith.constant 0 : index
    %get3A_35 = arith.constant 0 : index
    %get3A_36 = vector.load %arg8[%get3A_34, %get3A_35] : memref<256x512xf32, #tpu.memory_space<vmem>>, vector<256x512xf32>
    %dot_general3A_37 = arith.constant dense<0.000000e+00> : vector<2000x256xf32>
    %dot_general3A_38 = tpu.matmul %max3A_33, %get3A_36, %dot_general3A_37 {dimension_numbers = #tpu.dot_dimension_numbers<[1], [1], [0], [0], [0, 0, 1, 0], [], []>, transpose_lhs_hint = false} : vector<2000x512xf32>, vector<256x512xf32>, vector<2000x256xf32> -> vector<2000x256xf32>
    %get3A_39 = arith.constant 0 : index
    %get3A_40 = arith.constant 0 : index
    %get3A_41 = vector.load %arg9[%get3A_39, %get3A_40] : memref<1x256xf32, #tpu.memory_space<vmem>>, vector<1x256xf32>
    %add3A_42 = vector.broadcast %get3A_41 : vector<1x256xf32> to vector<2000x256xf32>
    %add3A_43 = arith.addf %dot_general3A_38, %add3A_42 : vector<2000x256xf32>
    %max3A_44 = arith.constant 0.000000e+00 : f32
    %max3A_45 = vector.broadcast %max3A_44 : f32 to vector<2000x256xf32>
    %max3A_46 = arith.maximumf %add3A_43, %max3A_45 : vector<2000x256xf32>
    %mul3A_47 = arith.constant 2000 : i32
    %mul3A_48 = arith.muli %arg0, %mul3A_47 : i32
    %swap3A = arith.index_cast %mul3A_48 : i32 to index
    %swap3A_49 = arith.constant 0 : index
    %swap3A_50 = vector.load %arg17[%swap3A, %swap3A_49] : memref<10000x256xf32, #tpu.memory_space<vmem>>, vector<2000x256xf32>
    tpu.vector_store %arg17[%swap3A, %swap3A_49], %max3A_46 {strides = array<i32>} : memref<10000x256xf32, #tpu.memory_space<vmem>>, vector<2000x256xf32>,
    %get3A_51 = arith.constant 0 : index
    %get3A_52 = arith.constant 0 : index
    %get3A_53 = arith.constant 0 : index
    %get3A_54 = vector.load %arg10[%get3A_51, %get3A_52, %get3A_53] : memref<1x1x2000xi32, #tpu.memory_space<vmem>>, vector<1x1x2000xi32>
    %reshape3A = vector.shape_cast %get3A_54 : vector<1x1x2000xi32> to vector<1x2000xi32>
    %iota3A = tpu.iota {dimensions = array<i32: 0>} : vector<64x2000xi32>
    %broadcast_in_dim3A = vector.shape_cast %reshape3A : vector<1x2000xi32> to vector<1x2000xi32>
    %broadcast_in_dim3A_55 = vector.broadcast %broadcast_in_dim3A : vector<1x2000xi32> to vector<64x2000xi32>
    %eq3A_56 = arith.cmpi eq, %iota3A, %broadcast_in_dim3A_55 : vector<64x2000xi32>
    %jit3A = arith.constant 1.000000e+00 : f32
    %jit3A_57 = arith.constant 0.000000e+00 : f32
    %broadcast_in_dim3A_58 = vector.broadcast %jit3A : f32 to vector<64x2000xf32>
    %broadcast_in_dim3A_59 = vector.broadcast %jit3A_57 : f32 to vector<64x2000xf32>
    %select_n3A = arith.select %eq3A_56, %broadcast_in_dim3A_58, %broadcast_in_dim3A_59 : vector<64x2000xi1>, vector<64x2000xf32>
    %get3A_60 = arith.constant 0 : index
    %get3A_61 = arith.constant 0 : index
    %get3A_62 = vector.load %arg18[%get3A_60, %get3A_61] : memref<64x256xf32, #tpu.memory_space<vmem>>, vector<64x256xf32>
    %dot_general3A_63 = arith.constant dense<0.000000e+00> : vector<64x256xf32>
    %dot_general3A_64 = tpu.matmul %select_n3A, %max3A_46, %dot_general3A_63 {dimension_numbers = #tpu.dot_dimension_numbers<[1], [0], [0], [1], [0, 0, 1, 1], [], []>, transpose_lhs_hint = false} : vector<64x2000xf32>, vector<2000x256xf32>, vector<64x256xf32> -> vector<64x256xf32>
    %add3A_65 = arith.addf %get3A_62, %dot_general3A_64 : vector<64x256xf32>
    %swap3A_66 = arith.constant 0 : index
    %swap3A_67 = arith.constant 0 : index
    %swap3A_68 = vector.load %arg18[%swap3A_66, %swap3A_67] : memref<64x256xf32, #tpu.memory_space<vmem>>, vector<64x256xf32>
    tpu.vector_store %arg18[%swap3A_66, %swap3A_67], %add3A_65 {strides = array<i32>} : memref<64x256xf32, #tpu.memory_space<vmem>>, vector<64x256xf32>,
    %get3A_69 = arith.constant 0 : index
    %get3A_70 = arith.constant 0 : index
    %get3A_71 = vector.load %arg19[%get3A_69, %get3A_70] : memref<64x128xf32, #tpu.memory_space<vmem>>, vector<64x128xf32>
    %reduce_sum3A = arith.constant dense<0.000000e+00> : vector<64xf32>
    %reduce_sum3A_72 = vector.multi_reduction <add>, %select_n3A, %reduce_sum3A [1] : vector<64x2000xf32> to vector<64xf32>
    %broadcast_in_dim3A_73 = vector.shape_cast %reduce_sum3A_72 : vector<64xf32> to vector<64x1xf32>
    %broadcast_in_dim3A_74 = vector.shape_cast %broadcast_in_dim3A_73 : vector<64x1xf32> to vector<64x1xf32>
    %broadcast_in_dim3A_75 = vector.broadcast %broadcast_in_dim3A_74 : vector<64x1xf32> to vector<64x128xf32>
    %add3A_76 = arith.addf %get3A_71, %broadcast_in_dim3A_75 : vector<64x128xf32>
    %swap3A_77 = arith.constant 0 : index
    %swap3A_78 = arith.constant 0 : index
    %swap3A_79 = vector.load %arg19[%swap3A_77, %swap3A_78] : memref<64x128xf32, #tpu.memory_space<vmem>>, vector<64x128xf32>
    tpu.vector_store %arg19[%swap3A_77, %swap3A_78], %add3A_76 {strides = array<i32>} : memref<64x128xf32, #tpu.memory_space<vmem>>, vector<64x128xf32>,
    %eq3A_80 = arith.constant 4 : i32
    %eq3A_81 = arith.cmpi eq, %arg0, %eq3A_80 : i32
    %convert_element_type3A_82 = arith.extui %eq3A_81 : i1 to i32
    %cond3A_83 = arith.constant 0 : i32
    %cond3A_84 = arith.cmpi ne, %convert_element_type3A_82, %cond3A_83 : i32
    scf.if %cond3A_84 {
      %get3A_85 = arith.constant 0 : index
      %get3A_86 = arith.constant 0 : index
      %get3A_87 = vector.load %arg11[%get3A_85, %get3A_86] : memref<1x10000xi32, #tpu.memory_space<vmem>>, vector<1x10000xi32>
      %iota3A_88 = tpu.iota {dimensions = array<i32: 0>} : vector<64x10000xi32>
      %broadcast_in_dim3A_89 = vector.shape_cast %get3A_87 : vector<1x10000xi32> to vector<1x10000xi32>
      %broadcast_in_dim3A_90 = vector.broadcast %broadcast_in_dim3A_89 : vector<1x10000xi32> to vector<64x10000xi32>
      %eq3A_91 = arith.cmpi eq, %iota3A_88, %broadcast_in_dim3A_90 : vector<64x10000xi32>
      %jit3A_92 = arith.constant 1.000000e+00 : f32
      %jit3A_93 = arith.constant 0.000000e+00 : f32
      %broadcast_in_dim3A_94 = vector.broadcast %jit3A_92 : f32 to vector<64x10000xf32>
      %broadcast_in_dim3A_95 = vector.broadcast %jit3A_93 : f32 to vector<64x10000xf32>
      %select_n3A_96 = arith.select %eq3A_91, %broadcast_in_dim3A_94, %broadcast_in_dim3A_95 : vector<64x10000xi1>, vector<64x10000xf32>
      %get3A_97 = arith.constant 0 : index
      %get3A_98 = arith.constant 0 : index
      %get3A_99 = vector.load %arg19[%get3A_97, %get3A_98] : memref<64x128xf32, #tpu.memory_space<vmem>>, vector<64x1xf32>
      %max3A_100 = arith.constant 1.000000e+00 : f32
      %max3A_101 = vector.broadcast %max3A_100 : f32 to vector<64x1xf32>
      %max3A_102 = arith.maximumf %get3A_99, %max3A_101 : vector<64x1xf32>
      %get3A_103 = arith.constant 0 : index
      %get3A_104 = arith.constant 0 : index
      %get3A_105 = vector.load %arg18[%get3A_103, %get3A_104] : memref<64x256xf32, #tpu.memory_space<vmem>>, vector<64x256xf32>
      %div3A_106 = vector.broadcast %max3A_102 : vector<64x1xf32> to vector<64x256xf32>
      %div3A_107 = arith.divf %get3A_105, %div3A_106 : vector<64x256xf32>
      %dot_general3A_108 = arith.constant dense<0.000000e+00> : vector<10000x256xf32>
      %dot_general3A_109 = tpu.matmul %select_n3A_96, %div3A_107, %dot_general3A_108 {dimension_numbers = #tpu.dot_dimension_numbers<[0], [0], [1], [1], [0, 1, 1, 1], [], []>, transpose_lhs_hint = false} : vector<64x10000xf32>, vector<64x256xf32>, vector<10000x256xf32> -> vector<10000x256xf32>
      %get3A_110 = arith.constant 0 : index
      %get3A_111 = arith.constant 0 : index
      %get3A_112 = vector.load %arg17[%get3A_110, %get3A_111] : memref<10000x256xf32, #tpu.memory_space<vmem>>, vector<10000x256xf32>
      %sub3A = arith.subf %get3A_112, %dot_general3A_109 : vector<10000x256xf32>
      %mul3A_113 = arith.mulf %sub3A, %sub3A : vector<10000x256xf32>
      %dot_general3A_114 = arith.constant dense<0.000000e+00> : vector<64x256xf32>
      %dot_general3A_115 = tpu.matmul %select_n3A_96, %mul3A_113, %dot_general3A_114 {dimension_numbers = #tpu.dot_dimension_numbers<[1], [0], [0], [1], [0, 0, 1, 1], [], []>, transpose_lhs_hint = false} : vector<64x10000xf32>, vector<10000x256xf32>, vector<64x256xf32> -> vector<64x256xf32>
      %div3A_116 = vector.broadcast %max3A_102 : vector<64x1xf32> to vector<64x256xf32>
      %div3A_117 = arith.divf %dot_general3A_115, %div3A_116 : vector<64x256xf32>
      %jit3A_118 = arith.constant 9.99999996E-13 : f32
      %max3A_119 = vector.broadcast %jit3A_118 : f32 to vector<64x256xf32>
      %max3A_120 = arith.maximumf %max3A_119, %div3A_117 : vector<64x256xf32>
      %sqrt3A = math.sqrt %max3A_120 : vector<64x256xf32>
      %concatenate3A_121 = tpu.concatenate %div3A_107, %sqrt3A in 1 : vector<64x256xf32>, vector<64x256xf32> -> vector<64x512xf32>
      %get3A_122 = arith.constant 0 : index
      %get3A_123 = arith.constant 0 : index
      %get3A_124 = vector.load %arg12[%get3A_122, %get3A_123] : memref<512x512xf32, #tpu.memory_space<vmem>>, vector<512x512xf32>
      %dot_general3A_125 = arith.constant dense<0.000000e+00> : vector<64x512xf32>
      %dot_general3A_126 = tpu.matmul %concatenate3A_121, %get3A_124, %dot_general3A_125 {dimension_numbers = #tpu.dot_dimension_numbers<[1], [1], [0], [0], [0, 0, 1, 0], [], []>, transpose_lhs_hint = false} : vector<64x512xf32>, vector<512x512xf32>, vector<64x512xf32> -> vector<64x512xf32>
      %get3A_127 = arith.constant 0 : index
      %get3A_128 = arith.constant 0 : index
      %get3A_129 = vector.load %arg13[%get3A_127, %get3A_128] : memref<1x512xf32, #tpu.memory_space<vmem>>, vector<1x512xf32>
      %add3A_130 = vector.broadcast %get3A_129 : vector<1x512xf32> to vector<64x512xf32>
      %add3A_131 = arith.addf %dot_general3A_126, %add3A_130 : vector<64x512xf32>
      %max3A_132 = arith.constant 0.000000e+00 : f32
      %max3A_133 = vector.broadcast %max3A_132 : f32 to vector<64x512xf32>
      %max3A_134 = arith.maximumf %add3A_131, %max3A_133 : vector<64x512xf32>
      %get3A_135 = arith.constant 0 : index
      %get3A_136 = arith.constant 0 : index
      %get3A_137 = vector.load %arg14[%get3A_135, %get3A_136] : memref<128x512xf32, #tpu.memory_space<vmem>>, vector<128x512xf32>
      %dot_general3A_138 = arith.constant dense<0.000000e+00> : vector<64x128xf32>
      %dot_general3A_139 = tpu.matmul %max3A_134, %get3A_137, %dot_general3A_138 {dimension_numbers = #tpu.dot_dimension_numbers<[1], [1], [0], [0], [0, 0, 1, 0], [], []>, transpose_lhs_hint = false} : vector<64x512xf32>, vector<128x512xf32>, vector<64x128xf32> -> vector<64x128xf32>
      %get3A_140 = arith.constant 0 : index
      %get3A_141 = arith.constant 0 : index
      %get3A_142 = vector.load %arg15[%get3A_140, %get3A_141] : memref<1x128xf32, #tpu.memory_space<vmem>>, vector<1x128xf32>
      %add3A_143 = vector.broadcast %get3A_142 : vector<1x128xf32> to vector<64x128xf32>
      %add3A_144 = arith.addf %dot_general3A_139, %add3A_143 : vector<64x128xf32>
      %swap3A_145 = arith.constant 0 : index
      %swap3A_146 = arith.constant 0 : index
      %swap3A_147 = vector.load %arg16[%swap3A_145, %swap3A_146] : memref<64x128xf32, #tpu.memory_space<vmem>>, vector<64x128xf32>
      tpu.vector_store %arg16[%swap3A_145, %swap3A_146], %add3A_144 {strides = array<i32>} : memref<64x128xf32, #tpu.memory_space<vmem>>, vector<64x128xf32>,
    } else {
    }
    return
  }
  func.func @transform_0(%arg0: i32) -> (i32, i32) {
    %c0_i32 = arith.constant 0 : i32
    %c0_i32_0 = arith.constant 0 : i32
    return %arg0, %c0_i32 : i32, i32
  }
  func.func @transform_1(%arg0: i32) -> (i32, i32) {
    %c0_i32 = arith.constant 0 : i32
    %c0_i32_0 = arith.constant 0 : i32
    return %arg0, %c0_i32 : i32, i32
  }
  func.func @transform_2(%arg0: i32) -> (i32, i32) {
    %c0_i32 = arith.constant 0 : i32
    %c0_i32_0 = arith.constant 0 : i32
    return %arg0, %c0_i32 : i32, i32
  }
  func.func @transform_3(%arg0: i32) -> (i32, i32) {
    %c0_i32 = arith.constant 0 : i32
    %c0_i32_0 = arith.constant 0 : i32
    return %arg0, %c0_i32 : i32, i32
  }
  func.func @transform_4(%arg0: i32) -> (i32, i32) {
    %c0_i32 = arith.constant 0 : i32
    %c0_i32_0 = arith.constant 0 : i32
    return %arg0, %c0_i32 : i32, i32
  }
  func.func @transform_5(%arg0: i32) -> (i32, i32) {
    %c0_i32 = arith.constant 0 : i32
    %c0_i32_0 = arith.constant 0 : i32
    %c0_i32_1 = arith.constant 0 : i32
    return %c0_i32, %c0_i32_0 : i32, i32
  }
  func.func @transform_6(%arg0: i32) -> (i32, i32) {
    %c0_i32 = arith.constant 0 : i32
    %c0_i32_0 = arith.constant 0 : i32
    %c0_i32_1 = arith.constant 0 : i32
    return %c0_i32, %c0_i32_0 : i32, i32
  }
  func.func @transform_7(%arg0: i32) -> (i32, i32) {
    %c0_i32 = arith.constant 0 : i32
    %c0_i32_0 = arith.constant 0 : i32
    %c0_i32_1 = arith.constant 0 : i32
    return %c0_i32, %c0_i32_0 : i32, i32
  }
  func.func @transform_8(%arg0: i32) -> (i32, i32) {
    %c0_i32 = arith.constant 0 : i32
    %c0_i32_0 = arith.constant 0 : i32
    %c0_i32_1 = arith.constant 0 : i32
    return %c0_i32, %c0_i32_0 : i32, i32
  }
  func.func @transform_9(%arg0: i32) -> (i32, i32, i32) {
    %c0_i32 = arith.constant 0 : i32
    %c0_i32_0 = arith.constant 0 : i32
    %c0_i32_1 = arith.constant 0 : i32
    return %arg0, %c0_i32, %c0_i32_0 : i32, i32, i32
  }
  func.func @transform_10(%arg0: i32) -> (i32, i32) {
    %c0_i32 = arith.constant 0 : i32
    %c0_i32_0 = arith.constant 0 : i32
    %c0_i32_1 = arith.constant 0 : i32
    return %c0_i32, %c0_i32_0 : i32, i32
  }
  func.func @transform_11(%arg0: i32) -> (i32, i32) {
    %c0_i32 = arith.constant 0 : i32
    %c0_i32_0 = arith.constant 0 : i32
    %c0_i32_1 = arith.constant 0 : i32
    return %c0_i32, %c0_i32_0 : i32, i32
  }
  func.func @transform_12(%arg0: i32) -> (i32, i32) {
    %c0_i32 = arith.constant 0 : i32
    %c0_i32_0 = arith.constant 0 : i32
    %c0_i32_1 = arith.constant 0 : i32
    return %c0_i32, %c0_i32_0 : i32, i32
  }
  func.func @transform_13(%arg0: i32) -> (i32, i32) {
    %c0_i32 = arith.constant 0 : i32
    %c0_i32_0 = arith.constant 0 : i32
    %c0_i32_1 = arith.constant 0 : i32
    return %c0_i32, %c0_i32_0 : i32, i32
  }
  func.func @transform_14(%arg0: i32) -> (i32, i32) {
    %c0_i32 = arith.constant 0 : i32
    %c0_i32_0 = arith.constant 0 : i32
    %c0_i32_1 = arith.constant 0 : i32
    return %c0_i32, %c0_i32_0 : i32, i32
  }
  func.func @transform_15(%arg0: i32) -> (i32, i32) {
    %c0_i32 = arith.constant 0 : i32
    %c0_i32_0 = arith.constant 0 : i32
    %c0_i32_1 = arith.constant 0 : i32
    return %c0_i32, %c0_i32_0 : i32, i32
  }
}

</mosaic_0001>

<sc_bundles>
// kernel: kernel.6.cloned.1.call-start
scs
__scs_entry_jumppad:
0x0: {  	(pc) =	sbr.rel $0x88, $3  }
0x1: {  	(tag) =	ssettag $0x0;
	lr =	simm.s32 $0x1  }
0x2: {  	[smem:$0x3F92] =	sst lr;
	_ =	strace $0xD0000000  }
0x3: {  	_ = 	snop  }
0x4: {  	_ = 	snop  }
0x5: {  	_ = 	snop  }
0x6: {  	_ = 	snop  }
0x7: {  	_ = 	snop  }
__scs_overlays_trampoline_lowered:
0x8: {  	[smem:$0x3FA1] =	sst s0  }
0x9: {  	[smem:$0x3FA2] =	sst s1  }
0xa: {  	[smem:$0x3FA3] =	sst s2  }
0xb: {  	[smem:$0x3FA4] =	sst s3  }
0xc: {  	[smem:$0x3FA5] =	sst s4  }
0xd: {  	[smem:$0x3FA6] =	sst s5  }
0xe: {  	[smem:$0x3FA7] =	sst s6  }
0xf: {  	[smem:$0x3FA8] =	sst s7  }
0x10: {  	[smem:$0x3FA9] =	sst s8  }
0x11: {  	[smem:$0x3FAA] =	sst s9;
	s0 =	simm.s32 @!p0 $0x0  }
0x12: {  	s1 =	sld [smem:$0x3F90];
	s0 =	simm.s32 @p0 $0x1  }
0x13: {  	[smem:$0x3FAB] =	sst s0;
	s0 =	simm.s32 @!p1 $0x0  }
0x14: {  	s2 =	sld [smem:$0x3F8F];
	s0 =	simm.s32 @p1 $0x1  }
0x15: {  	[smem:$0x3FAC] =	sst s0;
	s0 =	simm.s32 @!p2 $0x0  }
0x16: {  	s3 =	sld [smem:$0x3FDB];
	s0 =	simm.s32 @p2 $0x1  }
0x17: {  	s4 =	simm.s32 $0x1BF5;
	[smem:$0x3FAE] =	sst s0  }
0x18: {  	s0 =	sld [smem:$0x3F91];
	_ =	swait.ge [sflag:s4], $0x0  }
0x19: {  	s7 =	sld [smem:$0x3F92]  }
0x1a: {  	s8 =	sadd.s32 $0xFFFFE003, lr  }
0x1b: {  	s9 =	sadd.s32 $0xFFFFFEF7, lr;
	s5 =	simm.s32 $0xFFFFFFFF;
	p2 =	slt.u32 s8, $0xFFFFF086  }
0x1c: {  	p1 =	slt.u32 s9, $0xF7A;
	s5 =	simm.s32 @!p2 $0x0  }
0x1d: {  	s5 =	simm.s32 @p1 $0x1;
	p0 =	seq.s32 s7, s2  }
0x1e: {  	s7 =	smul.u32 @!p0 $0xF7A, s2;
	p2 =	seq.s32 @!p0 s5, $0x0  }
0x1f: {  	s9 =	smul.u32 $0xF7A, s1;
	s8 =	simm.s32 @!p0 $0x1BF5;
	p2 =	por !p2, p0  }
0x20: {  	[sflag:s8] =	ssyncset.s32 @!p0 $0xFFFFF086;
	s6 =	sadd.s32 @!p0 s3, s7;
	s7 =	simm.s32 @!p0 $0x108  }
0x21: {  	s3 =	sadd.s32 s3, s9;
	s6 =	sadd.s32 @!p0 $0x88, s6;
	s7 =	simm.s32 @p2 $0x1082  }
0x22: {  	[simem:s7], [sflag:s8] =	dma.local @!p0 [hbm:s6], $0xF7A  }
0x23: {  	s9 =	sor.u32 $0xD0000000, s2;
	s6 =	simm.s32 $0x108;
	_ =	swait.ge @!p0 [sflag:s8], $0x0  }
0x24: {  	s3 =	sadd.s32 $0x88, s3;
	s6 =	simm.s32 @!p1 $0x1082;
	[sflag:s4] =	ssyncset.s32 $0xFFFFF086  }
0x25: {  	[simem:s6], [sflag:s4] =	dma.local [hbm:s3], $0xF7A  }
0x26: {  	[smem:$0x3F92] =	sst s1;
	(tag) =	ssettag s2;
	_ =	strace s9  }
0x27: {  	s1 =	sld [smem:$0x3FA2]  }
0x28: {  	s2 =	sld [smem:$0x3FA3]  }
0x29: {  	s4 =	sld [smem:$0x3FA5]  }
0x2a: {  	p0 =	seq.s32 s5, $0x0;
	s5 =	sld [smem:$0x3FA6]  }
0x2b: {  	s6 =	sld [smem:$0x3FA7]  }
0x2c: {  	s7 =	sld [smem:$0x3FA8]  }
0x2d: {  	s3 =	simm.s32 $0x108;
	s8 =	sld [smem:$0x3FA9]  }
0x2e: {  	s3 =	simm.s32 @!p0 $0x1082;
	s9 =	sld [smem:$0x3FAA]  }
0x2f: {  	lr =	sadd.s32 s0, s3;
	s0 =	sld [smem:$0x3FA1]  }
0x30: {  	s3 =	sld [smem:$0x3FA4]  }
0x31: {  	[smem:$0x3FAD] =	sst s10  }
0x32: {  	s10 =	sld [smem:$0x3FAB];
	_ =	sdelay $0x3  }
0x33: {  	p0 =	seq.s32 s10, $0x1;
	s10 =	sld [smem:$0x3FAD];
	_ =	sdelay $0x3  }
0x34: {  	[smem:$0x3FAD] =	sst s10  }
0x35: {  	s10 =	sld [smem:$0x3FAC];
	_ =	sdelay $0x3  }
0x36: {  	p1 =	seq.s32 s10, $0x1;
	s10 =	sld [smem:$0x3FAD];
	_ =	sdelay $0x3  }
0x37: {  	[smem:$0x3FAD] =	sst s10  }
0x38: {  	s10 =	sld [smem:$0x3FAE]  }
0x39: {  	_ = 	snop;
	(pc) =	sbr.ind lr, $3  }
0x3a: {  	_ = 	snop  }
0x3b: {  	_ = 	snop  }
0x3c: {  	p2 =	seq.s32 s10, $0x1;
	s10 =	sld [smem:$0x3FAD]  }
0x3d: {  	_ =	shalt  }
0x3e: {  	_ =	shalt  }
0x3f: {  	_ =	shalt  }
0x40: {  	_ =	shalt  }
0x41: {  	_ =	shalt  }
0x42: {  	_ =	shalt  }
0x43: {  	_ =	shalt  }
0x44: {  	_ =	shalt  }
0x45: {  	_ =	shalt  }
0x46: {  	_ =	shalt  }
0x47: {  	_ =	shalt  }
0x48: {  	_ =	shalt  }
0x49: {  	_ =	shalt  }
0x4a: {  	_ =	shalt  }
0x4b: {  	_ =	shalt  }
0x4c: {  	_ =	shalt  }
0x4d: {  	_ =	shalt  }
0x4e: {  	_ =	shalt  }
0x4f: {  	_ =	shalt  }
0x50: {  	_ =	shalt  }
0x51: {  	_ =	shalt  }
0x52: {  	_ =	shalt  }
0x53: {  	_ =	shalt  }
0x54: {  	_ =	shalt  }
0x55: {  	_ =	shalt  }
0x56: {  	_ =	shalt  }
0x57: {  	_ =	shalt  }
0x58: {  	_ =	shalt  }
0x59: {  	_ =	shalt  }
0x5a: {  	_ =	shalt  }
0x5b: {  	_ =	shalt  }
0x5c: {  	_ =	shalt  }
0x5d: {  	_ =	shalt  }
0x5e: {  	_ =	shalt  }
0x5f: {  	_ =	shalt  }
0x60: {  	_ =	shalt  }
0x61: {  	_ =	shalt  }
0x62: {  	_ =	shalt  }
0x63: {  	_ =	shalt  }
0x64: {  	_ =	shalt  }
0x65: {  	_ =	shalt  }
0x66: {  	_ =	shalt  }
0x67: {  	_ =	shalt  }
0x68: {  	_ =	shalt  }
0x69: {  	_ =	shalt  }
0x6a: {  	_ =	shalt  }
0x6b: {  	_ =	shalt  }
0x6c: {  	_ =	shalt  }
0x6d: {  	_ =	shalt  }
0x6e: {  	_ =	shalt  }
0x6f: {  	_ =	shalt  }
0x70: {  	_ =	shalt  }
0x71: {  	_ =	shalt  }
0x72: {  	_ =	shalt  }
0x73: {  	_ =	shalt  }
0x74: {  	_ =	shalt  }
0x75: {  	_ =	shalt  }
0x76: {  	_ =	shalt  }
0x77: {  	_ =	shalt  }
0x78: {  	_ =	shalt  }
0x79: {  	_ =	shalt  }
0x7a: {  	_ =	shalt  }
0x7b: {  	_ =	shalt  }
0x7c: {  	_ =	shalt  }
0x7d: {  	_ =	shalt  }
0x7e: {  	_ =	shalt  }
0x7f: {  	_ =	shalt  }
0x80: {  	_ =	shalt  }
0x81: {  	_ =	shalt  }
0x82: {  	_ =	shalt  }
0x83: {  	_ =	shalt  }
0x84: {  	_ =	shalt  }
0x85: {  	_ =	shalt  }
0x86: {  	_ =	shalt  }
0x87: {  	_ =	shalt  }
.Lfunc_end0:
.L_simem_size_0:
called_computation_lowered:
.L_overlay_start_0:
0x88: {  	s2 =	sld [smem:$0x3FD9]  }
0x89: {  	s3 =	sld [smem:$0x3FFE];
	_ =	sdelay $0x1  }
0x8a: {  	s1 =	srdreg.scid  }
0x8b: {  	s0 =	sand.u32 $0x1, s1  }
0x8c: {  	s16 =	sshll.u32 s0, $0xA;
	s2 =	sadd.s32 s3, s2  }
0x8d: {  	s2 =	sadd.s32 s2, s16  }
0x8e: {  	[smem:$0x3FB9] =	sst s2  }
0x8f: {  	_ = 	snop  }
0x90: {  	(tm) =	ssettm $0x1  }
0x91: {  	s17 =	sld [smem:$0x3FFB];
	_ =	sdelay $0x3  }
0x92: {  	_ =	strace s17  }
0x93: {  	s2 =	sld [smem:$0x3FFC];
	_ =	sdelay $0x3  }
0x94: {  	_ =	strace s2  }
0x95: {  	s2 =	sld [smem:$0x3FFD];
	_ =	sdelay $0x3  }
0x96: {  	_ =	strace s2  }
0x97: {  	_ =	strace $0x8FFFFFFF  }
0x98: {  	s18 =	sld [smem:$0x3FDB];
	_ =	sdelay $0x1  }
0x99: {  	s19 =	simm.s32 $_scs_section_size  }
0x9a: {  	s4 =	simm.s32 $_size__tile_overlayer_lowered;
	s5 =	simm.s32 $_tile_overlayer_lowered  }
0x9b: {  	s22 =	simm.s32 $0x1BFF;
	s21 =	sshll.u32 s5, $0x1;
	s2 =	sadd.s32 s19, s18  }
0x9c: {  	s6 =	simm.s32 $0x0;
	s20 =	sshll.u32 s4, $0x1;
	s4 =	sadd.s32 s21, s2  }
0x9d: {  	[timem:s6], [sflag:s22] =	dma.local [hbm:s4], s20  }
0x9e: {  	_ =	swait.ge [sflag:s22], s20  }
0x9f: {  	s3 =	ssub.s32 $0x0, s20;
	[sflag:s22] =	ssyncset.done $0x0  }
0xa0: {  	[sflag:s22] =	ssyncadd.s32 s3;
	_ =	sdelay $0x1  }
0xa1: {  	s23 =	simm.s32 $0x1B8B  }
0xa2: {  	_ =	swait.ge [sflag:s23], $0x1  }
0xa3: {  	[sflag:s23] =	ssyncset.done $0x0  }
0xa4: {  	s25 =	simm.s32 $0x1B8E;
	s24 =	sld [smem:$0x3FFE];
	[sflag:s23] =	ssyncadd.s32 $0xFFFFFFFF  }
0xa5: {  	s26 =	simm.s32 $execute0_lowered;
	[smem:$0x3FD2] =	sst s25  }
0xa6: {  	s4 =	sshll.u32 s26, $0x1;
	_ =	strace $0x80000046;
	[dreg:$0x1] =	wrdreg $0xFFFFFFFF  }
0xa7: {  	s28 =	simm.s32 $_size_execute0_lowered;
	s2 =	sadd.s32 s2, s4;
	[dreg:$0x0] =	wrdreg $0x0  }
0xa8: {  	s4 =	sshll.u32 s28, $0x1;
	[dreg:$0x2] =	wrdreg s2  }
0xa9: {  	[dreg:$0x3] =	wrdreg s4  }
0xaa: {  	[dreg:$0x4] =	wrdreg $0xC0  }
0xab: {  	_ =	task [dreg:s6], $0x5FFFF  }
0xac: {  	[dreg:$0x1] =	wrdreg $0xFFFFFFFF  }
0xad: {  	[dreg:$0x0] =	wrdreg $0x60  }
0xae: {  	[dreg:$0x2] =	wrdreg s24  }
0xaf: {  	[dreg:$0x3] =	wrdreg $0x65A00  }
0xb0: {  	[dreg:$0x4] =	wrdreg $0x1A7E00  }
0xb1: {  	[dreg:$0x5] =	wrdreg $0x9  }
0xb2: {  	_ =	task.clear_ibuf [dreg:s6], $0x6FFFF;
	_ =	strace $0x90000046  }
0xb3: {  	s29 =	simm.s32 $0x9;
	_ =	strace $0x80000048  }
0xb4: {  	_ =	swait.ge [sflag:s29], $0x1  }
0xb5: {  	[sflag:s29] =	ssyncadd.s32 $0xFFFFFFFF  }
0xb6: {  	_ =	strace $0x90000048  }
0xb7: {  	_ =	sfence  }
0xb8: {  	s30 =	sld [smem:$0x0];
	_ =	sdelay $0x2  }
0xb9: {  	s31 =	sshll.u32 s1, $0xD;
	s1 =	sshrl.u32 s1, $0x2  }
0xba: {  	s3 =	sand.u32 $0x4000, s31;
	s1 =	sadd.s32 s1, s30  }
0xbb: {  	s0 =	sor.u32 s3, s0;
	s1 =	sshll.u32 s1, $0x11  }
0xbc: {  	s0 =	sor.u32 s1, s0  }
0xbd: {  	s0 =	sadd.s32 $0x8F2B, s0  }
0xbe: {  	[sflag:s0] =	ssyncadd.remote.s32 $0x1  }
0xbf: {  	_ =	sfence.sel $0xFFFF  }
0xc0: {  	[dreg:$0x0] =	wrdreg $0xFFFFFFFF;
	(pc) =	sbr.abs _section_cstart, $3  }
0xc1: {  	[dreg:$0x1] =	wrdreg $0xFFFFFFFF  }
0xc2: {  	_ =	task.clear_ibuf [dreg:s6], $0x2FFFF;
	_ =	strace $0x9FFFFFFF  }
0xc3: {  	(tm) =	ssettm $0x7FFFFFFF  }
tec
execute0_lowered:
.L_overlay_start_1:
0x0: {  	(tag) =	ssettag $0x1  }
0x1: {  	s0 =	rddreg [dreg:$0x0]  }
0x2: {  	s1 =	rddreg [dreg:$0x1]  }
0x3: {  	s2 =	rddreg [dreg:$0x2]  }
0x4: {  	s3 =	simm.s32 $0x0;
	s18 =	stileid.u32;
	s9 =	srdreg.scid  }
0x5: {  	s28 =	simm.s32 $0x1;
	s29 =	simm.s32 $0x33A0;
	s30 =	simm.s32 $0x68  }
0x6: {  	s31 =	simm.s32 $0x3;
	[smem:$0x7FF] =	sst s3;
	s5 =	sadd.s32 $0xDE00, s0  }
0x7: {  	s6 =	sadd.s32 $0x35000, s0;
	s4 =	sadd.s32 $0x3A00, s0;
	s8 =	smul.u32 $0x13C00, s18  }
0x8: {  	s7 =	sadd.s32 $0x5C200, s0;
	s10 =	sadd.s32 $0x5EA00, s0;
	s13 =	smul.u32 $0x2780, s18  }
0x9: {  	s9 =	sand.u32 $0x1, s9;
	s19 =	sadd.s32 $0x5F000, s0;
	s15 =	smul.u32 $0x5140, s18  }
0xa: {  	s23 =	smul.u32 $0x9E00, s18;
	_ =	strace $0x80000047;
	[dreg:$0x4] =	wrdreg s10  }
0xb: {  	s21 =	sshll.u32 s18, $0x6;
	s18 =	smul.u32 $0xA28, s18;
	[dreg:$0x5] =	wrdreg s19  }
0xc: {  	s11 =	ssub.s32 $0x2, s9;
	s10 =	sor.u32 $0x1C05, s21;
	p0 =	sne.s32 s9, $0x0  }
0xd: {  	s19 =	simm.s32 $0x5;
	s21 =	simm.s32 $0x1A1A0;
	s20 =	sshrl.u32 s8, $0x3  }
0xe: {  	s12 =	sshrl.u32 s13, $0x3;
	s14 =	sshrl.u32 s11, $0x1;
	s22 =	sshrl.u32 s15, $0x3  }
0xf: {  	s8 =	sadd.s32 s8, s1;
	s26 =	sadd.s32 s13, s2;
	s16 =	sadd.s32 s20, s0  }
0x10: {  	s0 =	sadd.s32 s12, s0;
	s17 =	ssub.s32 s11, s14;
	s11 =	sadd.s32 s4, s22  }
0x11: {  	s14 =	sshrl.u32 s23, $0x2;
	s22 =	simm.s32 $0x64;
	s23 =	simm.s32 $0x1A0  }
0x12: {  	s12 =	sadd.s32 $0x1A, s11;
	s24 =	sadd.s32 $0x8BA00, s16;
	s20 =	sadd.s32 s14, s2  }
.Ltmp0:
0x13: {  	s25 =	sadd.s32 $0x64200, s16;
	s15 =	sadd.s32 $0x5F200, s0;
	(pc) =	sbr.rel .LBB2_1-.Ltmp0, $4  }
0x14: {  	s16 =	smax.u32 s17, $0x1;
	s17 =	sadd.s32 s18, s4;
	s18 =	sshrl.u32 s8, $0x3  }
0x15: {  	s0 =	simm.s32 $0x2;
	s4 =	simm.s32 $0x138;
	[dreg:$0x6] =	wrdreg s24  }
0x16: {  	s8 =	simm.s32 $0x0;
	[dreg:$0x7] =	wrdreg s25;
	s20 =	sshrl.u32 s20, $0x3  }
0x17: {  	s24 =	simm.s32 $0xD0;
	s25 =	sshrl.u32 s26, $0x3;
	s26 =	simm.s32 $0x4  }
.LBB2_7:
0x18: {  	[tilespmem:s24], [sflag:$0x4] =	stream.linear.gather [hbm4b:s13+s3], $0xD0, $0x38;
	[tilespmem:$0x1CF60] =	vst v63  }
0x19: {  	_ =	swait.ge [sflag:s26], $0xD0  }
0x1a: {  	[sflag:s26] =	ssyncset.done $0x0  }
0x1b: {  	[sflag:s26] =	ssyncadd.s32 $0xFFFFFF30  }
0x1c: {  	_ =	swait.ge [sflag:s28], $0x3200  }
0x1d: {  	[sflag:s28] =	ssyncset.done $0x0  }
0x1e: {  	[sflag:s28] =	ssyncadd.s32 $0xFFFFCE00  }
0x1f: {  	[tilespmem:s29], [sflag:$0x2] =	stream.indirect.gather [hbm4b:s6+s22], $0x80, s24, s22, $0xb8;
	[tilespmem:$0x1CF60] =	vst v63  }
0x20: {  	_ = 	snop  }
0x21: {  	[spmem:s1] =	stream.indirect.scatter.add.f32 [tilespmem:s23], [sflag:$0x5], $0x80, s30, s22, $0xb8;
	[tilespmem:$0x1CF60] =	vst v63  }
0x22: {  	_ =	swait.ge [sflag:s19], $0x3200  }
0x23: {  	[sflag:s19] =	ssyncset.done $0x0  }
0x24: {  	[sflag:s19] =	ssyncadd.s32 $0xFFFFCE00  }
0x25: {  	_ =	swait.ge [sflag:s0], $0x3200  }
0x26: {  	[sflag:s0] =	ssyncset.done $0x0  }
0x27: {  	[sflag:s0] =	ssyncadd.s32 $0xFFFFCE00  }
0x28: {  	[spmem:s1] =	stream.indirect.scatter.add.f32 [tilespmem:s29], [sflag:$0x5], $0x80, s4, s22, $0xb8;
	[tilespmem:$0x1CF60] =	vst v63  }
0x29: {  	_ =	swait.ge [sflag:s19], $0x3200  }
0x2a: {  	[sflag:s19] =	ssyncset.done $0x0  }
0x2b: {  	[sflag:s19] =	ssyncadd.s32 $0xFFFFCE00  }
0x2c: {  	[bflag:$0x0] =	sbarrier.arrive $0xFFFF  }
0x2d: {  	s9 =	rddreg [dreg:$0x6]  }
0x2e: {  	[hbm:s9], [sflag:s10] =	dma.local [spmem:s18], $0x2780  }
0x2f: {  	_ =	swait.ge [sflag:s19], $0x2780  }
0x30: {  	[sflag:s19] =	ssyncset.done $0x0  }
0x31: {  	[sflag:s19] =	ssyncadd.s32 $0xFFFFD880  }
.LBB2_8:
0x32: {  	s8 =	sadd.s32 $0x1, s8  }
0x33: {  	p1 =	sne.s32 s8, s16  }
.Ltmp1:
0x34: {  	_ = 	snop;
	(pc) =	sbr.rel @!p1 .LBB2_9-.Ltmp1, $1  }
0x35: {  	_ =	sdelay $0x3  }
.LBB2_1:
.Ltmp2:
0x36: {  	(pc) =	sbr.rel @p0 .LBB2_5-.Ltmp2, $4  }
0x37: {  	[spmem:s18], [sflag:s10] =	dma.local [hbm:s7], $0x2780  }
0x38: {  	_ =	swait.ge [sflag:s19], $0x2780  }
0x39: {  	[sflag:s19] =	ssyncset.done $0x0  }
0x3a: {  	[sflag:s19] =	ssyncadd.s32 $0xFFFFD880  }
0x3b: {  	s9 =	rddreg [dreg:$0x4]  }
0x3c: {  	[spmem:s20], [sflag:s10] =	dma.local [hbm:s9], $0x4F0  }
0x3d: {  	_ =	swait.ge [sflag:s19], $0x4F0  }
0x3e: {  	[sflag:s19] =	ssyncset.done $0x0  }
0x3f: {  	s13 =	rddreg [dreg:$0x5];
	[sflag:s19] =	ssyncadd.s32 $0xFFFFFB10  }
0x40: {  	[tilespmem:s21], [sflag:$0x5] =	stream.linear.gather [hbm4b:s13+s3], $0x640, $0x38;
	[tilespmem:$0x1CF60] =	vst v63  }
0x41: {  	_ =	swait.ge [sflag:s19], $0x640  }
0x42: {  	[sflag:s19] =	ssyncset.done $0x0  }
0x43: {  	[sflag:s19] =	ssyncadd.s32 $0xFFFFF9C0  }
0x44: {  	[bflag:$0x0] =	sbarrier.arrive $0xFFFF  }
0x45: {  	[tilespmem:s3], [sflag:$0x5] =	stream.linear.gather [hbm4b:s11+s3], $0xD0, $0x38;
	[tilespmem:$0x1CF60] =	vst v63  }
0x46: {  	_ =	swait.ge [sflag:s19], $0xD0  }
0x47: {  	[sflag:s19] =	ssyncset.done $0x0  }
0x48: {  	[sflag:s19] =	ssyncadd.s32 $0xFFFFFF30  }
0x49: {  	[tilespmem:s23], [sflag:$0x1] =	stream.indirect.gather [hbm4b:s5+s22], $0x80, s3, s22, $0xb8;
	[tilespmem:$0x1CF60] =	vst v63  }
0x4a: {  	_ = 	snop  }
0x4b: {  	[tilespmem:s24], [sflag:$0x4] =	stream.linear.gather [hbm4b:s12+s3], $0xD0, $0x38;
	[tilespmem:$0x1CF60] =	vst v63  }
0x4c: {  	_ =	swait.ge [sflag:s26], $0xD0  }
0x4d: {  	[sflag:s26] =	ssyncset.done $0x0  }
0x4e: {  	[sflag:s26] =	ssyncadd.s32 $0xFFFFFF30  }
0x4f: {  	_ =	swait.ge [sflag:s28], $0x3200  }
0x50: {  	[sflag:s28] =	ssyncset.done $0x0  }
0x51: {  	[sflag:s28] =	ssyncadd.s32 $0xFFFFCE00  }
0x52: {  	[tilespmem:s29], [sflag:$0x2] =	stream.indirect.gather [hbm4b:s5+s22], $0x80, s24, s22, $0xb8;
	[tilespmem:$0x1CF60] =	vst v63  }
0x53: {  	_ = 	snop  }
0x54: {  	[spmem:s1] =	stream.indirect.scatter.add.f32 [tilespmem:s23], [sflag:$0x5], $0x80, s30, s22, $0xb8;
	[tilespmem:$0x1CF60] =	vst v63  }
0x55: {  	_ =	swait.ge [sflag:s19], $0x3200  }
0x56: {  	[sflag:s19] =	ssyncset.done $0x0  }
0x57: {  	[sflag:s19] =	ssyncadd.s32 $0xFFFFCE00  }
0x58: {  	[spmem:s2] =	stream.indirect.scatter.add.f32 [tilespmem:s21], [sflag:$0x5], $0x10, s30, s22, $0xb8;
	[tilespmem:$0x1CF60] =	vst v63  }
0x59: {  	_ =	swait.ge [sflag:s19], $0x640  }
0x5a: {  	s13 =	sadd.s32 $0xFFFFF60C, s17;
	[sflag:s19] =	ssyncset.done $0x0  }
0x5b: {  	s14 =	sadd.s32 $0xA28, s13;
	[sflag:s19] =	ssyncadd.s32 $0xFFFFF9C0  }
0x5c: {  	[tilespmem:s3], [sflag:$0x3] =	stream.linear.gather [hbm4b:s14+s3], $0xD0, $0x38;
	[tilespmem:$0x1CF60] =	vst v63  }
0x5d: {  	_ =	swait.ge [sflag:s31], $0xD0  }
0x5e: {  	[sflag:s31] =	ssyncset.done $0x0  }
0x5f: {  	[sflag:s31] =	ssyncadd.s32 $0xFFFFFF30  }
0x60: {  	[tilespmem:s23], [sflag:$0x1] =	stream.indirect.gather [hbm4b:s5+s22], $0x80, s3, s22, $0xb8;
	[tilespmem:$0x1CF60] =	vst v63  }
0x61: {  	_ =	swait.ge [sflag:s0], $0x3200  }
0x62: {  	[sflag:s0] =	ssyncset.done $0x0  }
0x63: {  	[sflag:s0] =	ssyncadd.s32 $0xFFFFCE00  }
0x64: {  	[spmem:s1] =	stream.indirect.scatter.add.f32 [tilespmem:s29], [sflag:$0x5], $0x80, s4, s22, $0xb8;
	[tilespmem:$0x1CF60] =	vst v63  }
0x65: {  	_ =	swait.ge [sflag:s19], $0x3200  }
0x66: {  	[sflag:s19] =	ssyncset.done $0x0  }
0x67: {  	[sflag:s19] =	ssyncadd.s32 $0xFFFFCE00  }
0x68: {  	[spmem:s2] =	stream.indirect.scatter.add.f32 [tilespmem:s21], [sflag:$0x5], $0x10, s4, s22, $0xb8;
	[tilespmem:$0x1CF60] =	vst v63  }
0x69: {  	_ =	swait.ge [sflag:s19], $0x640  }
0x6a: {  	[sflag:s19] =	ssyncset.done $0x0  }
0x6b: {  	s9 =	simm.s32 $0xFFFFF640;
	s13 =	sadd.s32 $0xA42, s13;
	[sflag:s19] =	ssyncadd.s32 $0xFFFFF9C0  }
.LBB2_3:
0x6c: {  	[tilespmem:s24], [sflag:$0x4] =	stream.linear.gather [hbm4b:s13+s3], $0xD0, $0x38;
	[tilespmem:$0x1CF60] =	vst v63  }
0x6d: {  	s13 =	smov.u32 s9  }
0x6e: {  	p1 =	seq.s32 s9, $0xFFFFFFCC;
	s9 =	sadd.s32 $0x34, s9;
	_ =	swait.ge [sflag:s26], $0xD0  }
0x6f: {  	[sflag:s26] =	ssyncset.done $0x0  }
0x70: {  	[sflag:s26] =	ssyncadd.s32 $0xFFFFFF30  }
0x71: {  	_ =	swait.ge [sflag:s28], $0x3200  }
0x72: {  	[sflag:s28] =	ssyncset.done $0x0  }
0x73: {  	[sflag:s28] =	ssyncadd.s32 $0xFFFFCE00  }
0x74: {  	[tilespmem:s29], [sflag:$0x2] =	stream.indirect.gather [hbm4b:s5+s22], $0x80, s24, s22, $0xb8;
	[tilespmem:$0x1CF60] =	vst v63  }
0x75: {  	_ = 	snop  }
0x76: {  	[spmem:s1] =	stream.indirect.scatter.add.f32 [tilespmem:s23], [sflag:$0x5], $0x80, s30, s22, $0xb8;
	[tilespmem:$0x1CF60] =	vst v63  }
0x77: {  	_ =	swait.ge [sflag:s19], $0x3200  }
0x78: {  	[sflag:s19] =	ssyncset.done $0x0  }
0x79: {  	[sflag:s19] =	ssyncadd.s32 $0xFFFFCE00  }
0x7a: {  	[spmem:s2] =	stream.indirect.scatter.add.f32 [tilespmem:s21], [sflag:$0x5], $0x10, s30, s22, $0xb8;
	[tilespmem:$0x1CF60] =	vst v63  }
0x7b: {  	_ =	swait.ge [sflag:s19], $0x640  }
0x7c: {  	s13 =	sadd.s32 s13, s17;
	[sflag:s19] =	ssyncset.done $0x0  }
0x7d: {  	s14 =	sadd.s32 $0xA28, s13;
	[sflag:s19] =	ssyncadd.s32 $0xFFFFF9C0  }
0x7e: {  	[tilespmem:s3], [sflag:$0x3] =	stream.linear.gather [hbm4b:s14+s3], $0xD0, $0x38;
	[tilespmem:$0x1CF60] =	vst v63  }
0x7f: {  	_ =	swait.ge [sflag:s31], $0xD0  }
0x80: {  	[sflag:s31] =	ssyncset.done $0x0  }
0x81: {  	[sflag:s31] =	ssyncadd.s32 $0xFFFFFF30  }
0x82: {  	[tilespmem:s23], [sflag:$0x1] =	stream.indirect.gather [hbm4b:s5+s22], $0x80, s3, s22, $0xb8;
	[tilespmem:$0x1CF60] =	vst v63  }
0x83: {  	_ =	swait.ge [sflag:s0], $0x3200  }
0x84: {  	[sflag:s0] =	ssyncset.done $0x0  }
0x85: {  	[sflag:s0] =	ssyncadd.s32 $0xFFFFCE00  }
0x86: {  	[spmem:s1] =	stream.indirect.scatter.add.f32 [tilespmem:s29], [sflag:$0x5], $0x80, s4, s22, $0xb8;
	[tilespmem:$0x1CF60] =	vst v63  }
0x87: {  	_ =	swait.ge [sflag:s19], $0x3200  }
0x88: {  	[sflag:s19] =	ssyncset.done $0x0  }
.Ltmp3:
0x89: {  	[sflag:s19] =	ssyncadd.s32 $0xFFFFCE00;
	(pc) =	sbr.rel @!p1 .LBB2_3-.Ltmp3, $4  }
0x8a: {  	[spmem:s2] =	stream.indirect.scatter.add.f32 [tilespmem:s21], [sflag:$0x5], $0x10, s4, s22, $0xb8;
	[tilespmem:$0x1CF60] =	vst v63  }
0x8b: {  	_ =	swait.ge [sflag:s19], $0x640  }
0x8c: {  	[sflag:s19] =	ssyncset.done $0x0  }
0x8d: {  	s13 =	sadd.s32 $0xA42, s13;
	[sflag:s19] =	ssyncadd.s32 $0xFFFFF9C0  }
0x8e: {  	[tilespmem:s24], [sflag:$0x4] =	stream.linear.gather [hbm4b:s13+s3], $0xD0, $0x38;
	[tilespmem:$0x1CF60] =	vst v63  }
0x8f: {  	_ =	swait.ge [sflag:s26], $0xD0  }
0x90: {  	[sflag:s26] =	ssyncset.done $0x0  }
0x91: {  	[sflag:s26] =	ssyncadd.s32 $0xFFFFFF30  }
0x92: {  	_ =	swait.ge [sflag:s28], $0x3200  }
0x93: {  	[sflag:s28] =	ssyncset.done $0x0  }
0x94: {  	[sflag:s28] =	ssyncadd.s32 $0xFFFFCE00  }
0x95: {  	[tilespmem:s29], [sflag:$0x2] =	stream.indirect.gather [hbm4b:s5+s22], $0x80, s24, s22, $0xb8;
	[tilespmem:$0x1CF60] =	vst v63  }
0x96: {  	_ = 	snop  }
0x97: {  	[spmem:s1] =	stream.indirect.scatter.add.f32 [tilespmem:s23], [sflag:$0x5], $0x80, s30, s22, $0xb8;
	[tilespmem:$0x1CF60] =	vst v63  }
0x98: {  	_ =	swait.ge [sflag:s19], $0x3200  }
0x99: {  	[sflag:s19] =	ssyncset.done $0x0  }
0x9a: {  	[sflag:s19] =	ssyncadd.s32 $0xFFFFCE00  }
0x9b: {  	[spmem:s2] =	stream.indirect.scatter.add.f32 [tilespmem:s21], [sflag:$0x5], $0x10, s30, s22, $0xb8;
	[tilespmem:$0x1CF60] =	vst v63  }
0x9c: {  	_ =	swait.ge [sflag:s19], $0x640  }
0x9d: {  	[sflag:s19] =	ssyncset.done $0x0  }
0x9e: {  	[sflag:s19] =	ssyncadd.s32 $0xFFFFF9C0  }
0x9f: {  	_ =	swait.ge [sflag:s0], $0x3200  }
0xa0: {  	[sflag:s0] =	ssyncset.done $0x0  }
0xa1: {  	[sflag:s0] =	ssyncadd.s32 $0xFFFFCE00  }
0xa2: {  	[spmem:s1] =	stream.indirect.scatter.add.f32 [tilespmem:s29], [sflag:$0x5], $0x80, s4, s22, $0xb8;
	[tilespmem:$0x1CF60] =	vst v63  }
0xa3: {  	_ =	swait.ge [sflag:s19], $0x3200  }
0xa4: {  	[sflag:s19] =	ssyncset.done $0x0  }
0xa5: {  	[sflag:s19] =	ssyncadd.s32 $0xFFFFCE00  }
0xa6: {  	[spmem:s2] =	stream.indirect.scatter.add.f32 [tilespmem:s21], [sflag:$0x5], $0x10, s4, s22, $0xb8;
	[tilespmem:$0x1CF60] =	vst v63  }
0xa7: {  	_ =	swait.ge [sflag:s19], $0x640  }
0xa8: {  	[sflag:s19] =	ssyncset.done $0x0  }
0xa9: {  	[sflag:s19] =	ssyncadd.s32 $0xFFFFF9C0  }
0xaa: {  	[bflag:$0x0] =	sbarrier.arrive $0xFFFF  }
0xab: {  	s9 =	rddreg [dreg:$0x7]  }
0xac: {  	[hbm:s9], [sflag:s10] =	dma.local [spmem:s18], $0x2780  }
0xad: {  	_ =	swait.ge [sflag:s19], $0x2780  }
0xae: {  	[sflag:s19] =	ssyncset.done $0x0  }
.Ltmp4:
0xaf: {  	[sflag:s19] =	ssyncadd.s32 $0xFFFFD880;
	(pc) =	sbr.rel .LBB2_8-.Ltmp4, $4  }
0xb0: {  	[hbm:s15], [sflag:s10] =	dma.local [spmem:s25], $0x4F0  }
0xb1: {  	_ =	swait.ge [sflag:s19], $0x4F0  }
0xb2: {  	[sflag:s19] =	ssyncset.done $0x0  }
0xb3: {  	[sflag:s19] =	ssyncadd.s32 $0xFFFFFB10  }
.LBB2_5:
0xb4: {  	[bflag:$0x0] =	sbarrier.arrive $0xFFFF  }
0xb5: {  	[tilespmem:s3], [sflag:$0x5] =	stream.linear.gather [hbm4b:s11+s3], $0xD0, $0x38;
	[tilespmem:$0x1CF60] =	vst v63  }
0xb6: {  	_ =	swait.ge [sflag:s19], $0xD0  }
0xb7: {  	[sflag:s19] =	ssyncset.done $0x0  }
0xb8: {  	[sflag:s19] =	ssyncadd.s32 $0xFFFFFF30  }
0xb9: {  	[tilespmem:s23], [sflag:$0x1] =	stream.indirect.gather [hbm4b:s6+s22], $0x80, s3, s22, $0xb8;
	[tilespmem:$0x1CF60] =	vst v63  }
0xba: {  	_ = 	snop  }
0xbb: {  	[tilespmem:s24], [sflag:$0x4] =	stream.linear.gather [hbm4b:s12+s3], $0xD0, $0x38;
	[tilespmem:$0x1CF60] =	vst v63  }
0xbc: {  	_ =	swait.ge [sflag:s26], $0xD0  }
0xbd: {  	[sflag:s26] =	ssyncset.done $0x0  }
0xbe: {  	[sflag:s26] =	ssyncadd.s32 $0xFFFFFF30  }
0xbf: {  	_ =	swait.ge [sflag:s28], $0x3200  }
0xc0: {  	[sflag:s28] =	ssyncset.done $0x0  }
0xc1: {  	[sflag:s28] =	ssyncadd.s32 $0xFFFFCE00  }
0xc2: {  	[tilespmem:s29], [sflag:$0x2] =	stream.indirect.gather [hbm4b:s6+s22], $0x80, s24, s22, $0xb8;
	[tilespmem:$0x1CF60] =	vst v63  }
0xc3: {  	_ = 	snop  }
0xc4: {  	[spmem:s1] =	stream.indirect.scatter.add.f32 [tilespmem:s23], [sflag:$0x5], $0x80, s30, s22, $0xb8;
	[tilespmem:$0x1CF60] =	vst v63  }
0xc5: {  	_ =	swait.ge [sflag:s19], $0x3200  }
0xc6: {  	s13 =	sadd.s32 $0xFFFFF60C, s17;
	[sflag:s19] =	ssyncset.done $0x0  }
0xc7: {  	s9 =	sadd.s32 $0xA28, s13;
	[sflag:s19] =	ssyncadd.s32 $0xFFFFCE00  }
0xc8: {  	[tilespmem:s3], [sflag:$0x3] =	stream.linear.gather [hbm4b:s9+s3], $0xD0, $0x38;
	[tilespmem:$0x1CF60] =	vst v63  }
0xc9: {  	_ =	swait.ge [sflag:s31], $0xD0  }
0xca: {  	[sflag:s31] =	ssyncset.done $0x0  }
0xcb: {  	[sflag:s31] =	ssyncadd.s32 $0xFFFFFF30  }
0xcc: {  	[tilespmem:s23], [sflag:$0x1] =	stream.indirect.gather [hbm4b:s6+s22], $0x80, s3, s22, $0xb8;
	[tilespmem:$0x1CF60] =	vst v63  }
0xcd: {  	_ =	swait.ge [sflag:s0], $0x3200  }
0xce: {  	[sflag:s0] =	ssyncset.done $0x0  }
0xcf: {  	[sflag:s0] =	ssyncadd.s32 $0xFFFFCE00  }
0xd0: {  	[spmem:s1] =	stream.indirect.scatter.add.f32 [tilespmem:s29], [sflag:$0x5], $0x80, s4, s22, $0xb8;
	[tilespmem:$0x1CF60] =	vst v63  }
0xd1: {  	_ =	swait.ge [sflag:s19], $0x3200  }
0xd2: {  	[sflag:s19] =	ssyncset.done $0x0  }
0xd3: {  	s13 =	sadd.s32 $0xA42, s13;
	s9 =	simm.s32 $0xFFFFF640;
	[sflag:s19] =	ssyncadd.s32 $0xFFFFCE00  }
.LBB2_6:
0xd4: {  	[tilespmem:s24], [sflag:$0x4] =	stream.linear.gather [hbm4b:s13+s3], $0xD0, $0x38;
	[tilespmem:$0x1CF60] =	vst v63  }
0xd5: {  	s13 =	smov.u32 s9  }
0xd6: {  	p1 =	sne.s32 s9, $0xFFFFFFCC;
	s9 =	sadd.s32 $0x34, s9;
	_ =	swait.ge [sflag:s26], $0xD0  }
0xd7: {  	[sflag:s26] =	ssyncset.done $0x0  }
0xd8: {  	[sflag:s26] =	ssyncadd.s32 $0xFFFFFF30  }
0xd9: {  	_ =	swait.ge [sflag:s28], $0x3200  }
0xda: {  	[sflag:s28] =	ssyncset.done $0x0  }
0xdb: {  	[sflag:s28] =	ssyncadd.s32 $0xFFFFCE00  }
0xdc: {  	[tilespmem:s29], [sflag:$0x2] =	stream.indirect.gather [hbm4b:s6+s22], $0x80, s24, s22, $0xb8;
	[tilespmem:$0x1CF60] =	vst v63  }
0xdd: {  	_ = 	snop  }
0xde: {  	[spmem:s1] =	stream.indirect.scatter.add.f32 [tilespmem:s23], [sflag:$0x5], $0x80, s30, s22, $0xb8;
	[tilespmem:$0x1CF60] =	vst v63  }
0xdf: {  	_ =	swait.ge [sflag:s19], $0x3200  }
0xe0: {  	s13 =	sadd.s32 s13, s17;
	[sflag:s19] =	ssyncset.done $0x0  }
0xe1: {  	s14 =	sadd.s32 $0xA28, s13;
	[sflag:s19] =	ssyncadd.s32 $0xFFFFCE00  }
0xe2: {  	[tilespmem:s3], [sflag:$0x3] =	stream.linear.gather [hbm4b:s14+s3], $0xD0, $0x38;
	[tilespmem:$0x1CF60] =	vst v63  }
0xe3: {  	_ =	swait.ge [sflag:s31], $0xD0  }
0xe4: {  	[sflag:s31] =	ssyncset.done $0x0  }
0xe5: {  	[sflag:s31] =	ssyncadd.s32 $0xFFFFFF30  }
0xe6: {  	[tilespmem:s23], [sflag:$0x1] =	stream.indirect.gather [hbm4b:s6+s22], $0x80, s3, s22, $0xb8;
	[tilespmem:$0x1CF60] =	vst v63  }
0xe7: {  	_ =	swait.ge [sflag:s0], $0x3200  }
0xe8: {  	[sflag:s0] =	ssyncset.done $0x0  }
.Ltmp5:
0xe9: {  	[sflag:s0] =	ssyncadd.s32 $0xFFFFCE00;
	(pc) =	sbr.rel @p1 .LBB2_6-.Ltmp5, $4  }
0xea: {  	[spmem:s1] =	stream.indirect.scatter.add.f32 [tilespmem:s29], [sflag:$0x5], $0x80, s4, s22, $0xb8;
	[tilespmem:$0x1CF60] =	vst v63  }
0xeb: {  	_ =	swait.ge [sflag:s19], $0x3200  }
0xec: {  	[sflag:s19] =	ssyncset.done $0x0  }
0xed: {  	s13 =	sadd.s32 $0xA42, s13;
	[sflag:s19] =	ssyncadd.s32 $0xFFFFCE00  }
.Ltmp6:
0xee: {  	_ = 	snop;
	(pc) =	sbr.rel .LBB2_7-.Ltmp6, $1  }
0xef: {  	_ =	sdelay $0x3  }
.LBB2_9:
0xf0: {  	_ =	sfence.sel $0x180000  }
0xf1: {  	[bflag:$0x0] =	sbarrier.arrive $0xFFFF  }
0xf2: {  	_ =	strace $0x90000047  }
0xf3: {  	s0 =	stileid.u32;
	[bflag:$0x2] =	sbarrier.arrive $0xFFFF  }
0xf4: {  	p0 =	sne.s32 s0, $0x0;
	s0 =	rddreg [dreg:$0x3]  }
0xf5: {  	s0 =	sadd.s32 @!p0 $0x100000, s0  }
0xf6: {  	[sflag:s0] =	ssyncadd.tile.s32 @!p0 $0x1;
	_ =	shalt  }
.Lfunc_end2:
_tile_overlayer_lowered:
.L_overlay_start_2:
0xf7: {  	(tag) =	ssettag $0x2  }
0xf8: {  	s0 =	rddreg [dreg:$0x0];
	s2 =	stileid.u32  }
0xf9: {  	s1 =	rddreg [dreg:$0x1];
	p0 =	sne.s32 s2, $0x0  }
0xfa: {  	s3 =	rddreg [dreg:$0x2];
	[bflag:$0x3] =	sbarrier.arrive $0xFFFF;
	s2 =	simm.s32 @!p0 $0x1C05  }
0xfb: {  	[timem:s3], [sflag:s2] =	dma.local @!p0 [hbm:s0], s1  }
0xfc: {  	s0 =	simm.s32 @!p0 $0x5  }
0xfd: {  	_ =	swait.ge @!p0 [sflag:s0], s1  }
0xfe: {  	s1 =	ssub.s32 @!p0 $0x0, s1;
	[sflag:s0] =	ssyncset.done @!p0 $0x0  }
0xff: {  	[sflag:s0] =	ssyncadd.s32 @!p0 s1  }
0x100: {  	[bflag:$0x3] =	sbarrier.arrive $0xFFFF  }
0x101: {  	_ =	shalt  }

// kernel: kernel.9.cloned.1.call-start
scs
__scs_entry_jumppad:
0x0: {  	(pc) =	sbr.rel $0x88, $3  }
0x1: {  	(tag) =	ssettag $0x0;
	lr =	simm.s32 $0x1  }
0x2: {  	[smem:$0x3F92] =	sst lr;
	_ =	strace $0xD0000000  }
0x3: {  	_ = 	snop  }
0x4: {  	_ = 	snop  }
0x5: {  	_ = 	snop  }
0x6: {  	_ = 	snop  }
0x7: {  	_ = 	snop  }
__scs_overlays_trampoline_lowered:
0x8: {  	[smem:$0x3FA1] =	sst s0  }
0x9: {  	[smem:$0x3FA2] =	sst s1  }
0xa: {  	[smem:$0x3FA3] =	sst s2  }
0xb: {  	[smem:$0x3FA4] =	sst s3  }
0xc: {  	[smem:$0x3FA5] =	sst s4  }
0xd: {  	[smem:$0x3FA6] =	sst s5  }
0xe: {  	[smem:$0x3FA7] =	sst s6  }
0xf: {  	[smem:$0x3FA8] =	sst s7  }
0x10: {  	[smem:$0x3FA9] =	sst s8  }
0x11: {  	[smem:$0x3FAA] =	sst s9;
	s0 =	simm.s32 @!p0 $0x0  }
0x12: {  	s1 =	sld [smem:$0x3F90];
	s0 =	simm.s32 @p0 $0x1  }
0x13: {  	[smem:$0x3FAB] =	sst s0;
	s0 =	simm.s32 @!p1 $0x0  }
0x14: {  	s2 =	sld [smem:$0x3F8F];
	s0 =	simm.s32 @p1 $0x1  }
0x15: {  	[smem:$0x3FAC] =	sst s0;
	s0 =	simm.s32 @!p2 $0x0  }
0x16: {  	s3 =	sld [smem:$0x3FDB];
	s0 =	simm.s32 @p2 $0x1  }
0x17: {  	s4 =	simm.s32 $0x1BF5;
	[smem:$0x3FAE] =	sst s0  }
0x18: {  	s0 =	sld [smem:$0x3F91];
	_ =	swait.ge [sflag:s4], $0x0  }
0x19: {  	s7 =	sld [smem:$0x3F92]  }
0x1a: {  	s8 =	sadd.s32 $0xFFFFE003, lr  }
0x1b: {  	s9 =	sadd.s32 $0xFFFFFEF7, lr;
	s5 =	simm.s32 $0xFFFFFFFF;
	p2 =	slt.u32 s8, $0xFFFFF086  }
0x1c: {  	p1 =	slt.u32 s9, $0xF7A;
	s5 =	simm.s32 @!p2 $0x0  }
0x1d: {  	s5 =	simm.s32 @p1 $0x1;
	p0 =	seq.s32 s7, s2  }
0x1e: {  	s7 =	smul.u32 @!p0 $0xF7A, s2;
	p2 =	seq.s32 @!p0 s5, $0x0  }
0x1f: {  	s9 =	smul.u32 $0xF7A, s1;
	s8 =	simm.s32 @!p0 $0x1BF5;
	p2 =	por !p2, p0  }
0x20: {  	[sflag:s8] =	ssyncset.s32 @!p0 $0xFFFFF086;
	s6 =	sadd.s32 @!p0 s3, s7;
	s7 =	simm.s32 @!p0 $0x108  }
0x21: {  	s3 =	sadd.s32 s3, s9;
	s6 =	sadd.s32 @!p0 $0x88, s6;
	s7 =	simm.s32 @p2 $0x1082  }
0x22: {  	[simem:s7], [sflag:s8] =	dma.local @!p0 [hbm:s6], $0xF7A  }
0x23: {  	s9 =	sor.u32 $0xD0000000, s2;
	s6 =	simm.s32 $0x108;
	_ =	swait.ge @!p0 [sflag:s8], $0x0  }
0x24: {  	s3 =	sadd.s32 $0x88, s3;
	s6 =	simm.s32 @!p1 $0x1082;
	[sflag:s4] =	ssyncset.s32 $0xFFFFF086  }
0x25: {  	[simem:s6], [sflag:s4] =	dma.local [hbm:s3], $0xF7A  }
0x26: {  	[smem:$0x3F92] =	sst s1;
	(tag) =	ssettag s2;
	_ =	strace s9  }
0x27: {  	s1 =	sld [smem:$0x3FA2]  }
0x28: {  	s2 =	sld [smem:$0x3FA3]  }
0x29: {  	s4 =	sld [smem:$0x3FA5]  }
0x2a: {  	p0 =	seq.s32 s5, $0x0;
	s5 =	sld [smem:$0x3FA6]  }
0x2b: {  	s6 =	sld [smem:$0x3FA7]  }
0x2c: {  	s7 =	sld [smem:$0x3FA8]  }
0x2d: {  	s3 =	simm.s32 $0x108;
	s8 =	sld [smem:$0x3FA9]  }
0x2e: {  	s3 =	simm.s32 @!p0 $0x1082;
	s9 =	sld [smem:$0x3FAA]  }
0x2f: {  	lr =	sadd.s32 s0, s3;
	s0 =	sld [smem:$0x3FA1]  }
0x30: {  	s3 =	sld [smem:$0x3FA4]  }
0x31: {  	[smem:$0x3FAD] =	sst s10  }
0x32: {  	s10 =	sld [smem:$0x3FAB];
	_ =	sdelay $0x3  }
0x33: {  	p0 =	seq.s32 s10, $0x1;
	s10 =	sld [smem:$0x3FAD];
	_ =	sdelay $0x3  }
0x34: {  	[smem:$0x3FAD] =	sst s10  }
0x35: {  	s10 =	sld [smem:$0x3FAC];
	_ =	sdelay $0x3  }
0x36: {  	p1 =	seq.s32 s10, $0x1;
	s10 =	sld [smem:$0x3FAD];
	_ =	sdelay $0x3  }
0x37: {  	[smem:$0x3FAD] =	sst s10  }
0x38: {  	s10 =	sld [smem:$0x3FAE]  }
0x39: {  	_ = 	snop;
	(pc) =	sbr.ind lr, $3  }
0x3a: {  	_ = 	snop  }
0x3b: {  	_ = 	snop  }
0x3c: {  	p2 =	seq.s32 s10, $0x1;
	s10 =	sld [smem:$0x3FAD]  }
0x3d: {  	_ =	shalt  }
0x3e: {  	_ =	shalt  }
0x3f: {  	_ =	shalt  }
0x40: {  	_ =	shalt  }
0x41: {  	_ =	shalt  }
0x42: {  	_ =	shalt  }
0x43: {  	_ =	shalt  }
0x44: {  	_ =	shalt  }
0x45: {  	_ =	shalt  }
0x46: {  	_ =	shalt  }
0x47: {  	_ =	shalt  }
0x48: {  	_ =	shalt  }
0x49: {  	_ =	shalt  }
0x4a: {  	_ =	shalt  }
0x4b: {  	_ =	shalt  }
0x4c: {  	_ =	shalt  }
0x4d: {  	_ =	shalt  }
0x4e: {  	_ =	shalt  }
0x4f: {  	_ =	shalt  }
0x50: {  	_ =	shalt  }
0x51: {  	_ =	shalt  }
0x52: {  	_ =	shalt  }
0x53: {  	_ =	shalt  }
0x54: {  	_ =	shalt  }
0x55: {  	_ =	shalt  }
0x56: {  	_ =	shalt  }
0x57: {  	_ =	shalt  }
0x58: {  	_ =	shalt  }
0x59: {  	_ =	shalt  }
0x5a: {  	_ =	shalt  }
0x5b: {  	_ =	shalt  }
0x5c: {  	_ =	shalt  }
0x5d: {  	_ =	shalt  }
0x5e: {  	_ =	shalt  }
0x5f: {  	_ =	shalt  }
0x60: {  	_ =	shalt  }
0x61: {  	_ =	shalt  }
0x62: {  	_ =	shalt  }
0x63: {  	_ =	shalt  }
0x64: {  	_ =	shalt  }
0x65: {  	_ =	shalt  }
0x66: {  	_ =	shalt  }
0x67: {  	_ =	shalt  }
0x68: {  	_ =	shalt  }
0x69: {  	_ =	shalt  }
0x6a: {  	_ =	shalt  }
0x6b: {  	_ =	shalt  }
0x6c: {  	_ =	shalt  }
0x6d: {  	_ =	shalt  }
0x6e: {  	_ =	shalt  }
0x6f: {  	_ =	shalt  }
0x70: {  	_ =	shalt  }
0x71: {  	_ =	shalt  }
0x72: {  	_ =	shalt  }
0x73: {  	_ =	shalt  }
0x74: {  	_ =	shalt  }
0x75: {  	_ =	shalt  }
0x76: {  	_ =	shalt  }
0x77: {  	_ =	shalt  }
0x78: {  	_ =	shalt  }
0x79: {  	_ =	shalt  }
0x7a: {  	_ =	shalt  }
0x7b: {  	_ =	shalt  }
0x7c: {  	_ =	shalt  }
0x7d: {  	_ =	shalt  }
0x7e: {  	_ =	shalt  }
0x7f: {  	_ =	shalt  }
0x80: {  	_ =	shalt  }
0x81: {  	_ =	shalt  }
0x82: {  	_ =	shalt  }
0x83: {  	_ =	shalt  }
0x84: {  	_ =	shalt  }
0x85: {  	_ =	shalt  }
0x86: {  	_ =	shalt  }
0x87: {  	_ =	shalt  }
.Lfunc_end0:
.L_simem_size_0:
called_computation.1_lowered:
.L_overlay_start_0:
0x88: {  	s2 =	sld [smem:$0x3FD9]  }
0x89: {  	s3 =	sld [smem:$0x3FFE];
	_ =	sdelay $0x1  }
0x8a: {  	s1 =	srdreg.scid  }
0x8b: {  	s0 =	sand.u32 $0x1, s1  }
0x8c: {  	s16 =	sshll.u32 s0, $0xA;
	s2 =	sadd.s32 s3, s2  }
0x8d: {  	s2 =	sadd.s32 s2, s16  }
0x8e: {  	[smem:$0x3FB9] =	sst s2  }
0x8f: {  	_ = 	snop  }
0x90: {  	(tm) =	ssettm $0x1  }
0x91: {  	s17 =	sld [smem:$0x3FFB];
	_ =	sdelay $0x3  }
0x92: {  	_ =	strace s17  }
0x93: {  	s2 =	sld [smem:$0x3FFC];
	_ =	sdelay $0x3  }
0x94: {  	_ =	strace s2  }
0x95: {  	s2 =	sld [smem:$0x3FFD];
	_ =	sdelay $0x3  }
0x96: {  	_ =	strace s2  }
0x97: {  	_ =	strace $0x8FFFFFFF  }
0x98: {  	s18 =	sld [smem:$0x3FDB];
	_ =	sdelay $0x1  }
0x99: {  	s19 =	simm.s32 $_scs_section_size  }
0x9a: {  	s4 =	simm.s32 $_size__tile_overlayer_lowered;
	s5 =	simm.s32 $_tile_overlayer_lowered  }
0x9b: {  	s22 =	simm.s32 $0x1BFF;
	s21 =	sshll.u32 s5, $0x1;
	s2 =	sadd.s32 s19, s18  }
0x9c: {  	s6 =	simm.s32 $0x0;
	s20 =	sshll.u32 s4, $0x1;
	s4 =	sadd.s32 s21, s2  }
0x9d: {  	[timem:s6], [sflag:s22] =	dma.local [hbm:s4], s20  }
0x9e: {  	_ =	swait.ge [sflag:s22], s20  }
0x9f: {  	s3 =	ssub.s32 $0x0, s20;
	[sflag:s22] =	ssyncset.done $0x0  }
0xa0: {  	[sflag:s22] =	ssyncadd.s32 s3;
	_ =	sdelay $0x1  }
0xa1: {  	s23 =	simm.s32 $0x1B8B  }
0xa2: {  	_ =	swait.ge [sflag:s23], $0x1  }
0xa3: {  	[sflag:s23] =	ssyncset.done $0x0  }
0xa4: {  	s25 =	simm.s32 $0x1B8E;
	s24 =	sld [smem:$0x3FFE];
	[sflag:s23] =	ssyncadd.s32 $0xFFFFFFFF  }
0xa5: {  	s26 =	simm.s32 $execute0_lowered;
	[smem:$0x3FD2] =	sst s25  }
0xa6: {  	s4 =	sshll.u32 s26, $0x1;
	_ =	strace $0x80000049;
	[dreg:$0x1] =	wrdreg $0xFFFFFFFF  }
0xa7: {  	s28 =	simm.s32 $_size_execute0_lowered;
	s2 =	sadd.s32 s2, s4;
	[dreg:$0x0] =	wrdreg $0x0  }
0xa8: {  	s4 =	sshll.u32 s28, $0x1;
	[dreg:$0x2] =	wrdreg s2  }
0xa9: {  	[dreg:$0x3] =	wrdreg s4  }
0xaa: {  	[dreg:$0x4] =	wrdreg $0xC0  }
0xab: {  	_ =	task [dreg:s6], $0x5FFFF  }
0xac: {  	[dreg:$0x1] =	wrdreg $0xFFFFFFFF  }
0xad: {  	[dreg:$0x0] =	wrdreg $0x60  }
0xae: {  	[dreg:$0x2] =	wrdreg s24  }
0xaf: {  	[dreg:$0x3] =	wrdreg $0x65A00  }
0xb0: {  	[dreg:$0x4] =	wrdreg $0x9  }
0xb1: {  	_ =	task.clear_ibuf [dreg:s6], $0x5FFFF;
	_ =	strace $0x90000049  }
0xb2: {  	s29 =	simm.s32 $0x9;
	_ =	strace $0x8000004B  }
0xb3: {  	_ =	swait.ge [sflag:s29], $0x1  }
0xb4: {  	[sflag:s29] =	ssyncadd.s32 $0xFFFFFFFF  }
0xb5: {  	_ =	strace $0x9000004B  }
0xb6: {  	_ =	sfence  }
0xb7: {  	s30 =	sld [smem:$0x0];
	_ =	sdelay $0x2  }
0xb8: {  	s31 =	sshll.u32 s1, $0xD;
	s1 =	sshrl.u32 s1, $0x2  }
0xb9: {  	s3 =	sand.u32 $0x4000, s31;
	s1 =	sadd.s32 s1, s30  }
0xba: {  	s0 =	sor.u32 s3, s0;
	s1 =	sshll.u32 s1, $0x11  }
0xbb: {  	s0 =	sor.u32 s1, s0  }
0xbc: {  	s0 =	sadd.s32 $0x8F2B, s0  }
0xbd: {  	[sflag:s0] =	ssyncadd.remote.s32 $0x1  }
0xbe: {  	_ =	sfence.sel $0xFFFF  }
0xbf: {  	[dreg:$0x0] =	wrdreg $0xFFFFFFFF;
	(pc) =	sbr.abs _section_cstart, $3  }
0xc0: {  	[dreg:$0x1] =	wrdreg $0xFFFFFFFF  }
0xc1: {  	_ =	task.clear_ibuf [dreg:s6], $0x2FFFF;
	_ =	strace $0x9FFFFFFF  }
0xc2: {  	(tm) =	ssettm $0x7FFFFFFF  }
0xc3: {  	_ =	shalt  }
tec
execute0_lowered:
.L_overlay_start_1:
0x0: {  	(tag) =	ssettag $0x1  }
0x1: {  	s8 =	rddreg [dreg:$0x0]  }
0x2: {  	s1 =	rddreg [dreg:$0x1]  }
0x3: {  	s0 =	rddreg [dreg:$0x2]  }
0x4: {  	s2 =	simm.s32 $0x0;
	s6 =	srdreg.scid;
	s3 =	stileid.u32  }
0x5: {  	s18 =	simm.s32 $0x1A0;
	s19 =	simm.s32 $0xD0;
	s20 =	simm.s32 $0x4  }
0x6: {  	s21 =	simm.s32 $0x1;
	s22 =	simm.s32 $0x33A0;
	s23 =	simm.s32 $0x68  }
0x7: {  	s24 =	simm.s32 $0x3;
	s25 =	simm.s32 $0x2;
	s26 =	simm.s32 $0x138  }
0x8: {  	s28 =	simm.s32 $0x0;
	[smem:$0x7FF] =	sst s2;
	s4 =	sadd.s32 $0xDE00, s8  }
0x9: {  	s5 =	sadd.s32 $0x35000, s8;
	s15 =	sand.u32 $0x1, s6;
	s12 =	smul.u32 $0x13C00, s3  }
0xa: {  	s14 =	sadd.s32 $0x3A00, s8;
	s6 =	sadd.s32 $0x5C200, s8;
	s11 =	smul.u32 $0x5140, s3  }
0xb: {  	s7 =	sadd.s32 $0x5F200, s8;
	s8 =	sadd.s32 $0x86A00, s8;
	s30 =	sshll.u32 s3, $0x6  }
0xc: {  	s17 =	smul.u32 $0xA28, s3;
	_ =	strace $0x8000004A;
	s9 =	ssub.s32 $0x2, s15  }
.Ltmp0:
0xd: {  	p0 =	sne.s32 s15, $0x0;
	s10 =	sshrl.u32 s9, $0x1;
	(pc) =	sbr.rel .LBB2_1-.Ltmp0, $4  }
0xe: {  	s16 =	sadd.s32 s12, s1;
	s31 =	sshrl.u32 s11, $0x3;
	s12 =	sshrl.u32 s12, $0x3  }
0xf: {  	s13 =	ssub.s32 s9, s10;
	s9 =	sor.u32 $0x1C05, s30;
	s10 =	sadd.s32 s14, s31  }
0x10: {  	s14 =	sadd.s32 s17, s14;
	s15 =	sshrl.u32 s16, $0x3;
	s16 =	simm.s32 $0x5  }
0x11: {  	s17 =	simm.s32 $0x64;
	s11 =	sadd.s32 $0x1A, s10;
	s13 =	smax.u32 s13, $0x1  }
.LBB2_7:
0x12: {  	[tilespmem:s19], [sflag:$0x4] =	stream.linear.gather [hbm4b:s30+s2], $0xD0, $0x38;
	[tilespmem:$0x1A1A0] =	vst v63  }
0x13: {  	s30 =	smov.u32 s5;
	s29 =	smov.u32 s8  }
.LBB2_8:
0x14: {  	_ =	swait.ge [sflag:s20], $0xD0  }
0x15: {  	[sflag:s20] =	ssyncset.done $0x0  }
0x16: {  	[sflag:s20] =	ssyncadd.s32 $0xFFFFFF30  }
0x17: {  	_ =	swait.ge [sflag:s21], $0x3200  }
0x18: {  	[sflag:s21] =	ssyncset.done $0x0  }
0x19: {  	[sflag:s21] =	ssyncadd.s32 $0xFFFFCE00  }
0x1a: {  	[tilespmem:s22], [sflag:$0x2] =	stream.indirect.gather [hbm4b:s30+s17], $0x80, s19, s17, $0xb8;
	[tilespmem:$0x1A1A0] =	vst v63  }
0x1b: {  	_ = 	snop  }
0x1c: {  	[spmem:s1] =	stream.indirect.scatter.add.f32 [tilespmem:s18], [sflag:$0x5], $0x80, s23, s17, $0xb8;
	[tilespmem:$0x1A1A0] =	vst v63  }
0x1d: {  	_ =	swait.ge [sflag:s16], $0x3200  }
0x1e: {  	[sflag:s16] =	ssyncset.done $0x0  }
0x1f: {  	[sflag:s16] =	ssyncadd.s32 $0xFFFFCE00  }
0x20: {  	_ =	swait.ge [sflag:s25], $0x3200  }
0x21: {  	[sflag:s25] =	ssyncset.done $0x0  }
0x22: {  	[sflag:s25] =	ssyncadd.s32 $0xFFFFCE00  }
0x23: {  	[spmem:s1] =	stream.indirect.scatter.add.f32 [tilespmem:s22], [sflag:$0x5], $0x80, s26, s17, $0xb8;
	[tilespmem:$0x1A1A0] =	vst v63  }
0x24: {  	_ =	swait.ge [sflag:s16], $0x3200  }
0x25: {  	s28 =	sadd.s32 $0x1, s28;
	[sflag:s16] =	ssyncset.done $0x0  }
0x26: {  	p1 =	sne.s32 s28, s13;
	[sflag:s16] =	ssyncadd.s32 $0xFFFFCE00  }
.Ltmp1:
0x27: {  	s29 =	sadd.s32 s29, s12;
	[bflag:$0x0] =	sbarrier.arrive $0xFFFF;
	(pc) =	sbr.rel @!p1 .LBB2_9-.Ltmp1, $4  }
0x28: {  	[hbm:s29], [sflag:s9] =	dma.local [spmem:s15], $0x2780  }
0x29: {  	_ =	swait.ge [sflag:s16], $0x2780  }
0x2a: {  	[sflag:s16] =	ssyncset.done $0x0  }
0x2b: {  	[sflag:s16] =	ssyncadd.s32 $0xFFFFD880  }
.LBB2_1:
0x2c: {  	[spmem:s15], [sflag:s9] =	dma.local [hbm:s6], $0x2780  }
0x2d: {  	_ =	swait.ge [sflag:s16], $0x2780  }
0x2e: {  	[sflag:s16] =	ssyncset.done $0x0  }
0x2f: {  	[sflag:s16] =	ssyncadd.s32 $0xFFFFD880  }
.Ltmp2:
0x30: {  	[bflag:$0x0] =	sbarrier.arrive $0xFFFF;
	(pc) =	sbr.rel @p0 .LBB2_5-.Ltmp2, $4  }
0x31: {  	[tilespmem:s2], [sflag:$0x5] =	stream.linear.gather [hbm4b:s10+s2], $0xD0, $0x38;
	[tilespmem:$0x1A1A0] =	vst v63  }
0x32: {  	_ =	swait.ge [sflag:s16], $0xD0  }
0x33: {  	[sflag:s16] =	ssyncset.done $0x0  }
0x34: {  	[sflag:s16] =	ssyncadd.s32 $0xFFFFFF30  }
0x35: {  	[tilespmem:s18], [sflag:$0x1] =	stream.indirect.gather [hbm4b:s4+s17], $0x80, s2, s17, $0xb8;
	[tilespmem:$0x1A1A0] =	vst v63  }
0x36: {  	_ = 	snop  }
0x37: {  	[tilespmem:s19], [sflag:$0x4] =	stream.linear.gather [hbm4b:s11+s2], $0xD0, $0x38;
	[tilespmem:$0x1A1A0] =	vst v63  }
0x38: {  	_ =	swait.ge [sflag:s20], $0xD0  }
0x39: {  	[sflag:s20] =	ssyncset.done $0x0  }
0x3a: {  	[sflag:s20] =	ssyncadd.s32 $0xFFFFFF30  }
0x3b: {  	_ =	swait.ge [sflag:s21], $0x3200  }
0x3c: {  	[sflag:s21] =	ssyncset.done $0x0  }
0x3d: {  	[sflag:s21] =	ssyncadd.s32 $0xFFFFCE00  }
0x3e: {  	[tilespmem:s22], [sflag:$0x2] =	stream.indirect.gather [hbm4b:s4+s17], $0x80, s19, s17, $0xb8;
	[tilespmem:$0x1A1A0] =	vst v63  }
0x3f: {  	_ = 	snop  }
0x40: {  	[spmem:s1] =	stream.indirect.scatter.add.f32 [tilespmem:s18], [sflag:$0x5], $0x80, s23, s17, $0xb8;
	[tilespmem:$0x1A1A0] =	vst v63  }
0x41: {  	_ =	swait.ge [sflag:s16], $0x3200  }
0x42: {  	s30 =	sadd.s32 $0xFFFFF60C, s14;
	[sflag:s16] =	ssyncset.done $0x0  }
0x43: {  	s29 =	sadd.s32 $0xA28, s30;
	[sflag:s16] =	ssyncadd.s32 $0xFFFFCE00  }
0x44: {  	[tilespmem:s2], [sflag:$0x3] =	stream.linear.gather [hbm4b:s29+s2], $0xD0, $0x38;
	[tilespmem:$0x1A1A0] =	vst v63  }
0x45: {  	_ =	swait.ge [sflag:s24], $0xD0  }
0x46: {  	[sflag:s24] =	ssyncset.done $0x0  }
0x47: {  	[sflag:s24] =	ssyncadd.s32 $0xFFFFFF30  }
0x48: {  	[tilespmem:s18], [sflag:$0x1] =	stream.indirect.gather [hbm4b:s4+s17], $0x80, s2, s17, $0xb8;
	[tilespmem:$0x1A1A0] =	vst v63  }
0x49: {  	_ =	swait.ge [sflag:s25], $0x3200  }
0x4a: {  	[sflag:s25] =	ssyncset.done $0x0  }
0x4b: {  	[sflag:s25] =	ssyncadd.s32 $0xFFFFCE00  }
0x4c: {  	[spmem:s1] =	stream.indirect.scatter.add.f32 [tilespmem:s22], [sflag:$0x5], $0x80, s26, s17, $0xb8;
	[tilespmem:$0x1A1A0] =	vst v63  }
0x4d: {  	_ =	swait.ge [sflag:s16], $0x3200  }
0x4e: {  	[sflag:s16] =	ssyncset.done $0x0  }
0x4f: {  	s30 =	sadd.s32 $0xA42, s30;
	s29 =	simm.s32 $0xFFFFF640;
	[sflag:s16] =	ssyncadd.s32 $0xFFFFCE00  }
.LBB2_3:
0x50: {  	[tilespmem:s19], [sflag:$0x4] =	stream.linear.gather [hbm4b:s30+s2], $0xD0, $0x38;
	[tilespmem:$0x1A1A0] =	vst v63  }
0x51: {  	s30 =	smov.u32 s29  }
0x52: {  	p1 =	seq.s32 s29, $0xFFFFFFCC;
	s29 =	sadd.s32 $0x34, s29;
	_ =	swait.ge [sflag:s20], $0xD0  }
0x53: {  	[sflag:s20] =	ssyncset.done $0x0  }
0x54: {  	[sflag:s20] =	ssyncadd.s32 $0xFFFFFF30  }
0x55: {  	_ =	swait.ge [sflag:s21], $0x3200  }
0x56: {  	[sflag:s21] =	ssyncset.done $0x0  }
0x57: {  	[sflag:s21] =	ssyncadd.s32 $0xFFFFCE00  }
0x58: {  	[tilespmem:s22], [sflag:$0x2] =	stream.indirect.gather [hbm4b:s4+s17], $0x80, s19, s17, $0xb8;
	[tilespmem:$0x1A1A0] =	vst v63  }
0x59: {  	_ = 	snop  }
0x5a: {  	[spmem:s1] =	stream.indirect.scatter.add.f32 [tilespmem:s18], [sflag:$0x5], $0x80, s23, s17, $0xb8;
	[tilespmem:$0x1A1A0] =	vst v63  }
0x5b: {  	_ =	swait.ge [sflag:s16], $0x3200  }
0x5c: {  	s30 =	sadd.s32 s30, s14;
	[sflag:s16] =	ssyncset.done $0x0  }
0x5d: {  	s31 =	sadd.s32 $0xA28, s30;
	[sflag:s16] =	ssyncadd.s32 $0xFFFFCE00  }
0x5e: {  	[tilespmem:s2], [sflag:$0x3] =	stream.linear.gather [hbm4b:s31+s2], $0xD0, $0x38;
	[tilespmem:$0x1A1A0] =	vst v63  }
0x5f: {  	_ =	swait.ge [sflag:s24], $0xD0  }
0x60: {  	[sflag:s24] =	ssyncset.done $0x0  }
0x61: {  	[sflag:s24] =	ssyncadd.s32 $0xFFFFFF30  }
0x62: {  	[tilespmem:s18], [sflag:$0x1] =	stream.indirect.gather [hbm4b:s4+s17], $0x80, s2, s17, $0xb8;
	[tilespmem:$0x1A1A0] =	vst v63  }
0x63: {  	_ =	swait.ge [sflag:s25], $0x3200  }
0x64: {  	[sflag:s25] =	ssyncset.done $0x0  }
.Ltmp3:
0x65: {  	[sflag:s25] =	ssyncadd.s32 $0xFFFFCE00;
	(pc) =	sbr.rel @!p1 .LBB2_3-.Ltmp3, $4  }
0x66: {  	[spmem:s1] =	stream.indirect.scatter.add.f32 [tilespmem:s22], [sflag:$0x5], $0x80, s26, s17, $0xb8;
	[tilespmem:$0x1A1A0] =	vst v63  }
0x67: {  	_ =	swait.ge [sflag:s16], $0x3200  }
0x68: {  	[sflag:s16] =	ssyncset.done $0x0  }
0x69: {  	s30 =	sadd.s32 $0xA42, s30;
	[sflag:s16] =	ssyncadd.s32 $0xFFFFCE00  }
.Ltmp4:
0x6a: {  	(pc) =	sbr.rel .LBB2_8-.Ltmp4, $3  }
0x6b: {  	_ =	sdelay $0x1  }
0x6c: {  	[tilespmem:s19], [sflag:$0x4] =	stream.linear.gather [hbm4b:s30+s2], $0xD0, $0x38;
	[tilespmem:$0x1A1A0] =	vst v63  }
0x6d: {  	s30 =	smov.u32 s4;
	s29 =	smov.u32 s7  }
.LBB2_5:
0x6e: {  	[tilespmem:s18], [sflag:$0x1] =	stream.indirect.gather [hbm4b:s5+s17], $0x80, s2, s17, $0xb8;
	[tilespmem:$0x1A1A0] =	vst v63  }
0x6f: {  	_ = 	snop  }
0x70: {  	[tilespmem:s19], [sflag:$0x4] =	stream.linear.gather [hbm4b:s11+s2], $0xD0, $0x38;
	[tilespmem:$0x1A1A0] =	vst v63  }
0x71: {  	_ =	swait.ge [sflag:s20], $0xD0  }
0x72: {  	[sflag:s20] =	ssyncset.done $0x0  }
0x73: {  	[sflag:s20] =	ssyncadd.s32 $0xFFFFFF30  }
0x74: {  	_ =	swait.ge [sflag:s21], $0x3200  }
0x75: {  	[sflag:s21] =	ssyncset.done $0x0  }
0x76: {  	[sflag:s21] =	ssyncadd.s32 $0xFFFFCE00  }
0x77: {  	[tilespmem:s22], [sflag:$0x2] =	stream.indirect.gather [hbm4b:s5+s17], $0x80, s19, s17, $0xb8;
	[tilespmem:$0x1A1A0] =	vst v63  }
0x78: {  	_ = 	snop  }
0x79: {  	[spmem:s1] =	stream.indirect.scatter.add.f32 [tilespmem:s18], [sflag:$0x5], $0x80, s23, s17, $0xb8;
	[tilespmem:$0x1A1A0] =	vst v63  }
0x7a: {  	_ =	swait.ge [sflag:s16], $0x3200  }
0x7b: {  	s30 =	sadd.s32 $0xFFFFF60C, s14;
	[sflag:s16] =	ssyncset.done $0x0  }
0x7c: {  	s29 =	sadd.s32 $0xA28, s30;
	[sflag:s16] =	ssyncadd.s32 $0xFFFFCE00  }
0x7d: {  	[tilespmem:s2], [sflag:$0x3] =	stream.linear.gather [hbm4b:s29+s2], $0xD0, $0x38;
	[tilespmem:$0x1A1A0] =	vst v63  }
0x7e: {  	_ =	swait.ge [sflag:s24], $0xD0  }
0x7f: {  	[sflag:s24] =	ssyncset.done $0x0  }
0x80: {  	[sflag:s24] =	ssyncadd.s32 $0xFFFFFF30  }
0x81: {  	[tilespmem:s18], [sflag:$0x1] =	stream.indirect.gather [hbm4b:s5+s17], $0x80, s2, s17, $0xb8;
	[tilespmem:$0x1A1A0] =	vst v63  }
0x82: {  	_ =	swait.ge [sflag:s25], $0x3200  }
0x83: {  	[sflag:s25] =	ssyncset.done $0x0  }
0x84: {  	[sflag:s25] =	ssyncadd.s32 $0xFFFFCE00  }
0x85: {  	[spmem:s1] =	stream.indirect.scatter.add.f32 [tilespmem:s22], [sflag:$0x5], $0x80, s26, s17, $0xb8;
	[tilespmem:$0x1A1A0] =	vst v63  }
0x86: {  	_ =	swait.ge [sflag:s16], $0x3200  }
0x87: {  	[sflag:s16] =	ssyncset.done $0x0  }
0x88: {  	s30 =	sadd.s32 $0xA42, s30;
	s29 =	simm.s32 $0xFFFFF640;
	[sflag:s16] =	ssyncadd.s32 $0xFFFFCE00  }
.LBB2_6:
0x89: {  	[tilespmem:s19], [sflag:$0x4] =	stream.linear.gather [hbm4b:s30+s2], $0xD0, $0x38;
	[tilespmem:$0x1A1A0] =	vst v63  }
0x8a: {  	s30 =	smov.u32 s29  }
0x8b: {  	p1 =	sne.s32 s29, $0xFFFFFFCC;
	s29 =	sadd.s32 $0x34, s29;
	_ =	swait.ge [sflag:s20], $0xD0  }
0x8c: {  	[sflag:s20] =	ssyncset.done $0x0  }
0x8d: {  	[sflag:s20] =	ssyncadd.s32 $0xFFFFFF30  }
0x8e: {  	_ =	swait.ge [sflag:s21], $0x3200  }
0x8f: {  	[sflag:s21] =	ssyncset.done $0x0  }
0x90: {  	[sflag:s21] =	ssyncadd.s32 $0xFFFFCE00  }
0x91: {  	[tilespmem:s22], [sflag:$0x2] =	stream.indirect.gather [hbm4b:s5+s17], $0x80, s19, s17, $0xb8;
	[tilespmem:$0x1A1A0] =	vst v63  }
0x92: {  	_ = 	snop  }
0x93: {  	[spmem:s1] =	stream.indirect.scatter.add.f32 [tilespmem:s18], [sflag:$0x5], $0x80, s23, s17, $0xb8;
	[tilespmem:$0x1A1A0] =	vst v63  }
0x94: {  	_ =	swait.ge [sflag:s16], $0x3200  }
0x95: {  	s30 =	sadd.s32 s30, s14;
	[sflag:s16] =	ssyncset.done $0x0  }
0x96: {  	s31 =	sadd.s32 $0xA28, s30;
	[sflag:s16] =	ssyncadd.s32 $0xFFFFCE00  }
0x97: {  	[tilespmem:s2], [sflag:$0x3] =	stream.linear.gather [hbm4b:s31+s2], $0xD0, $0x38;
	[tilespmem:$0x1A1A0] =	vst v63  }
0x98: {  	_ =	swait.ge [sflag:s24], $0xD0  }
0x99: {  	[sflag:s24] =	ssyncset.done $0x0  }
0x9a: {  	[sflag:s24] =	ssyncadd.s32 $0xFFFFFF30  }
0x9b: {  	[tilespmem:s18], [sflag:$0x1] =	stream.indirect.gather [hbm4b:s5+s17], $0x80, s2, s17, $0xb8;
	[tilespmem:$0x1A1A0] =	vst v63  }
0x9c: {  	_ =	swait.ge [sflag:s25], $0x3200  }
0x9d: {  	[sflag:s25] =	ssyncset.done $0x0  }
.Ltmp5:
0x9e: {  	[sflag:s25] =	ssyncadd.s32 $0xFFFFCE00;
	(pc) =	sbr.rel @p1 .LBB2_6-.Ltmp5, $4  }
0x9f: {  	[spmem:s1] =	stream.indirect.scatter.add.f32 [tilespmem:s22], [sflag:$0x5], $0x80, s26, s17, $0xb8;
	[tilespmem:$0x1A1A0] =	vst v63  }
0xa0: {  	_ =	swait.ge [sflag:s16], $0x3200  }
0xa1: {  	[sflag:s16] =	ssyncset.done $0x0  }
0xa2: {  	s30 =	sadd.s32 $0xA42, s30;
	[sflag:s16] =	ssyncadd.s32 $0xFFFFCE00  }
.Ltmp6:
0xa3: {  	_ = 	snop;
	(pc) =	sbr.rel .LBB2_7-.Ltmp6, $1  }
0xa4: {  	_ =	sdelay $0x3  }
.LBB2_9:
0xa5: {  	_ =	sfence.sel $0x180000  }
0xa6: {  	[bflag:$0x0] =	sbarrier.arrive $0xFFFF  }
0xa7: {  	p0 =	sne.s32 s3, $0x0;
	_ =	strace $0x9000004A  }
0xa8: {  	s0 =	sadd.s32 @!p0 $0x100000, s0;
	[bflag:$0x2] =	sbarrier.arrive $0xFFFF  }
0xa9: {  	[sflag:s0] =	ssyncadd.tile.s32 @!p0 $0x1;
	_ =	shalt  }
.Lfunc_end2:
_tile_overlayer_lowered:
.L_overlay_start_2:
0xaa: {  	(tag) =	ssettag $0x2  }
0xab: {  	s0 =	rddreg [dreg:$0x0];
	s2 =	stileid.u32  }
0xac: {  	s1 =	rddreg [dreg:$0x1];
	p0 =	sne.s32 s2, $0x0  }
0xad: {  	s3 =	rddreg [dreg:$0x2];
	[bflag:$0x3] =	sbarrier.arrive $0xFFFF;
	s2 =	simm.s32 @!p0 $0x1C05  }
0xae: {  	[timem:s3], [sflag:s2] =	dma.local @!p0 [hbm:s0], s1  }
0xaf: {  	s0 =	simm.s32 @!p0 $0x5  }
0xb0: {  	_ =	swait.ge @!p0 [sflag:s0], s1  }
0xb1: {  	s1 =	ssub.s32 @!p0 $0x0, s1;
	[sflag:s0] =	ssyncset.done @!p0 $0x0  }
0xb2: {  	[sflag:s0] =	ssyncadd.s32 @!p0 s1  }
0xb3: {  	[bflag:$0x3] =	sbarrier.arrive $0xFFFF  }
0xb4: {  	_ =	shalt  }

</sc_bundles>
